<compile_context>
chip_gen: v7x
topology: tpu7x:2x2x1
jax: 0.10.2.dev20260603
libtpu: 0.0.44.dev20260713+nightly
codegen_flags: <defaults>
</compile_context>

<pallas_src>
import functools

import jax
import jax.numpy as jnp
from jax import lax
from jax.experimental import pallas as pl
from jax.experimental.pallas import tpu as pltpu
from jax.experimental.pallas import tpu_sc as plsc

MARGIN = 1.0
EPS = 1e-6

D = 512
B = 16384
L = 16
NW = 32
BPW = B // NW
C = 16
NBUF = 2
NCHUNK = BPW // C
DV = D // L
PROWS = BPW // 8

_mesh = plsc.VectorSubcoreMesh(core_axis_name="c", subcore_axis_name="s")


@functools.partial(
    pl.kernel,
    mesh=_mesh,
    out_type=[
        jax.ShapeDtypeStruct((NW * PROWS, 128), jnp.float32),
        jax.ShapeDtypeStruct((NW * PROWS, 128), jnp.float32),
    ],
    scratch_types=[
        pltpu.VMEM((BPW,), jnp.int32),
        pltpu.VMEM((BPW,), jnp.int32),
        pltpu.VMEM((BPW,), jnp.int32),
        *([pltpu.VMEM((C, D), jnp.float32)] * 6),
        pltpu.VMEM((PROWS, 128), jnp.float32),
        pltpu.VMEM((PROWS, 128), jnp.float32),
        *([pltpu.SemaphoreType.DMA] * 2),
    ],
)
def _sc_ssd(table_hbm, ia_hbm, ip_hbm, in_hbm, outp_hbm, outn_hbm,
            ia_v, ip_v, in_v,
            ra0, rp0, rn0, ra1, rp1, rn1,
            ssdp_v, ssdn_v, sem0, sem1):
    wid = lax.axis_index("s") * 2 + lax.axis_index("c")
    pltpu.sync_copy(ia_hbm.at[pl.ds(wid * BPW, BPW)], ia_v)
    pltpu.sync_copy(ip_hbm.at[pl.ds(wid * BPW, BPW)], ip_v)
    pltpu.sync_copy(in_hbm.at[pl.ds(wid * BPW, BPW)], in_v)

    slots = ((ra0, rp0, rn0, sem0), (ra1, rp1, rn1, sem1))

    def issue(g, slot):
        ra, rp, rn, sem = slot
        base = g * C
        pltpu.async_copy(table_hbm.at[ia_v.at[pl.ds(base, C)]], ra, sem)
        pltpu.async_copy(table_hbm.at[ip_v.at[pl.ds(base, C)]], rp, sem)
        pltpu.async_copy(table_hbm.at[in_v.at[pl.ds(base, C)]], rn, sem)

    def wait_slot(slot):
        ra, rp, rn, sem = slot
        dummy = table_hbm.at[pl.ds(0, C)]
        pltpu.make_async_copy(dummy, ra, sem).wait()
        pltpu.make_async_copy(dummy, rp, sem).wait()
        pltpu.make_async_copy(dummy, rn, sem).wait()

    def compute(g, slot):
        ra, rp, rn, _ = slot
        base = g * C

        def trip_body(i, carry2):
            accp = jnp.zeros((L,), jnp.float32)
            accn = jnp.zeros((L,), jnp.float32)
            for j in range(DV):
                a = ra[i, pl.ds(j * L, L)]
                p = rp[i, pl.ds(j * L, L)]
                n = rn[i, pl.ds(j * L, L)]
                t = a + EPS
                dp = t - p
                dn = t - n
                accp = accp + dp * dp
                accn = accn + dn * dn
            t2 = base + i
            row = t2 // 8
            col = (t2 % 8) * L
            ssdp_v[row, pl.ds(col, L)] = accp
            ssdn_v[row, pl.ds(col, L)] = accn
            return carry2

        lax.fori_loop(0, C, trip_body, 0)

    for s in range(NBUF):
        issue(s, slots[s])

    def body4(gg, carry):
        g0 = NBUF * gg
        for s in range(NBUF):
            g = g0 + s
            wait_slot(slots[s])
            compute(g, slots[s])

            @pl.when(g + NBUF < NCHUNK)
            def _():
                issue(g + NBUF, slots[s])

        return carry

    lax.fori_loop(0, NCHUNK // NBUF, body4, 0)

    pltpu.sync_copy(ssdp_v, outp_hbm.at[pl.ds(wid * PROWS, PROWS)])
    pltpu.sync_copy(ssdn_v, outn_hbm.at[pl.ds(wid * PROWS, PROWS)])


def _tc_finish_body(pp_ref, pn_ref, out_ref):
    lanes = lax.broadcasted_iota(jnp.int32, (128, 8), 0) // L
    groups = lax.broadcasted_iota(jnp.int32, (128, 8), 1)
    g_mat = (lanes == groups).astype(jnp.float32)
    sp = jnp.dot(pp_ref[...], g_mat, preferred_element_type=jnp.float32)
    sn = jnp.dot(pn_ref[...], g_mat, preferred_element_type=jnp.float32)
    dp = sp * lax.rsqrt(jnp.maximum(sp, 1e-30))
    dn = sn * lax.rsqrt(jnp.maximum(sn, 1e-30))
    losses = jnp.maximum(dp - dn + MARGIN, 0.0)
    out_ref[...] = jnp.sum(losses).reshape(1, 1) / B


_tc_finish = pl.pallas_call(
    _tc_finish_body,
    out_shape=jax.ShapeDtypeStruct((1, 1), jnp.float32),
)


def kernel(outputs, anchors, positives, negatives):
    ia = anchors.astype(jnp.int32)
    ip = positives.astype(jnp.int32)
    inn = negatives.astype(jnp.int32)
    pp, pn = _sc_ssd(outputs, ia, ip, inn)
    res = _tc_finish(pp, pn)
    return res[0, 0]

# --- scband reference (transcript-rebuilt; emitter-appended) ---
"""Pipeline reference for scband-triplet-loss-mini-batch-12610023981590 (READ-ONLY COPY).

The authoritative reference and input builder live on the scoring server;
editing this copy changes nothing except your own understanding.
"""

import jax, jax.numpy as jnp
import numpy as np

MARGIN = 1.0
EPS = 1e-6

def setup_inputs(seed: int = 0) -> dict:
    key = jax.random.key(seed)
    k0, k1, k2, k3 = jax.random.split(key, 4)
    outputs = jax.random.normal(k0, (100000, 512), dtype=jnp.float32)
    anchors = jax.random.randint(k1, (16384,), 0, 100000, dtype=jnp.int64)
    positives = jax.random.randint(k2, (16384,), 0, 100000, dtype=jnp.int64)
    negatives = jax.random.randint(k3, (16384,), 0, 100000, dtype=jnp.int64)
    return {"outputs": outputs, "anchors": anchors, "positives": positives, "negatives": negatives}

def reference(outputs, anchors, positives, negatives):
    # gather triplet embeddings
    a = jnp.take(outputs, anchors, axis=0)
    p = jnp.take(outputs, positives, axis=0)
    n = jnp.take(outputs, negatives, axis=0)
    # torch.nn.functional.pairwise_distance(p=2, eps=1e-6): ||x1 - x2 + eps||_2 along dim 1
    distance_positive = jnp.sqrt(jnp.sum((a - p + EPS) ** 2, axis=1))
    distance_negative = jnp.sqrt(jnp.sum((a - n + EPS) ** 2, axis=1))
    losses = jax.nn.relu(distance_positive - distance_negative + MARGIN)
    return jnp.mean(losses)

if __name__ == "__main__":
    import jax
    _d = setup_inputs()
    print(jax.jit(kernel)(*tuple(_d.values())))

</pallas_src>

<mosaic_0001>
#map = affine_map<(d0, d1) -> (0, 0)>
#map1 = affine_map<(d0, d1) -> (0)>
module attributes {stable_mosaic.version = 14 : i64} {
  func.func @_sc_ssd(%arg0: i32, %arg1: i32, %arg2: memref<100000x512xf32, #tpu.memory_space<hbm>>, %arg3: memref<16384xi32, #tpu.memory_space<hbm>>, %arg4: memref<16384xi32, #tpu.memory_space<hbm>>, %arg5: memref<16384xi32, #tpu.memory_space<hbm>>, %arg6: memref<2048x128xf32, #tpu.memory_space<hbm>>, %arg7: memref<2048x128xf32, #tpu.memory_space<hbm>>, %arg8: memref<512xi32, #tpu.memory_space<vmem>>, %arg9: memref<512xi32, #tpu.memory_space<vmem>>, %arg10: memref<512xi32, #tpu.memory_space<vmem>>, %arg11: memref<16x512xf32, #tpu.memory_space<vmem>>, %arg12: memref<16x512xf32, #tpu.memory_space<vmem>>, %arg13: memref<16x512xf32, #tpu.memory_space<vmem>>, %arg14: memref<16x512xf32, #tpu.memory_space<vmem>>, %arg15: memref<16x512xf32, #tpu.memory_space<vmem>>, %arg16: memref<16x512xf32, #tpu.memory_space<vmem>>, %arg17: memref<64x128xf32, #tpu.memory_space<vmem>>, %arg18: memref<64x128xf32, #tpu.memory_space<vmem>>, %arg19: memref<!tpu.dma_semaphore, #tpu.memory_space<semaphore_mem>>, %arg20: memref<!tpu.dma_semaphore, #tpu.memory_space<semaphore_mem>>) attributes {dimension_semantics = [#tpu.dimension_semantics<core_parallel>, #tpu.dimension_semantics<subcore_parallel>], iteration_bounds = array<i64: 2, 16>, scalar_prefetch = 0 : i64, scratch_operands = 13 : i64, tpu.core_type = #tpu.core_type<sc_vector_subcore>, window_params = [{transform_indices = #map}, {transform_indices = #map1}, {transform_indices = #map1}, {transform_indices = #map1}, {transform_indices = #map}, {transform_indices = #map}]} {
    %mul3A = arith.constant 2 : i32
    %mul3A_0 = arith.muli %arg1, %mul3A : i32
    %add3A = arith.addi %mul3A_0, %arg0 : i32
    %mul3A_1 = arith.constant 512 : i32
    %mul3A_2 = arith.muli %add3A, %mul3A_1 : i32
    "tpu.region"() ({
      %run_scoped3A = tpu.sem_alloc : memref<!tpu.dma_semaphore, #tpu.memory_space<semaphore_mem>>
      %dma_start3A_45 = tpu.memref_slice %arg3[%mul3A_2] : memref<16384xi32, #tpu.memory_space<hbm>> -> memref<512xi32, #tpu.memory_space<hbm>>
      %dma_start3A_46 = tpu.memref_slice %arg3[%mul3A_2] : memref<16384xi32, #tpu.memory_space<hbm>> -> memref<512xi32, #tpu.memory_space<hbm>>
      tpu.enqueue_dma source(%dma_start3A_46 : memref<512xi32, #tpu.memory_space<hbm>>) target(%arg8 : memref<512xi32, #tpu.memory_space<vmem>>) target_semaphore(%run_scoped3A : memref<!tpu.dma_semaphore, #tpu.memory_space<semaphore_mem>>)
      %dma_wait3A = tpu.memref_slice %arg3[%mul3A_2] : memref<16384xi32, #tpu.memory_space<hbm>> -> memref<512xi32, #tpu.memory_space<hbm>>
      %dma_wait3A_47 = tpu.memref_slice %arg3[%mul3A_2] : memref<16384xi32, #tpu.memory_space<hbm>> -> memref<512xi32, #tpu.memory_space<hbm>>
      tpu.wait_dma2 semaphore(%run_scoped3A : memref<!tpu.dma_semaphore, #tpu.memory_space<semaphore_mem>>) src(%dma_wait3A_47 : memref<512xi32, #tpu.memory_space<hbm>>) dst(%arg8 : memref<512xi32, #tpu.memory_space<vmem>>)
      tpu.yield
    }) : () -> ()
    %mul3A_3 = arith.constant 512 : i32
    %mul3A_4 = arith.muli %add3A, %mul3A_3 : i32
    "tpu.region"() ({
      %run_scoped3A = tpu.sem_alloc : memref<!tpu.dma_semaphore, #tpu.memory_space<semaphore_mem>>
      %dma_start3A_45 = tpu.memref_slice %arg4[%mul3A_4] : memref<16384xi32, #tpu.memory_space<hbm>> -> memref<512xi32, #tpu.memory_space<hbm>>
      %dma_start3A_46 = tpu.memref_slice %arg4[%mul3A_4] : memref<16384xi32, #tpu.memory_space<hbm>> -> memref<512xi32, #tpu.memory_space<hbm>>
      tpu.enqueue_dma source(%dma_start3A_46 : memref<512xi32, #tpu.memory_space<hbm>>) target(%arg9 : memref<512xi32, #tpu.memory_space<vmem>>) target_semaphore(%run_scoped3A : memref<!tpu.dma_semaphore, #tpu.memory_space<semaphore_mem>>)
      %dma_wait3A = tpu.memref_slice %arg4[%mul3A_4] : memref<16384xi32, #tpu.memory_space<hbm>> -> memref<512xi32, #tpu.memory_space<hbm>>
      %dma_wait3A_47 = tpu.memref_slice %arg4[%mul3A_4] : memref<16384xi32, #tpu.memory_space<hbm>> -> memref<512xi32, #tpu.memory_space<hbm>>
      tpu.wait_dma2 semaphore(%run_scoped3A : memref<!tpu.dma_semaphore, #tpu.memory_space<semaphore_mem>>) src(%dma_wait3A_47 : memref<512xi32, #tpu.memory_space<hbm>>) dst(%arg9 : memref<512xi32, #tpu.memory_space<vmem>>)
      tpu.yield
    }) : () -> ()
    %mul3A_5 = arith.constant 512 : i32
    %mul3A_6 = arith.muli %add3A, %mul3A_5 : i32
    "tpu.region"() ({
      %run_scoped3A = tpu.sem_alloc : memref<!tpu.dma_semaphore, #tpu.memory_space<semaphore_mem>>
      %dma_start3A_45 = tpu.memref_slice %arg5[%mul3A_6] : memref<16384xi32, #tpu.memory_space<hbm>> -> memref<512xi32, #tpu.memory_space<hbm>>
      %dma_start3A_46 = tpu.memref_slice %arg5[%mul3A_6] : memref<16384xi32, #tpu.memory_space<hbm>> -> memref<512xi32, #tpu.memory_space<hbm>>
      tpu.enqueue_dma source(%dma_start3A_46 : memref<512xi32, #tpu.memory_space<hbm>>) target(%arg10 : memref<512xi32, #tpu.memory_space<vmem>>) target_semaphore(%run_scoped3A : memref<!tpu.dma_semaphore, #tpu.memory_space<semaphore_mem>>)
      %dma_wait3A = tpu.memref_slice %arg5[%mul3A_6] : memref<16384xi32, #tpu.memory_space<hbm>> -> memref<512xi32, #tpu.memory_space<hbm>>
      %dma_wait3A_47 = tpu.memref_slice %arg5[%mul3A_6] : memref<16384xi32, #tpu.memory_space<hbm>> -> memref<512xi32, #tpu.memory_space<hbm>>
      tpu.wait_dma2 semaphore(%run_scoped3A : memref<!tpu.dma_semaphore, #tpu.memory_space<semaphore_mem>>) src(%dma_wait3A_47 : memref<512xi32, #tpu.memory_space<hbm>>) dst(%arg10 : memref<512xi32, #tpu.memory_space<vmem>>)
      tpu.yield
    }) : () -> ()
    %dma_start3A = arith.constant 0 : i32
    %dma_start3A_7 = tpu.memref_slice %arg8[%dma_start3A] : memref<512xi32, #tpu.memory_space<vmem>> -> memref<16xi32, #tpu.memory_space<vmem>>
    %dma_start3A_8 = arith.constant 0 : i32
    %dma_start3A_9 = arith.constant 0 : i32
    %dma_start3A_10 = tpu.memref_slice %arg2[%dma_start3A_8, %dma_start3A_9] : memref<100000x512xf32, #tpu.memory_space<hbm>> -> memref<100000x512xf32, #tpu.memory_space<hbm>>
    tpu.enqueue_indirect_dma source(%dma_start3A_10 : memref<100000x512xf32, #tpu.memory_space<hbm>>) target(%arg11 : memref<16x512xf32, #tpu.memory_space<vmem>>) offsets(%dma_start3A_7 : memref<16xi32, #tpu.memory_space<vmem>>) semaphore(%arg19 : memref<!tpu.dma_semaphore, #tpu.memory_space<semaphore_mem>>)
    %dma_start3A_11 = arith.constant 0 : i32
    %dma_start3A_12 = tpu.memref_slice %arg9[%dma_start3A_11] : memref<512xi32, #tpu.memory_space<vmem>> -> memref<16xi32, #tpu.memory_space<vmem>>
    %dma_start3A_13 = arith.constant 0 : i32
    %dma_start3A_14 = arith.constant 0 : i32
    %dma_start3A_15 = tpu.memref_slice %arg2[%dma_start3A_13, %dma_start3A_14] : memref<100000x512xf32, #tpu.memory_space<hbm>> -> memref<100000x512xf32, #tpu.memory_space<hbm>>
    tpu.enqueue_indirect_dma source(%dma_start3A_15 : memref<100000x512xf32, #tpu.memory_space<hbm>>) target(%arg12 : memref<16x512xf32, #tpu.memory_space<vmem>>) offsets(%dma_start3A_12 : memref<16xi32, #tpu.memory_space<vmem>>) semaphore(%arg19 : memref<!tpu.dma_semaphore, #tpu.memory_space<semaphore_mem>>)
    %dma_start3A_16 = arith.constant 0 : i32
    %dma_start3A_17 = tpu.memref_slice %arg10[%dma_start3A_16] : memref<512xi32, #tpu.memory_space<vmem>> -> memref<16xi32, #tpu.memory_space<vmem>>
    %dma_start3A_18 = arith.constant 0 : i32
    %dma_start3A_19 = arith.constant 0 : i32
    %dma_start3A_20 = tpu.memref_slice %arg2[%dma_start3A_18, %dma_start3A_19] : memref<100000x512xf32, #tpu.memory_space<hbm>> -> memref<100000x512xf32, #tpu.memory_space<hbm>>
    tpu.enqueue_indirect_dma source(%dma_start3A_20 : memref<100000x512xf32, #tpu.memory_space<hbm>>) target(%arg13 : memref<16x512xf32, #tpu.memory_space<vmem>>) offsets(%dma_start3A_17 : memref<16xi32, #tpu.memory_space<vmem>>) semaphore(%arg19 : memref<!tpu.dma_semaphore, #tpu.memory_space<semaphore_mem>>)
    %dma_start3A_21 = arith.constant 16 : i32
    %dma_start3A_22 = tpu.memref_slice %arg8[%dma_start3A_21] : memref<512xi32, #tpu.memory_space<vmem>> -> memref<16xi32, #tpu.memory_space<vmem>>
    %dma_start3A_23 = arith.constant 0 : i32
    %dma_start3A_24 = arith.constant 0 : i32
    %dma_start3A_25 = tpu.memref_slice %arg2[%dma_start3A_23, %dma_start3A_24] : memref<100000x512xf32, #tpu.memory_space<hbm>> -> memref<100000x512xf32, #tpu.memory_space<hbm>>
    tpu.enqueue_indirect_dma source(%dma_start3A_25 : memref<100000x512xf32, #tpu.memory_space<hbm>>) target(%arg14 : memref<16x512xf32, #tpu.memory_space<vmem>>) offsets(%dma_start3A_22 : memref<16xi32, #tpu.memory_space<vmem>>) semaphore(%arg20 : memref<!tpu.dma_semaphore, #tpu.memory_space<semaphore_mem>>)
    %dma_start3A_26 = arith.constant 16 : i32
    %dma_start3A_27 = tpu.memref_slice %arg9[%dma_start3A_26] : memref<512xi32, #tpu.memory_space<vmem>> -> memref<16xi32, #tpu.memory_space<vmem>>
    %dma_start3A_28 = arith.constant 0 : i32
    %dma_start3A_29 = arith.constant 0 : i32
    %dma_start3A_30 = tpu.memref_slice %arg2[%dma_start3A_28, %dma_start3A_29] : memref<100000x512xf32, #tpu.memory_space<hbm>> -> memref<100000x512xf32, #tpu.memory_space<hbm>>
    tpu.enqueue_indirect_dma source(%dma_start3A_30 : memref<100000x512xf32, #tpu.memory_space<hbm>>) target(%arg15 : memref<16x512xf32, #tpu.memory_space<vmem>>) offsets(%dma_start3A_27 : memref<16xi32, #tpu.memory_space<vmem>>) semaphore(%arg20 : memref<!tpu.dma_semaphore, #tpu.memory_space<semaphore_mem>>)
    %dma_start3A_31 = arith.constant 16 : i32
    %dma_start3A_32 = tpu.memref_slice %arg10[%dma_start3A_31] : memref<512xi32, #tpu.memory_space<vmem>> -> memref<16xi32, #tpu.memory_space<vmem>>
    %dma_start3A_33 = arith.constant 0 : i32
    %dma_start3A_34 = arith.constant 0 : i32
    %dma_start3A_35 = tpu.memref_slice %arg2[%dma_start3A_33, %dma_start3A_34] : memref<100000x512xf32, #tpu.memory_space<hbm>> -> memref<100000x512xf32, #tpu.memory_space<hbm>>
    tpu.enqueue_indirect_dma source(%dma_start3A_35 : memref<100000x512xf32, #tpu.memory_space<hbm>>) target(%arg16 : memref<16x512xf32, #tpu.memory_space<vmem>>) offsets(%dma_start3A_32 : memref<16xi32, #tpu.memory_space<vmem>>) semaphore(%arg20 : memref<!tpu.dma_semaphore, #tpu.memory_space<semaphore_mem>>)
    %scan3A = arith.constant 0 : i32
    %scan3A_36 = arith.constant 0 : i32
    %scan3A_37 = arith.constant 16 : i32
    %scan3A_38 = arith.addi %scan3A_36, %scan3A_37 : i32
    %scan3A_39 = arith.constant 1 : i32
    scf.for %scan3A_45 = %scan3A_36 to %scan3A_38 step %scan3A_39  : i32 {
      %mul3A_46 = arith.constant 2 : i32
      %mul3A_47 = arith.muli %mul3A_46, %scan3A_45 : i32
      %add3A_48 = arith.constant 0 : i32
      %add3A_49 = arith.addi %mul3A_47, %add3A_48 : i32
      %dma_wait3A = arith.constant 0 : i32
      %dma_wait3A_50 = arith.constant 0 : i32
      %dma_wait3A_51 = tpu.memref_slice %arg2[%dma_wait3A, %dma_wait3A_50] : memref<100000x512xf32, #tpu.memory_space<hbm>> -> memref<16x512xf32, #tpu.memory_space<hbm>>
      %dma_wait3A_52 = arith.constant 0 : i32
      %dma_wait3A_53 = arith.constant 0 : i32
      %dma_wait3A_54 = tpu.memref_slice %arg2[%dma_wait3A_52, %dma_wait3A_53] : memref<100000x512xf32, #tpu.memory_space<hbm>> -> memref<16x512xf32, #tpu.memory_space<hbm>>
      tpu.wait_dma2 semaphore(%arg19 : memref<!tpu.dma_semaphore, #tpu.memory_space<semaphore_mem>>) src(%dma_wait3A_54 : memref<16x512xf32, #tpu.memory_space<hbm>>) dst(%arg11 : memref<16x512xf32, #tpu.memory_space<vmem>>)
      %dma_wait3A_55 = arith.constant 0 : i32
      %dma_wait3A_56 = arith.constant 0 : i32
      %dma_wait3A_57 = tpu.memref_slice %arg2[%dma_wait3A_55, %dma_wait3A_56] : memref<100000x512xf32, #tpu.memory_space<hbm>> -> memref<16x512xf32, #tpu.memory_space<hbm>>
      %dma_wait3A_58 = arith.constant 0 : i32
      %dma_wait3A_59 = arith.constant 0 : i32
      %dma_wait3A_60 = tpu.memref_slice %arg2[%dma_wait3A_58, %dma_wait3A_59] : memref<100000x512xf32, #tpu.memory_space<hbm>> -> memref<16x512xf32, #tpu.memory_space<hbm>>
      tpu.wait_dma2 semaphore(%arg19 : memref<!tpu.dma_semaphore, #tpu.memory_space<semaphore_mem>>) src(%dma_wait3A_60 : memref<16x512xf32, #tpu.memory_space<hbm>>) dst(%arg12 : memref<16x512xf32, #tpu.memory_space<vmem>>)
      %dma_wait3A_61 = arith.constant 0 : i32
      %dma_wait3A_62 = arith.constant 0 : i32
      %dma_wait3A_63 = tpu.memref_slice %arg2[%dma_wait3A_61, %dma_wait3A_62] : memref<100000x512xf32, #tpu.memory_space<hbm>> -> memref<16x512xf32, #tpu.memory_space<hbm>>
      %dma_wait3A_64 = arith.constant 0 : i32
      %dma_wait3A_65 = arith.constant 0 : i32
      %dma_wait3A_66 = tpu.memref_slice %arg2[%dma_wait3A_64, %dma_wait3A_65] : memref<100000x512xf32, #tpu.memory_space<hbm>> -> memref<16x512xf32, #tpu.memory_space<hbm>>
      tpu.wait_dma2 semaphore(%arg19 : memref<!tpu.dma_semaphore, #tpu.memory_space<semaphore_mem>>) src(%dma_wait3A_66 : memref<16x512xf32, #tpu.memory_space<hbm>>) dst(%arg13 : memref<16x512xf32, #tpu.memory_space<vmem>>)
      %mul3A_67 = arith.constant 16 : i32
      %mul3A_68 = arith.muli %add3A_49, %mul3A_67 : i32
      %scan3A_69 = arith.constant 0 : i32
      %scan3A_70 = arith.constant 0 : i32
      %scan3A_71 = arith.constant 16 : i32
      %scan3A_72 = arith.addi %scan3A_70, %scan3A_71 : i32
      %scan3A_73 = arith.constant 1 : i32
      scf.for %scan3A_114 = %scan3A_70 to %scan3A_72 step %scan3A_73  : i32 {
        %broadcast_in_dim3A = arith.constant 0.000000e+00 : f32
        %broadcast_in_dim3A_115 = vector.broadcast %broadcast_in_dim3A : f32 to vector<16xf32>
        %broadcast_in_dim3A_116 = arith.constant 0.000000e+00 : f32
        %broadcast_in_dim3A_117 = vector.broadcast %broadcast_in_dim3A_116 : f32 to vector<16xf32>
        %get3A = arith.index_cast %scan3A_114 : i32 to index
        %get3A_118 = arith.constant 0 : index
        %get3A_119 = tpu.vector_load %arg11[%get3A, %get3A_118] {strides = array<i32>} : memref<16x512xf32, #tpu.memory_space<vmem>>, vector<1x16xf32>,
        %get3A_120 = vector.shape_cast %get3A_119 : vector<1x16xf32> to vector<16xf32>
        %get3A_121 = arith.index_cast %scan3A_114 : i32 to index
        %get3A_122 = arith.constant 0 : index
        %get3A_123 = tpu.vector_load %arg12[%get3A_121, %get3A_122] {strides = array<i32>} : memref<16x512xf32, #tpu.memory_space<vmem>>, vector<1x16xf32>,
        %get3A_124 = vector.shape_cast %get3A_123 : vector<1x16xf32> to vector<16xf32>
        %get3A_125 = arith.index_cast %scan3A_114 : i32 to index
        %get3A_126 = arith.constant 0 : index
        %get3A_127 = tpu.vector_load %arg13[%get3A_125, %get3A_126] {strides = array<i32>} : memref<16x512xf32, #tpu.memory_space<vmem>>, vector<1x16xf32>,
        %get3A_128 = vector.shape_cast %get3A_127 : vector<1x16xf32> to vector<16xf32>
        %add3A_129 = arith.constant 9.99999997E-7 : f32
        %add3A_130 = vector.broadcast %add3A_129 : f32 to vector<16xf32>
        %add3A_131 = arith.addf %get3A_120, %add3A_130 : vector<16xf32>
        %sub3A = arith.subf %add3A_131, %get3A_124 : vector<16xf32>
        %sub3A_132 = arith.subf %add3A_131, %get3A_128 : vector<16xf32>
        %mul3A_133 = arith.mulf %sub3A, %sub3A : vector<16xf32>
        %add3A_134 = arith.addf %broadcast_in_dim3A_115, %mul3A_133 : vector<16xf32>
        %mul3A_135 = arith.mulf %sub3A_132, %sub3A_132 : vector<16xf32>
        %add3A_136 = arith.addf %broadcast_in_dim3A_117, %mul3A_135 : vector<16xf32>
        %get3A_137 = arith.index_cast %scan3A_114 : i32 to index
        %get3A_138 = arith.constant 16 : index
        %get3A_139 = tpu.vector_load %arg11[%get3A_137, %get3A_138] {strides = array<i32>} : memref<16x512xf32, #tpu.memory_space<vmem>>, vector<1x16xf32>,
        %get3A_140 = vector.shape_cast %get3A_139 : vector<1x16xf32> to vector<16xf32>
        %get3A_141 = arith.index_cast %scan3A_114 : i32 to index
        %get3A_142 = arith.constant 16 : index
        %get3A_143 = tpu.vector_load %arg12[%get3A_141, %get3A_142] {strides = array<i32>} : memref<16x512xf32, #tpu.memory_space<vmem>>, vector<1x16xf32>,
        %get3A_144 = vector.shape_cast %get3A_143 : vector<1x16xf32> to vector<16xf32>
        %get3A_145 = arith.index_cast %scan3A_114 : i32 to index
        %get3A_146 = arith.constant 16 : index
        %get3A_147 = tpu.vector_load %arg13[%get3A_145, %get3A_146] {strides = array<i32>} : memref<16x512xf32, #tpu.memory_space<vmem>>, vector<1x16xf32>,
        %get3A_148 = vector.shape_cast %get3A_147 : vector<1x16xf32> to vector<16xf32>
        %add3A_149 = arith.constant 9.99999997E-7 : f32
        %add3A_150 = vector.broadcast %add3A_149 : f32 to vector<16xf32>
        %add3A_151 = arith.addf %get3A_140, %add3A_150 : vector<16xf32>
        %sub3A_152 = arith.subf %add3A_151, %get3A_144 : vector<16xf32>
        %sub3A_153 = arith.subf %add3A_151, %get3A_148 : vector<16xf32>
        %mul3A_154 = arith.mulf %sub3A_152, %sub3A_152 : vector<16xf32>
        %add3A_155 = arith.addf %add3A_134, %mul3A_154 : vector<16xf32>
        %mul3A_156 = arith.mulf %sub3A_153, %sub3A_153 : vector<16xf32>
        %add3A_157 = arith.addf %add3A_136, %mul3A_156 : vector<16xf32>
        %get3A_158 = arith.index_cast %scan3A_114 : i32 to index
        %get3A_159 = arith.constant 32 : index
        %get3A_160 = tpu.vector_load %arg11[%get3A_158, %get3A_159] {strides = array<i32>} : memref<16x512xf32, #tpu.memory_space<vmem>>, vector<1x16xf32>,
        %get3A_161 = vector.shape_cast %get3A_160 : vector<1x16xf32> to vector<16xf32>
        %get3A_162 = arith.index_cast %scan3A_114 : i32 to index
        %get3A_163 = arith.constant 32 : index
        %get3A_164 = tpu.vector_load %arg12[%get3A_162, %get3A_163] {strides = array<i32>} : memref<16x512xf32, #tpu.memory_space<vmem>>, vector<1x16xf32>,
        %get3A_165 = vector.shape_cast %get3A_164 : vector<1x16xf32> to vector<16xf32>
        %get3A_166 = arith.index_cast %scan3A_114 : i32 to index
        %get3A_167 = arith.constant 32 : index
        %get3A_168 = tpu.vector_load %arg13[%get3A_166, %get3A_167] {strides = array<i32>} : memref<16x512xf32, #tpu.memory_space<vmem>>, vector<1x16xf32>,
        %get3A_169 = vector.shape_cast %get3A_168 : vector<1x16xf32> to vector<16xf32>
        %add3A_170 = arith.constant 9.99999997E-7 : f32
        %add3A_171 = vector.broadcast %add3A_170 : f32 to vector<16xf32>
        %add3A_172 = arith.addf %get3A_161, %add3A_171 : vector<16xf32>
        %sub3A_173 = arith.subf %add3A_172, %get3A_165 : vector<16xf32>
        %sub3A_174 = arith.subf %add3A_172, %get3A_169 : vector<16xf32>
        %mul3A_175 = arith.mulf %sub3A_173, %sub3A_173 : vector<16xf32>
        %add3A_176 = arith.addf %add3A_155, %mul3A_175 : vector<16xf32>
        %mul3A_177 = arith.mulf %sub3A_174, %sub3A_174 : vector<16xf32>
        %add3A_178 = arith.addf %add3A_157, %mul3A_177 : vector<16xf32>
        %get3A_179 = arith.index_cast %scan3A_114 : i32 to index
        %get3A_180 = arith.constant 48 : index
        %get3A_181 = tpu.vector_load %arg11[%get3A_179, %get3A_180] {strides = array<i32>} : memref<16x512xf32, #tpu.memory_space<vmem>>, vector<1x16xf32>,
        %get3A_182 = vector.shape_cast %get3A_181 : vector<1x16xf32> to vector<16xf32>
        %get3A_183 = arith.index_cast %scan3A_114 : i32 to index
        %get3A_184 = arith.constant 48 : index
        %get3A_185 = tpu.vector_load %arg12[%get3A_183, %get3A_184] {strides = array<i32>} : memref<16x512xf32, #tpu.memory_space<vmem>>, vector<1x16xf32>,
        %get3A_186 = vector.shape_cast %get3A_185 : vector<1x16xf32> to vector<16xf32>
        %get3A_187 = arith.index_cast %scan3A_114 : i32 to index
        %get3A_188 = arith.constant 48 : index
        %get3A_189 = tpu.vector_load %arg13[%get3A_187, %get3A_188] {strides = array<i32>} : memref<16x512xf32, #tpu.memory_space<vmem>>, vector<1x16xf32>,
        %get3A_190 = vector.shape_cast %get3A_189 : vector<1x16xf32> to vector<16xf32>
        %add3A_191 = arith.constant 9.99999997E-7 : f32
        %add3A_192 = vector.broadcast %add3A_191 : f32 to vector<16xf32>
        %add3A_193 = arith.addf %get3A_182, %add3A_192 : vector<16xf32>
        %sub3A_194 = arith.subf %add3A_193, %get3A_186 : vector<16xf32>
        %sub3A_195 = arith.subf %add3A_193, %get3A_190 : vector<16xf32>
        %mul3A_196 = arith.mulf %sub3A_194, %sub3A_194 : vector<16xf32>
        %add3A_197 = arith.addf %add3A_176, %mul3A_196 : vector<16xf32>
        %mul3A_198 = arith.mulf %sub3A_195, %sub3A_195 : vector<16xf32>
        %add3A_199 = arith.addf %add3A_178, %mul3A_198 : vector<16xf32>
        %get3A_200 = arith.index_cast %scan3A_114 : i32 to index
        %get3A_201 = arith.constant 64 : index
        %get3A_202 = tpu.vector_load %arg11[%get3A_200, %get3A_201] {strides = array<i32>} : memref<16x512xf32, #tpu.memory_space<vmem>>, vector<1x16xf32>,
        %get3A_203 = vector.shape_cast %get3A_202 : vector<1x16xf32> to vector<16xf32>
        %get3A_204 = arith.index_cast %scan3A_114 : i32 to index
        %get3A_205 = arith.constant 64 : index
        %get3A_206 = tpu.vector_load %arg12[%get3A_204, %get3A_205] {strides = array<i32>} : memref<16x512xf32, #tpu.memory_space<vmem>>, vector<1x16xf32>,
        %get3A_207 = vector.shape_cast %get3A_206 : vector<1x16xf32> to vector<16xf32>
        %get3A_208 = arith.index_cast %scan3A_114 : i32 to index
        %get3A_209 = arith.constant 64 : index
        %get3A_210 = tpu.vector_load %arg13[%get3A_208, %get3A_209] {strides = array<i32>} : memref<16x512xf32, #tpu.memory_space<vmem>>, vector<1x16xf32>,
        %get3A_211 = vector.shape_cast %get3A_210 : vector<1x16xf32> to vector<16xf32>
        %add3A_212 = arith.constant 9.99999997E-7 : f32
        %add3A_213 = vector.broadcast %add3A_212 : f32 to vector<16xf32>
        %add3A_214 = arith.addf %get3A_203, %add3A_213 : vector<16xf32>
        %sub3A_215 = arith.subf %add3A_214, %get3A_207 : vector<16xf32>
        %sub3A_216 = arith.subf %add3A_214, %get3A_211 : vector<16xf32>
        %mul3A_217 = arith.mulf %sub3A_215, %sub3A_215 : vector<16xf32>
        %add3A_218 = arith.addf %add3A_197, %mul3A_217 : vector<16xf32>
        %mul3A_219 = arith.mulf %sub3A_216, %sub3A_216 : vector<16xf32>
        %add3A_220 = arith.addf %add3A_199, %mul3A_219 : vector<16xf32>
        %get3A_221 = arith.index_cast %scan3A_114 : i32 to index
        %get3A_222 = arith.constant 80 : index
        %get3A_223 = tpu.vector_load %arg11[%get3A_221, %get3A_222] {strides = array<i32>} : memref<16x512xf32, #tpu.memory_space<vmem>>, vector<1x16xf32>,
        %get3A_224 = vector.shape_cast %get3A_223 : vector<1x16xf32> to vector<16xf32>
        %get3A_225 = arith.index_cast %scan3A_114 : i32 to index
        %get3A_226 = arith.constant 80 : index
        %get3A_227 = tpu.vector_load %arg12[%get3A_225, %get3A_226] {strides = array<i32>} : memref<16x512xf32, #tpu.memory_space<vmem>>, vector<1x16xf32>,
        %get3A_228 = vector.shape_cast %get3A_227 : vector<1x16xf32> to vector<16xf32>
        %get3A_229 = arith.index_cast %scan3A_114 : i32 to index
        %get3A_230 = arith.constant 80 : index
        %get3A_231 = tpu.vector_load %arg13[%get3A_229, %get3A_230] {strides = array<i32>} : memref<16x512xf32, #tpu.memory_space<vmem>>, vector<1x16xf32>,
        %get3A_232 = vector.shape_cast %get3A_231 : vector<1x16xf32> to vector<16xf32>
        %add3A_233 = arith.constant 9.99999997E-7 : f32
        %add3A_234 = vector.broadcast %add3A_233 : f32 to vector<16xf32>
        %add3A_235 = arith.addf %get3A_224, %add3A_234 : vector<16xf32>
        %sub3A_236 = arith.subf %add3A_235, %get3A_228 : vector<16xf32>
        %sub3A_237 = arith.subf %add3A_235, %get3A_232 : vector<16xf32>
        %mul3A_238 = arith.mulf %sub3A_236, %sub3A_236 : vector<16xf32>
        %add3A_239 = arith.addf %add3A_218, %mul3A_238 : vector<16xf32>
        %mul3A_240 = arith.mulf %sub3A_237, %sub3A_237 : vector<16xf32>
        %add3A_241 = arith.addf %add3A_220, %mul3A_240 : vector<16xf32>
        %get3A_242 = arith.index_cast %scan3A_114 : i32 to index
        %get3A_243 = arith.constant 96 : index
        %get3A_244 = tpu.vector_load %arg11[%get3A_242, %get3A_243] {strides = array<i32>} : memref<16x512xf32, #tpu.memory_space<vmem>>, vector<1x16xf32>,
        %get3A_245 = vector.shape_cast %get3A_244 : vector<1x16xf32> to vector<16xf32>
        %get3A_246 = arith.index_cast %scan3A_114 : i32 to index
        %get3A_247 = arith.constant 96 : index
        %get3A_248 = tpu.vector_load %arg12[%get3A_246, %get3A_247] {strides = array<i32>} : memref<16x512xf32, #tpu.memory_space<vmem>>, vector<1x16xf32>,
        %get3A_249 = vector.shape_cast %get3A_248 : vector<1x16xf32> to vector<16xf32>
        %get3A_250 = arith.index_cast %scan3A_114 : i32 to index
        %get3A_251 = arith.constant 96 : index
        %get3A_252 = tpu.vector_load %arg13[%get3A_250, %get3A_251] {strides = array<i32>} : memref<16x512xf32, #tpu.memory_space<vmem>>, vector<1x16xf32>,
        %get3A_253 = vector.shape_cast %get3A_252 : vector<1x16xf32> to vector<16xf32>
        %add3A_254 = arith.constant 9.99999997E-7 : f32
        %add3A_255 = vector.broadcast %add3A_254 : f32 to vector<16xf32>
        %add3A_256 = arith.addf %get3A_245, %add3A_255 : vector<16xf32>
        %sub3A_257 = arith.subf %add3A_256, %get3A_249 : vector<16xf32>
        %sub3A_258 = arith.subf %add3A_256, %get3A_253 : vector<16xf32>
        %mul3A_259 = arith.mulf %sub3A_257, %sub3A_257 : vector<16xf32>
        %add3A_260 = arith.addf %add3A_239, %mul3A_259 : vector<16xf32>
        %mul3A_261 = arith.mulf %sub3A_258, %sub3A_258 : vector<16xf32>
        %add3A_262 = arith.addf %add3A_241, %mul3A_261 : vector<16xf32>
        %get3A_263 = arith.index_cast %scan3A_114 : i32 to index
        %get3A_264 = arith.constant 112 : index
        %get3A_265 = tpu.vector_load %arg11[%get3A_263, %get3A_264] {strides = array<i32>} : memref<16x512xf32, #tpu.memory_space<vmem>>, vector<1x16xf32>,
        %get3A_266 = vector.shape_cast %get3A_265 : vector<1x16xf32> to vector<16xf32>
        %get3A_267 = arith.index_cast %scan3A_114 : i32 to index
        %get3A_268 = arith.constant 112 : index
        %get3A_269 = tpu.vector_load %arg12[%get3A_267, %get3A_268] {strides = array<i32>} : memref<16x512xf32, #tpu.memory_space<vmem>>, vector<1x16xf32>,
        %get3A_270 = vector.shape_cast %get3A_269 : vector<1x16xf32> to vector<16xf32>
        %get3A_271 = arith.index_cast %scan3A_114 : i32 to index
        %get3A_272 = arith.constant 112 : index
        %get3A_273 = tpu.vector_load %arg13[%get3A_271, %get3A_272] {strides = array<i32>} : memref<16x512xf32, #tpu.memory_space<vmem>>, vector<1x16xf32>,
        %get3A_274 = vector.shape_cast %get3A_273 : vector<1x16xf32> to vector<16xf32>
        %add3A_275 = arith.constant 9.99999997E-7 : f32
        %add3A_276 = vector.broadcast %add3A_275 : f32 to vector<16xf32>
        %add3A_277 = arith.addf %get3A_266, %add3A_276 : vector<16xf32>
        %sub3A_278 = arith.subf %add3A_277, %get3A_270 : vector<16xf32>
        %sub3A_279 = arith.subf %add3A_277, %get3A_274 : vector<16xf32>
        %mul3A_280 = arith.mulf %sub3A_278, %sub3A_278 : vector<16xf32>
        %add3A_281 = arith.addf %add3A_260, %mul3A_280 : vector<16xf32>
        %mul3A_282 = arith.mulf %sub3A_279, %sub3A_279 : vector<16xf32>
        %add3A_283 = arith.addf %add3A_262, %mul3A_282 : vector<16xf32>
        %get3A_284 = arith.index_cast %scan3A_114 : i32 to index
        %get3A_285 = arith.constant 128 : index
        %get3A_286 = tpu.vector_load %arg11[%get3A_284, %get3A_285] {strides = array<i32>} : memref<16x512xf32, #tpu.memory_space<vmem>>, vector<1x16xf32>,
        %get3A_287 = vector.shape_cast %get3A_286 : vector<1x16xf32> to vector<16xf32>
        %get3A_288 = arith.index_cast %scan3A_114 : i32 to index
        %get3A_289 = arith.constant 128 : index
        %get3A_290 = tpu.vector_load %arg12[%get3A_288, %get3A_289] {strides = array<i32>} : memref<16x512xf32, #tpu.memory_space<vmem>>, vector<1x16xf32>,
        %get3A_291 = vector.shape_cast %get3A_290 : vector<1x16xf32> to vector<16xf32>
        %get3A_292 = arith.index_cast %scan3A_114 : i32 to index
        %get3A_293 = arith.constant 128 : index
        %get3A_294 = tpu.vector_load %arg13[%get3A_292, %get3A_293] {strides = array<i32>} : memref<16x512xf32, #tpu.memory_space<vmem>>, vector<1x16xf32>,
        %get3A_295 = vector.shape_cast %get3A_294 : vector<1x16xf32> to vector<16xf32>
        %add3A_296 = arith.constant 9.99999997E-7 : f32
        %add3A_297 = vector.broadcast %add3A_296 : f32 to vector<16xf32>
        %add3A_298 = arith.addf %get3A_287, %add3A_297 : vector<16xf32>
        %sub3A_299 = arith.subf %add3A_298, %get3A_291 : vector<16xf32>
        %sub3A_300 = arith.subf %add3A_298, %get3A_295 : vector<16xf32>
        %mul3A_301 = arith.mulf %sub3A_299, %sub3A_299 : vector<16xf32>
        %add3A_302 = arith.addf %add3A_281, %mul3A_301 : vector<16xf32>
        %mul3A_303 = arith.mulf %sub3A_300, %sub3A_300 : vector<16xf32>
        %add3A_304 = arith.addf %add3A_283, %mul3A_303 : vector<16xf32>
        %get3A_305 = arith.index_cast %scan3A_114 : i32 to index
        %get3A_306 = arith.constant 144 : index
        %get3A_307 = tpu.vector_load %arg11[%get3A_305, %get3A_306] {strides = array<i32>} : memref<16x512xf32, #tpu.memory_space<vmem>>, vector<1x16xf32>,
        %get3A_308 = vector.shape_cast %get3A_307 : vector<1x16xf32> to vector<16xf32>
        %get3A_309 = arith.index_cast %scan3A_114 : i32 to index
        %get3A_310 = arith.constant 144 : index
        %get3A_311 = tpu.vector_load %arg12[%get3A_309, %get3A_310] {strides = array<i32>} : memref<16x512xf32, #tpu.memory_space<vmem>>, vector<1x16xf32>,
        %get3A_312 = vector.shape_cast %get3A_311 : vector<1x16xf32> to vector<16xf32>
        %get3A_313 = arith.index_cast %scan3A_114 : i32 to index
        %get3A_314 = arith.constant 144 : index
        %get3A_315 = tpu.vector_load %arg13[%get3A_313, %get3A_314] {strides = array<i32>} : memref<16x512xf32, #tpu.memory_space<vmem>>, vector<1x16xf32>,
        %get3A_316 = vector.shape_cast %get3A_315 : vector<1x16xf32> to vector<16xf32>
        %add3A_317 = arith.constant 9.99999997E-7 : f32
        %add3A_318 = vector.broadcast %add3A_317 : f32 to vector<16xf32>
        %add3A_319 = arith.addf %get3A_308, %add3A_318 : vector<16xf32>
        %sub3A_320 = arith.subf %add3A_319, %get3A_312 : vector<16xf32>
        %sub3A_321 = arith.subf %add3A_319, %get3A_316 : vector<16xf32>
        %mul3A_322 = arith.mulf %sub3A_320, %sub3A_320 : vector<16xf32>
        %add3A_323 = arith.addf %add3A_302, %mul3A_322 : vector<16xf32>
        %mul3A_324 = arith.mulf %sub3A_321, %sub3A_321 : vector<16xf32>
        %add3A_325 = arith.addf %add3A_304, %mul3A_324 : vector<16xf32>
        %get3A_326 = arith.index_cast %scan3A_114 : i32 to index
        %get3A_327 = arith.constant 160 : index
        %get3A_328 = tpu.vector_load %arg11[%get3A_326, %get3A_327] {strides = array<i32>} : memref<16x512xf32, #tpu.memory_space<vmem>>, vector<1x16xf32>,
        %get3A_329 = vector.shape_cast %get3A_328 : vector<1x16xf32> to vector<16xf32>
        %get3A_330 = arith.index_cast %scan3A_114 : i32 to index
        %get3A_331 = arith.constant 160 : index
        %get3A_332 = tpu.vector_load %arg12[%get3A_330, %get3A_331] {strides = array<i32>} : memref<16x512xf32, #tpu.memory_space<vmem>>, vector<1x16xf32>,
        %get3A_333 = vector.shape_cast %get3A_332 : vector<1x16xf32> to vector<16xf32>
        %get3A_334 = arith.index_cast %scan3A_114 : i32 to index
        %get3A_335 = arith.constant 160 : index
        %get3A_336 = tpu.vector_load %arg13[%get3A_334, %get3A_335] {strides = array<i32>} : memref<16x512xf32, #tpu.memory_space<vmem>>, vector<1x16xf32>,
        %get3A_337 = vector.shape_cast %get3A_336 : vector<1x16xf32> to vector<16xf32>
        %add3A_338 = arith.constant 9.99999997E-7 : f32
        %add3A_339 = vector.broadcast %add3A_338 : f32 to vector<16xf32>
        %add3A_340 = arith.addf %get3A_329, %add3A_339 : vector<16xf32>
        %sub3A_341 = arith.subf %add3A_340, %get3A_333 : vector<16xf32>
        %sub3A_342 = arith.subf %add3A_340, %get3A_337 : vector<16xf32>
        %mul3A_343 = arith.mulf %sub3A_341, %sub3A_341 : vector<16xf32>
        %add3A_344 = arith.addf %add3A_323, %mul3A_343 : vector<16xf32>
        %mul3A_345 = arith.mulf %sub3A_342, %sub3A_342 : vector<16xf32>
        %add3A_346 = arith.addf %add3A_325, %mul3A_345 : vector<16xf32>
        %get3A_347 = arith.index_cast %scan3A_114 : i32 to index
        %get3A_348 = arith.constant 176 : index
        %get3A_349 = tpu.vector_load %arg11[%get3A_347, %get3A_348] {strides = array<i32>} : memref<16x512xf32, #tpu.memory_space<vmem>>, vector<1x16xf32>,
        %get3A_350 = vector.shape_cast %get3A_349 : vector<1x16xf32> to vector<16xf32>
        %get3A_351 = arith.index_cast %scan3A_114 : i32 to index
        %get3A_352 = arith.constant 176 : index
        %get3A_353 = tpu.vector_load %arg12[%get3A_351, %get3A_352] {strides = array<i32>} : memref<16x512xf32, #tpu.memory_space<vmem>>, vector<1x16xf32>,
        %get3A_354 = vector.shape_cast %get3A_353 : vector<1x16xf32> to vector<16xf32>
        %get3A_355 = arith.index_cast %scan3A_114 : i32 to index
        %get3A_356 = arith.constant 176 : index
        %get3A_357 = tpu.vector_load %arg13[%get3A_355, %get3A_356] {strides = array<i32>} : memref<16x512xf32, #tpu.memory_space<vmem>>, vector<1x16xf32>,
        %get3A_358 = vector.shape_cast %get3A_357 : vector<1x16xf32> to vector<16xf32>
        %add3A_359 = arith.constant 9.99999997E-7 : f32
        %add3A_360 = vector.broadcast %add3A_359 : f32 to vector<16xf32>
        %add3A_361 = arith.addf %get3A_350, %add3A_360 : vector<16xf32>
        %sub3A_362 = arith.subf %add3A_361, %get3A_354 : vector<16xf32>
        %sub3A_363 = arith.subf %add3A_361, %get3A_358 : vector<16xf32>
        %mul3A_364 = arith.mulf %sub3A_362, %sub3A_362 : vector<16xf32>
        %add3A_365 = arith.addf %add3A_344, %mul3A_364 : vector<16xf32>
        %mul3A_366 = arith.mulf %sub3A_363, %sub3A_363 : vector<16xf32>
        %add3A_367 = arith.addf %add3A_346, %mul3A_366 : vector<16xf32>
        %get3A_368 = arith.index_cast %scan3A_114 : i32 to index
        %get3A_369 = arith.constant 192 : index
        %get3A_370 = tpu.vector_load %arg11[%get3A_368, %get3A_369] {strides = array<i32>} : memref<16x512xf32, #tpu.memory_space<vmem>>, vector<1x16xf32>,
        %get3A_371 = vector.shape_cast %get3A_370 : vector<1x16xf32> to vector<16xf32>
        %get3A_372 = arith.index_cast %scan3A_114 : i32 to index
        %get3A_373 = arith.constant 192 : index
        %get3A_374 = tpu.vector_load %arg12[%get3A_372, %get3A_373] {strides = array<i32>} : memref<16x512xf32, #tpu.memory_space<vmem>>, vector<1x16xf32>,
        %get3A_375 = vector.shape_cast %get3A_374 : vector<1x16xf32> to vector<16xf32>
        %get3A_376 = arith.index_cast %scan3A_114 : i32 to index
        %get3A_377 = arith.constant 192 : index
        %get3A_378 = tpu.vector_load %arg13[%get3A_376, %get3A_377] {strides = array<i32>} : memref<16x512xf32, #tpu.memory_space<vmem>>, vector<1x16xf32>,
        %get3A_379 = vector.shape_cast %get3A_378 : vector<1x16xf32> to vector<16xf32>
        %add3A_380 = arith.constant 9.99999997E-7 : f32
        %add3A_381 = vector.broadcast %add3A_380 : f32 to vector<16xf32>
        %add3A_382 = arith.addf %get3A_371, %add3A_381 : vector<16xf32>
        %sub3A_383 = arith.subf %add3A_382, %get3A_375 : vector<16xf32>
        %sub3A_384 = arith.subf %add3A_382, %get3A_379 : vector<16xf32>
        %mul3A_385 = arith.mulf %sub3A_383, %sub3A_383 : vector<16xf32>
        %add3A_386 = arith.addf %add3A_365, %mul3A_385 : vector<16xf32>
        %mul3A_387 = arith.mulf %sub3A_384, %sub3A_384 : vector<16xf32>
        %add3A_388 = arith.addf %add3A_367, %mul3A_387 : vector<16xf32>
        %get3A_389 = arith.index_cast %scan3A_114 : i32 to index
        %get3A_390 = arith.constant 208 : index
        %get3A_391 = tpu.vector_load %arg11[%get3A_389, %get3A_390] {strides = array<i32>} : memref<16x512xf32, #tpu.memory_space<vmem>>, vector<1x16xf32>,
        %get3A_392 = vector.shape_cast %get3A_391 : vector<1x16xf32> to vector<16xf32>
        %get3A_393 = arith.index_cast %scan3A_114 : i32 to index
        %get3A_394 = arith.constant 208 : index
        %get3A_395 = tpu.vector_load %arg12[%get3A_393, %get3A_394] {strides = array<i32>} : memref<16x512xf32, #tpu.memory_space<vmem>>, vector<1x16xf32>,
        %get3A_396 = vector.shape_cast %get3A_395 : vector<1x16xf32> to vector<16xf32>
        %get3A_397 = arith.index_cast %scan3A_114 : i32 to index
        %get3A_398 = arith.constant 208 : index
        %get3A_399 = tpu.vector_load %arg13[%get3A_397, %get3A_398] {strides = array<i32>} : memref<16x512xf32, #tpu.memory_space<vmem>>, vector<1x16xf32>,
        %get3A_400 = vector.shape_cast %get3A_399 : vector<1x16xf32> to vector<16xf32>
        %add3A_401 = arith.constant 9.99999997E-7 : f32
        %add3A_402 = vector.broadcast %add3A_401 : f32 to vector<16xf32>
        %add3A_403 = arith.addf %get3A_392, %add3A_402 : vector<16xf32>
        %sub3A_404 = arith.subf %add3A_403, %get3A_396 : vector<16xf32>
        %sub3A_405 = arith.subf %add3A_403, %get3A_400 : vector<16xf32>
        %mul3A_406 = arith.mulf %sub3A_404, %sub3A_404 : vector<16xf32>
        %add3A_407 = arith.addf %add3A_386, %mul3A_406 : vector<16xf32>
        %mul3A_408 = arith.mulf %sub3A_405, %sub3A_405 : vector<16xf32>
        %add3A_409 = arith.addf %add3A_388, %mul3A_408 : vector<16xf32>
        %get3A_410 = arith.index_cast %scan3A_114 : i32 to index
        %get3A_411 = arith.constant 224 : index
        %get3A_412 = tpu.vector_load %arg11[%get3A_410, %get3A_411] {strides = array<i32>} : memref<16x512xf32, #tpu.memory_space<vmem>>, vector<1x16xf32>,
        %get3A_413 = vector.shape_cast %get3A_412 : vector<1x16xf32> to vector<16xf32>
        %get3A_414 = arith.index_cast %scan3A_114 : i32 to index
        %get3A_415 = arith.constant 224 : index
        %get3A_416 = tpu.vector_load %arg12[%get3A_414, %get3A_415] {strides = array<i32>} : memref<16x512xf32, #tpu.memory_space<vmem>>, vector<1x16xf32>,
        %get3A_417 = vector.shape_cast %get3A_416 : vector<1x16xf32> to vector<16xf32>
        %get3A_418 = arith.index_cast %scan3A_114 : i32 to index
        %get3A_419 = arith.constant 224 : index
        %get3A_420 = tpu.vector_load %arg13[%get3A_418, %get3A_419] {strides = array<i32>} : memref<16x512xf32, #tpu.memory_space<vmem>>, vector<1x16xf32>,
        %get3A_421 = vector.shape_cast %get3A_420 : vector<1x16xf32> to vector<16xf32>
        %add3A_422 = arith.constant 9.99999997E-7 : f32
        %add3A_423 = vector.broadcast %add3A_422 : f32 to vector<16xf32>
        %add3A_424 = arith.addf %get3A_413, %add3A_423 : vector<16xf32>
        %sub3A_425 = arith.subf %add3A_424, %get3A_417 : vector<16xf32>
        %sub3A_426 = arith.subf %add3A_424, %get3A_421 : vector<16xf32>
        %mul3A_427 = arith.mulf %sub3A_425, %sub3A_425 : vector<16xf32>
        %add3A_428 = arith.addf %add3A_407, %mul3A_427 : vector<16xf32>
        %mul3A_429 = arith.mulf %sub3A_426, %sub3A_426 : vector<16xf32>
        %add3A_430 = arith.addf %add3A_409, %mul3A_429 : vector<16xf32>
        %get3A_431 = arith.index_cast %scan3A_114 : i32 to index
        %get3A_432 = arith.constant 240 : index
        %get3A_433 = tpu.vector_load %arg11[%get3A_431, %get3A_432] {strides = array<i32>} : memref<16x512xf32, #tpu.memory_space<vmem>>, vector<1x16xf32>,
        %get3A_434 = vector.shape_cast %get3A_433 : vector<1x16xf32> to vector<16xf32>
        %get3A_435 = arith.index_cast %scan3A_114 : i32 to index
        %get3A_436 = arith.constant 240 : index
        %get3A_437 = tpu.vector_load %arg12[%get3A_435, %get3A_436] {strides = array<i32>} : memref<16x512xf32, #tpu.memory_space<vmem>>, vector<1x16xf32>,
        %get3A_438 = vector.shape_cast %get3A_437 : vector<1x16xf32> to vector<16xf32>
        %get3A_439 = arith.index_cast %scan3A_114 : i32 to index
        %get3A_440 = arith.constant 240 : index
        %get3A_441 = tpu.vector_load %arg13[%get3A_439, %get3A_440] {strides = array<i32>} : memref<16x512xf32, #tpu.memory_space<vmem>>, vector<1x16xf32>,
        %get3A_442 = vector.shape_cast %get3A_441 : vector<1x16xf32> to vector<16xf32>
        %add3A_443 = arith.constant 9.99999997E-7 : f32
        %add3A_444 = vector.broadcast %add3A_443 : f32 to vector<16xf32>
        %add3A_445 = arith.addf %get3A_434, %add3A_444 : vector<16xf32>
        %sub3A_446 = arith.subf %add3A_445, %get3A_438 : vector<16xf32>
        %sub3A_447 = arith.subf %add3A_445, %get3A_442 : vector<16xf32>
        %mul3A_448 = arith.mulf %sub3A_446, %sub3A_446 : vector<16xf32>
        %add3A_449 = arith.addf %add3A_428, %mul3A_448 : vector<16xf32>
        %mul3A_450 = arith.mulf %sub3A_447, %sub3A_447 : vector<16xf32>
        %add3A_451 = arith.addf %add3A_430, %mul3A_450 : vector<16xf32>
        %get3A_452 = arith.index_cast %scan3A_114 : i32 to index
        %get3A_453 = arith.constant 256 : index
        %get3A_454 = tpu.vector_load %arg11[%get3A_452, %get3A_453] {strides = array<i32>} : memref<16x512xf32, #tpu.memory_space<vmem>>, vector<1x16xf32>,
        %get3A_455 = vector.shape_cast %get3A_454 : vector<1x16xf32> to vector<16xf32>
        %get3A_456 = arith.index_cast %scan3A_114 : i32 to index
        %get3A_457 = arith.constant 256 : index
        %get3A_458 = tpu.vector_load %arg12[%get3A_456, %get3A_457] {strides = array<i32>} : memref<16x512xf32, #tpu.memory_space<vmem>>, vector<1x16xf32>,
        %get3A_459 = vector.shape_cast %get3A_458 : vector<1x16xf32> to vector<16xf32>
        %get3A_460 = arith.index_cast %scan3A_114 : i32 to index
        %get3A_461 = arith.constant 256 : index
        %get3A_462 = tpu.vector_load %arg13[%get3A_460, %get3A_461] {strides = array<i32>} : memref<16x512xf32, #tpu.memory_space<vmem>>, vector<1x16xf32>,
        %get3A_463 = vector.shape_cast %get3A_462 : vector<1x16xf32> to vector<16xf32>
        %add3A_464 = arith.constant 9.99999997E-7 : f32
        %add3A_465 = vector.broadcast %add3A_464 : f32 to vector<16xf32>
        %add3A_466 = arith.addf %get3A_455, %add3A_465 : vector<16xf32>
        %sub3A_467 = arith.subf %add3A_466, %get3A_459 : vector<16xf32>
        %sub3A_468 = arith.subf %add3A_466, %get3A_463 : vector<16xf32>
        %mul3A_469 = arith.mulf %sub3A_467, %sub3A_467 : vector<16xf32>
        %add3A_470 = arith.addf %add3A_449, %mul3A_469 : vector<16xf32>
        %mul3A_471 = arith.mulf %sub3A_468, %sub3A_468 : vector<16xf32>
        %add3A_472 = arith.addf %add3A_451, %mul3A_471 : vector<16xf32>
        %get3A_473 = arith.index_cast %scan3A_114 : i32 to index
        %get3A_474 = arith.constant 272 : index
        %get3A_475 = tpu.vector_load %arg11[%get3A_473, %get3A_474] {strides = array<i32>} : memref<16x512xf32, #tpu.memory_space<vmem>>, vector<1x16xf32>,
        %get3A_476 = vector.shape_cast %get3A_475 : vector<1x16xf32> to vector<16xf32>
        %get3A_477 = arith.index_cast %scan3A_114 : i32 to index
        %get3A_478 = arith.constant 272 : index
        %get3A_479 = tpu.vector_load %arg12[%get3A_477, %get3A_478] {strides = array<i32>} : memref<16x512xf32, #tpu.memory_space<vmem>>, vector<1x16xf32>,
        %get3A_480 = vector.shape_cast %get3A_479 : vector<1x16xf32> to vector<16xf32>
        %get3A_481 = arith.index_cast %scan3A_114 : i32 to index
        %get3A_482 = arith.constant 272 : index
        %get3A_483 = tpu.vector_load %arg13[%get3A_481, %get3A_482] {strides = array<i32>} : memref<16x512xf32, #tpu.memory_space<vmem>>, vector<1x16xf32>,
        %get3A_484 = vector.shape_cast %get3A_483 : vector<1x16xf32> to vector<16xf32>
        %add3A_485 = arith.constant 9.99999997E-7 : f32
        %add3A_486 = vector.broadcast %add3A_485 : f32 to vector<16xf32>
        %add3A_487 = arith.addf %get3A_476, %add3A_486 : vector<16xf32>
        %sub3A_488 = arith.subf %add3A_487, %get3A_480 : vector<16xf32>
        %sub3A_489 = arith.subf %add3A_487, %get3A_484 : vector<16xf32>
        %mul3A_490 = arith.mulf %sub3A_488, %sub3A_488 : vector<16xf32>
        %add3A_491 = arith.addf %add3A_470, %mul3A_490 : vector<16xf32>
        %mul3A_492 = arith.mulf %sub3A_489, %sub3A_489 : vector<16xf32>
        %add3A_493 = arith.addf %add3A_472, %mul3A_492 : vector<16xf32>
        %get3A_494 = arith.index_cast %scan3A_114 : i32 to index
        %get3A_495 = arith.constant 288 : index
        %get3A_496 = tpu.vector_load %arg11[%get3A_494, %get3A_495] {strides = array<i32>} : memref<16x512xf32, #tpu.memory_space<vmem>>, vector<1x16xf32>,
        %get3A_497 = vector.shape_cast %get3A_496 : vector<1x16xf32> to vector<16xf32>
        %get3A_498 = arith.index_cast %scan3A_114 : i32 to index
        %get3A_499 = arith.constant 288 : index
        %get3A_500 = tpu.vector_load %arg12[%get3A_498, %get3A_499] {strides = array<i32>} : memref<16x512xf32, #tpu.memory_space<vmem>>, vector<1x16xf32>,
        %get3A_501 = vector.shape_cast %get3A_500 : vector<1x16xf32> to vector<16xf32>
        %get3A_502 = arith.index_cast %scan3A_114 : i32 to index
        %get3A_503 = arith.constant 288 : index
        %get3A_504 = tpu.vector_load %arg13[%get3A_502, %get3A_503] {strides = array<i32>} : memref<16x512xf32, #tpu.memory_space<vmem>>, vector<1x16xf32>,
        %get3A_505 = vector.shape_cast %get3A_504 : vector<1x16xf32> to vector<16xf32>
        %add3A_506 = arith.constant 9.99999997E-7 : f32
        %add3A_507 = vector.broadcast %add3A_506 : f32 to vector<16xf32>
        %add3A_508 = arith.addf %get3A_497, %add3A_507 : vector<16xf32>
        %sub3A_509 = arith.subf %add3A_508, %get3A_501 : vector<16xf32>
        %sub3A_510 = arith.subf %add3A_508, %get3A_505 : vector<16xf32>
        %mul3A_511 = arith.mulf %sub3A_509, %sub3A_509 : vector<16xf32>
        %add3A_512 = arith.addf %add3A_491, %mul3A_511 : vector<16xf32>
        %mul3A_513 = arith.mulf %sub3A_510, %sub3A_510 : vector<16xf32>
        %add3A_514 = arith.addf %add3A_493, %mul3A_513 : vector<16xf32>
        %get3A_515 = arith.index_cast %scan3A_114 : i32 to index
        %get3A_516 = arith.constant 304 : index
        %get3A_517 = tpu.vector_load %arg11[%get3A_515, %get3A_516] {strides = array<i32>} : memref<16x512xf32, #tpu.memory_space<vmem>>, vector<1x16xf32>,
        %get3A_518 = vector.shape_cast %get3A_517 : vector<1x16xf32> to vector<16xf32>
        %get3A_519 = arith.index_cast %scan3A_114 : i32 to index
        %get3A_520 = arith.constant 304 : index
        %get3A_521 = tpu.vector_load %arg12[%get3A_519, %get3A_520] {strides = array<i32>} : memref<16x512xf32, #tpu.memory_space<vmem>>, vector<1x16xf32>,
        %get3A_522 = vector.shape_cast %get3A_521 : vector<1x16xf32> to vector<16xf32>
        %get3A_523 = arith.index_cast %scan3A_114 : i32 to index
        %get3A_524 = arith.constant 304 : index
        %get3A_525 = tpu.vector_load %arg13[%get3A_523, %get3A_524] {strides = array<i32>} : memref<16x512xf32, #tpu.memory_space<vmem>>, vector<1x16xf32>,
        %get3A_526 = vector.shape_cast %get3A_525 : vector<1x16xf32> to vector<16xf32>
        %add3A_527 = arith.constant 9.99999997E-7 : f32
        %add3A_528 = vector.broadcast %add3A_527 : f32 to vector<16xf32>
        %add3A_529 = arith.addf %get3A_518, %add3A_528 : vector<16xf32>
        %sub3A_530 = arith.subf %add3A_529, %get3A_522 : vector<16xf32>
        %sub3A_531 = arith.subf %add3A_529, %get3A_526 : vector<16xf32>
        %mul3A_532 = arith.mulf %sub3A_530, %sub3A_530 : vector<16xf32>
        %add3A_533 = arith.addf %add3A_512, %mul3A_532 : vector<16xf32>
        %mul3A_534 = arith.mulf %sub3A_531, %sub3A_531 : vector<16xf32>
        %add3A_535 = arith.addf %add3A_514, %mul3A_534 : vector<16xf32>
        %get3A_536 = arith.index_cast %scan3A_114 : i32 to index
        %get3A_537 = arith.constant 320 : index
        %get3A_538 = tpu.vector_load %arg11[%get3A_536, %get3A_537] {strides = array<i32>} : memref<16x512xf32, #tpu.memory_space<vmem>>, vector<1x16xf32>,
        %get3A_539 = vector.shape_cast %get3A_538 : vector<1x16xf32> to vector<16xf32>
        %get3A_540 = arith.index_cast %scan3A_114 : i32 to index
        %get3A_541 = arith.constant 320 : index
        %get3A_542 = tpu.vector_load %arg12[%get3A_540, %get3A_541] {strides = array<i32>} : memref<16x512xf32, #tpu.memory_space<vmem>>, vector<1x16xf32>,
        %get3A_543 = vector.shape_cast %get3A_542 : vector<1x16xf32> to vector<16xf32>
        %get3A_544 = arith.index_cast %scan3A_114 : i32 to index
        %get3A_545 = arith.constant 320 : index
        %get3A_546 = tpu.vector_load %arg13[%get3A_544, %get3A_545] {strides = array<i32>} : memref<16x512xf32, #tpu.memory_space<vmem>>, vector<1x16xf32>,
        %get3A_547 = vector.shape_cast %get3A_546 : vector<1x16xf32> to vector<16xf32>
        %add3A_548 = arith.constant 9.99999997E-7 : f32
        %add3A_549 = vector.broadcast %add3A_548 : f32 to vector<16xf32>
        %add3A_550 = arith.addf %get3A_539, %add3A_549 : vector<16xf32>
        %sub3A_551 = arith.subf %add3A_550, %get3A_543 : vector<16xf32>
        %sub3A_552 = arith.subf %add3A_550, %get3A_547 : vector<16xf32>
        %mul3A_553 = arith.mulf %sub3A_551, %sub3A_551 : vector<16xf32>
        %add3A_554 = arith.addf %add3A_533, %mul3A_553 : vector<16xf32>
        %mul3A_555 = arith.mulf %sub3A_552, %sub3A_552 : vector<16xf32>
        %add3A_556 = arith.addf %add3A_535, %mul3A_555 : vector<16xf32>
        %get3A_557 = arith.index_cast %scan3A_114 : i32 to index
        %get3A_558 = arith.constant 336 : index
        %get3A_559 = tpu.vector_load %arg11[%get3A_557, %get3A_558] {strides = array<i32>} : memref<16x512xf32, #tpu.memory_space<vmem>>, vector<1x16xf32>,
        %get3A_560 = vector.shape_cast %get3A_559 : vector<1x16xf32> to vector<16xf32>
        %get3A_561 = arith.index_cast %scan3A_114 : i32 to index
        %get3A_562 = arith.constant 336 : index
        %get3A_563 = tpu.vector_load %arg12[%get3A_561, %get3A_562] {strides = array<i32>} : memref<16x512xf32, #tpu.memory_space<vmem>>, vector<1x16xf32>,
        %get3A_564 = vector.shape_cast %get3A_563 : vector<1x16xf32> to vector<16xf32>
        %get3A_565 = arith.index_cast %scan3A_114 : i32 to index
        %get3A_566 = arith.constant 336 : index
        %get3A_567 = tpu.vector_load %arg13[%get3A_565, %get3A_566] {strides = array<i32>} : memref<16x512xf32, #tpu.memory_space<vmem>>, vector<1x16xf32>,
        %get3A_568 = vector.shape_cast %get3A_567 : vector<1x16xf32> to vector<16xf32>
        %add3A_569 = arith.constant 9.99999997E-7 : f32
        %add3A_570 = vector.broadcast %add3A_569 : f32 to vector<16xf32>
        %add3A_571 = arith.addf %get3A_560, %add3A_570 : vector<16xf32>
        %sub3A_572 = arith.subf %add3A_571, %get3A_564 : vector<16xf32>
        %sub3A_573 = arith.subf %add3A_571, %get3A_568 : vector<16xf32>
        %mul3A_574 = arith.mulf %sub3A_572, %sub3A_572 : vector<16xf32>
        %add3A_575 = arith.addf %add3A_554, %mul3A_574 : vector<16xf32>
        %mul3A_576 = arith.mulf %sub3A_573, %sub3A_573 : vector<16xf32>
        %add3A_577 = arith.addf %add3A_556, %mul3A_576 : vector<16xf32>
        %get3A_578 = arith.index_cast %scan3A_114 : i32 to index
        %get3A_579 = arith.constant 352 : index
        %get3A_580 = tpu.vector_load %arg11[%get3A_578, %get3A_579] {strides = array<i32>} : memref<16x512xf32, #tpu.memory_space<vmem>>, vector<1x16xf32>,
        %get3A_581 = vector.shape_cast %get3A_580 : vector<1x16xf32> to vector<16xf32>
        %get3A_582 = arith.index_cast %scan3A_114 : i32 to index
        %get3A_583 = arith.constant 352 : index
        %get3A_584 = tpu.vector_load %arg12[%get3A_582, %get3A_583] {strides = array<i32>} : memref<16x512xf32, #tpu.memory_space<vmem>>, vector<1x16xf32>,
        %get3A_585 = vector.shape_cast %get3A_584 : vector<1x16xf32> to vector<16xf32>
        %get3A_586 = arith.index_cast %scan3A_114 : i32 to index
        %get3A_587 = arith.constant 352 : index
        %get3A_588 = tpu.vector_load %arg13[%get3A_586, %get3A_587] {strides = array<i32>} : memref<16x512xf32, #tpu.memory_space<vmem>>, vector<1x16xf32>,
        %get3A_589 = vector.shape_cast %get3A_588 : vector<1x16xf32> to vector<16xf32>
        %add3A_590 = arith.constant 9.99999997E-7 : f32
        %add3A_591 = vector.broadcast %add3A_590 : f32 to vector<16xf32>
        %add3A_592 = arith.addf %get3A_581, %add3A_591 : vector<16xf32>
        %sub3A_593 = arith.subf %add3A_592, %get3A_585 : vector<16xf32>
        %sub3A_594 = arith.subf %add3A_592, %get3A_589 : vector<16xf32>
        %mul3A_595 = arith.mulf %sub3A_593, %sub3A_593 : vector<16xf32>
        %add3A_596 = arith.addf %add3A_575, %mul3A_595 : vector<16xf32>
        %mul3A_597 = arith.mulf %sub3A_594, %sub3A_594 : vector<16xf32>
        %add3A_598 = arith.addf %add3A_577, %mul3A_597 : vector<16xf32>
        %get3A_599 = arith.index_cast %scan3A_114 : i32 to index
        %get3A_600 = arith.constant 368 : index
        %get3A_601 = tpu.vector_load %arg11[%get3A_599, %get3A_600] {strides = array<i32>} : memref<16x512xf32, #tpu.memory_space<vmem>>, vector<1x16xf32>,
        %get3A_602 = vector.shape_cast %get3A_601 : vector<1x16xf32> to vector<16xf32>
        %get3A_603 = arith.index_cast %scan3A_114 : i32 to index
        %get3A_604 = arith.constant 368 : index
        %get3A_605 = tpu.vector_load %arg12[%get3A_603, %get3A_604] {strides = array<i32>} : memref<16x512xf32, #tpu.memory_space<vmem>>, vector<1x16xf32>,
        %get3A_606 = vector.shape_cast %get3A_605 : vector<1x16xf32> to vector<16xf32>
        %get3A_607 = arith.index_cast %scan3A_114 : i32 to index
        %get3A_608 = arith.constant 368 : index
        %get3A_609 = tpu.vector_load %arg13[%get3A_607, %get3A_608] {strides = array<i32>} : memref<16x512xf32, #tpu.memory_space<vmem>>, vector<1x16xf32>,
        %get3A_610 = vector.shape_cast %get3A_609 : vector<1x16xf32> to vector<16xf32>
        %add3A_611 = arith.constant 9.99999997E-7 : f32
        %add3A_612 = vector.broadcast %add3A_611 : f32 to vector<16xf32>
        %add3A_613 = arith.addf %get3A_602, %add3A_612 : vector<16xf32>
        %sub3A_614 = arith.subf %add3A_613, %get3A_606 : vector<16xf32>
        %sub3A_615 = arith.subf %add3A_613, %get3A_610 : vector<16xf32>
        %mul3A_616 = arith.mulf %sub3A_614, %sub3A_614 : vector<16xf32>
        %add3A_617 = arith.addf %add3A_596, %mul3A_616 : vector<16xf32>
        %mul3A_618 = arith.mulf %sub3A_615, %sub3A_615 : vector<16xf32>
        %add3A_619 = arith.addf %add3A_598, %mul3A_618 : vector<16xf32>
        %get3A_620 = arith.index_cast %scan3A_114 : i32 to index
        %get3A_621 = arith.constant 384 : index
        %get3A_622 = tpu.vector_load %arg11[%get3A_620, %get3A_621] {strides = array<i32>} : memref<16x512xf32, #tpu.memory_space<vmem>>, vector<1x16xf32>,
        %get3A_623 = vector.shape_cast %get3A_622 : vector<1x16xf32> to vector<16xf32>
        %get3A_624 = arith.index_cast %scan3A_114 : i32 to index
        %get3A_625 = arith.constant 384 : index
        %get3A_626 = tpu.vector_load %arg12[%get3A_624, %get3A_625] {strides = array<i32>} : memref<16x512xf32, #tpu.memory_space<vmem>>, vector<1x16xf32>,
        %get3A_627 = vector.shape_cast %get3A_626 : vector<1x16xf32> to vector<16xf32>
        %get3A_628 = arith.index_cast %scan3A_114 : i32 to index
        %get3A_629 = arith.constant 384 : index
        %get3A_630 = tpu.vector_load %arg13[%get3A_628, %get3A_629] {strides = array<i32>} : memref<16x512xf32, #tpu.memory_space<vmem>>, vector<1x16xf32>,
        %get3A_631 = vector.shape_cast %get3A_630 : vector<1x16xf32> to vector<16xf32>
        %add3A_632 = arith.constant 9.99999997E-7 : f32
        %add3A_633 = vector.broadcast %add3A_632 : f32 to vector<16xf32>
        %add3A_634 = arith.addf %get3A_623, %add3A_633 : vector<16xf32>
        %sub3A_635 = arith.subf %add3A_634, %get3A_627 : vector<16xf32>
        %sub3A_636 = arith.subf %add3A_634, %get3A_631 : vector<16xf32>
        %mul3A_637 = arith.mulf %sub3A_635, %sub3A_635 : vector<16xf32>
        %add3A_638 = arith.addf %add3A_617, %mul3A_637 : vector<16xf32>
        %mul3A_639 = arith.mulf %sub3A_636, %sub3A_636 : vector<16xf32>
        %add3A_640 = arith.addf %add3A_619, %mul3A_639 : vector<16xf32>
        %get3A_641 = arith.index_cast %scan3A_114 : i32 to index
        %get3A_642 = arith.constant 400 : index
        %get3A_643 = tpu.vector_load %arg11[%get3A_641, %get3A_642] {strides = array<i32>} : memref<16x512xf32, #tpu.memory_space<vmem>>, vector<1x16xf32>,
        %get3A_644 = vector.shape_cast %get3A_643 : vector<1x16xf32> to vector<16xf32>
        %get3A_645 = arith.index_cast %scan3A_114 : i32 to index
        %get3A_646 = arith.constant 400 : index
        %get3A_647 = tpu.vector_load %arg12[%get3A_645, %get3A_646] {strides = array<i32>} : memref<16x512xf32, #tpu.memory_space<vmem>>, vector<1x16xf32>,
        %get3A_648 = vector.shape_cast %get3A_647 : vector<1x16xf32> to vector<16xf32>
        %get3A_649 = arith.index_cast %scan3A_114 : i32 to index
        %get3A_650 = arith.constant 400 : index
        %get3A_651 = tpu.vector_load %arg13[%get3A_649, %get3A_650] {strides = array<i32>} : memref<16x512xf32, #tpu.memory_space<vmem>>, vector<1x16xf32>,
        %get3A_652 = vector.shape_cast %get3A_651 : vector<1x16xf32> to vector<16xf32>
        %add3A_653 = arith.constant 9.99999997E-7 : f32
        %add3A_654 = vector.broadcast %add3A_653 : f32 to vector<16xf32>
        %add3A_655 = arith.addf %get3A_644, %add3A_654 : vector<16xf32>
        %sub3A_656 = arith.subf %add3A_655, %get3A_648 : vector<16xf32>
        %sub3A_657 = arith.subf %add3A_655, %get3A_652 : vector<16xf32>
        %mul3A_658 = arith.mulf %sub3A_656, %sub3A_656 : vector<16xf32>
        %add3A_659 = arith.addf %add3A_638, %mul3A_658 : vector<16xf32>
        %mul3A_660 = arith.mulf %sub3A_657, %sub3A_657 : vector<16xf32>
        %add3A_661 = arith.addf %add3A_640, %mul3A_660 : vector<16xf32>
        %get3A_662 = arith.index_cast %scan3A_114 : i32 to index
        %get3A_663 = arith.constant 416 : index
        %get3A_664 = tpu.vector_load %arg11[%get3A_662, %get3A_663] {strides = array<i32>} : memref<16x512xf32, #tpu.memory_space<vmem>>, vector<1x16xf32>,
        %get3A_665 = vector.shape_cast %get3A_664 : vector<1x16xf32> to vector<16xf32>
        %get3A_666 = arith.index_cast %scan3A_114 : i32 to index
        %get3A_667 = arith.constant 416 : index
        %get3A_668 = tpu.vector_load %arg12[%get3A_666, %get3A_667] {strides = array<i32>} : memref<16x512xf32, #tpu.memory_space<vmem>>, vector<1x16xf32>,
        %get3A_669 = vector.shape_cast %get3A_668 : vector<1x16xf32> to vector<16xf32>
        %get3A_670 = arith.index_cast %scan3A_114 : i32 to index
        %get3A_671 = arith.constant 416 : index
        %get3A_672 = tpu.vector_load %arg13[%get3A_670, %get3A_671] {strides = array<i32>} : memref<16x512xf32, #tpu.memory_space<vmem>>, vector<1x16xf32>,
        %get3A_673 = vector.shape_cast %get3A_672 : vector<1x16xf32> to vector<16xf32>
        %add3A_674 = arith.constant 9.99999997E-7 : f32
        %add3A_675 = vector.broadcast %add3A_674 : f32 to vector<16xf32>
        %add3A_676 = arith.addf %get3A_665, %add3A_675 : vector<16xf32>
        %sub3A_677 = arith.subf %add3A_676, %get3A_669 : vector<16xf32>
        %sub3A_678 = arith.subf %add3A_676, %get3A_673 : vector<16xf32>
        %mul3A_679 = arith.mulf %sub3A_677, %sub3A_677 : vector<16xf32>
        %add3A_680 = arith.addf %add3A_659, %mul3A_679 : vector<16xf32>
        %mul3A_681 = arith.mulf %sub3A_678, %sub3A_678 : vector<16xf32>
        %add3A_682 = arith.addf %add3A_661, %mul3A_681 : vector<16xf32>
        %get3A_683 = arith.index_cast %scan3A_114 : i32 to index
        %get3A_684 = arith.constant 432 : index
        %get3A_685 = tpu.vector_load %arg11[%get3A_683, %get3A_684] {strides = array<i32>} : memref<16x512xf32, #tpu.memory_space<vmem>>, vector<1x16xf32>,
        %get3A_686 = vector.shape_cast %get3A_685 : vector<1x16xf32> to vector<16xf32>
        %get3A_687 = arith.index_cast %scan3A_114 : i32 to index
        %get3A_688 = arith.constant 432 : index
        %get3A_689 = tpu.vector_load %arg12[%get3A_687, %get3A_688] {strides = array<i32>} : memref<16x512xf32, #tpu.memory_space<vmem>>, vector<1x16xf32>,
        %get3A_690 = vector.shape_cast %get3A_689 : vector<1x16xf32> to vector<16xf32>
        %get3A_691 = arith.index_cast %scan3A_114 : i32 to index
        %get3A_692 = arith.constant 432 : index
        %get3A_693 = tpu.vector_load %arg13[%get3A_691, %get3A_692] {strides = array<i32>} : memref<16x512xf32, #tpu.memory_space<vmem>>, vector<1x16xf32>,
        %get3A_694 = vector.shape_cast %get3A_693 : vector<1x16xf32> to vector<16xf32>
        %add3A_695 = arith.constant 9.99999997E-7 : f32
        %add3A_696 = vector.broadcast %add3A_695 : f32 to vector<16xf32>
        %add3A_697 = arith.addf %get3A_686, %add3A_696 : vector<16xf32>
        %sub3A_698 = arith.subf %add3A_697, %get3A_690 : vector<16xf32>
        %sub3A_699 = arith.subf %add3A_697, %get3A_694 : vector<16xf32>
        %mul3A_700 = arith.mulf %sub3A_698, %sub3A_698 : vector<16xf32>
        %add3A_701 = arith.addf %add3A_680, %mul3A_700 : vector<16xf32>
        %mul3A_702 = arith.mulf %sub3A_699, %sub3A_699 : vector<16xf32>
        %add3A_703 = arith.addf %add3A_682, %mul3A_702 : vector<16xf32>
        %get3A_704 = arith.index_cast %scan3A_114 : i32 to index
        %get3A_705 = arith.constant 448 : index
        %get3A_706 = tpu.vector_load %arg11[%get3A_704, %get3A_705] {strides = array<i32>} : memref<16x512xf32, #tpu.memory_space<vmem>>, vector<1x16xf32>,
        %get3A_707 = vector.shape_cast %get3A_706 : vector<1x16xf32> to vector<16xf32>
        %get3A_708 = arith.index_cast %scan3A_114 : i32 to index
        %get3A_709 = arith.constant 448 : index
        %get3A_710 = tpu.vector_load %arg12[%get3A_708, %get3A_709] {strides = array<i32>} : memref<16x512xf32, #tpu.memory_space<vmem>>, vector<1x16xf32>,
        %get3A_711 = vector.shape_cast %get3A_710 : vector<1x16xf32> to vector<16xf32>
        %get3A_712 = arith.index_cast %scan3A_114 : i32 to index
        %get3A_713 = arith.constant 448 : index
        %get3A_714 = tpu.vector_load %arg13[%get3A_712, %get3A_713] {strides = array<i32>} : memref<16x512xf32, #tpu.memory_space<vmem>>, vector<1x16xf32>,
        %get3A_715 = vector.shape_cast %get3A_714 : vector<1x16xf32> to vector<16xf32>
        %add3A_716 = arith.constant 9.99999997E-7 : f32
        %add3A_717 = vector.broadcast %add3A_716 : f32 to vector<16xf32>
        %add3A_718 = arith.addf %get3A_707, %add3A_717 : vector<16xf32>
        %sub3A_719 = arith.subf %add3A_718, %get3A_711 : vector<16xf32>
        %sub3A_720 = arith.subf %add3A_718, %get3A_715 : vector<16xf32>
        %mul3A_721 = arith.mulf %sub3A_719, %sub3A_719 : vector<16xf32>
        %add3A_722 = arith.addf %add3A_701, %mul3A_721 : vector<16xf32>
        %mul3A_723 = arith.mulf %sub3A_720, %sub3A_720 : vector<16xf32>
        %add3A_724 = arith.addf %add3A_703, %mul3A_723 : vector<16xf32>
        %get3A_725 = arith.index_cast %scan3A_114 : i32 to index
        %get3A_726 = arith.constant 464 : index
        %get3A_727 = tpu.vector_load %arg11[%get3A_725, %get3A_726] {strides = array<i32>} : memref<16x512xf32, #tpu.memory_space<vmem>>, vector<1x16xf32>,
        %get3A_728 = vector.shape_cast %get3A_727 : vector<1x16xf32> to vector<16xf32>
        %get3A_729 = arith.index_cast %scan3A_114 : i32 to index
        %get3A_730 = arith.constant 464 : index
        %get3A_731 = tpu.vector_load %arg12[%get3A_729, %get3A_730] {strides = array<i32>} : memref<16x512xf32, #tpu.memory_space<vmem>>, vector<1x16xf32>,
        %get3A_732 = vector.shape_cast %get3A_731 : vector<1x16xf32> to vector<16xf32>
        %get3A_733 = arith.index_cast %scan3A_114 : i32 to index
        %get3A_734 = arith.constant 464 : index
        %get3A_735 = tpu.vector_load %arg13[%get3A_733, %get3A_734] {strides = array<i32>} : memref<16x512xf32, #tpu.memory_space<vmem>>, vector<1x16xf32>,
        %get3A_736 = vector.shape_cast %get3A_735 : vector<1x16xf32> to vector<16xf32>
        %add3A_737 = arith.constant 9.99999997E-7 : f32
        %add3A_738 = vector.broadcast %add3A_737 : f32 to vector<16xf32>
        %add3A_739 = arith.addf %get3A_728, %add3A_738 : vector<16xf32>
        %sub3A_740 = arith.subf %add3A_739, %get3A_732 : vector<16xf32>
        %sub3A_741 = arith.subf %add3A_739, %get3A_736 : vector<16xf32>
        %mul3A_742 = arith.mulf %sub3A_740, %sub3A_740 : vector<16xf32>
        %add3A_743 = arith.addf %add3A_722, %mul3A_742 : vector<16xf32>
        %mul3A_744 = arith.mulf %sub3A_741, %sub3A_741 : vector<16xf32>
        %add3A_745 = arith.addf %add3A_724, %mul3A_744 : vector<16xf32>
        %get3A_746 = arith.index_cast %scan3A_114 : i32 to index
        %get3A_747 = arith.constant 480 : index
        %get3A_748 = tpu.vector_load %arg11[%get3A_746, %get3A_747] {strides = array<i32>} : memref<16x512xf32, #tpu.memory_space<vmem>>, vector<1x16xf32>,
        %get3A_749 = vector.shape_cast %get3A_748 : vector<1x16xf32> to vector<16xf32>
        %get3A_750 = arith.index_cast %scan3A_114 : i32 to index
        %get3A_751 = arith.constant 480 : index
        %get3A_752 = tpu.vector_load %arg12[%get3A_750, %get3A_751] {strides = array<i32>} : memref<16x512xf32, #tpu.memory_space<vmem>>, vector<1x16xf32>,
        %get3A_753 = vector.shape_cast %get3A_752 : vector<1x16xf32> to vector<16xf32>
        %get3A_754 = arith.index_cast %scan3A_114 : i32 to index
        %get3A_755 = arith.constant 480 : index
        %get3A_756 = tpu.vector_load %arg13[%get3A_754, %get3A_755] {strides = array<i32>} : memref<16x512xf32, #tpu.memory_space<vmem>>, vector<1x16xf32>,
        %get3A_757 = vector.shape_cast %get3A_756 : vector<1x16xf32> to vector<16xf32>
        %add3A_758 = arith.constant 9.99999997E-7 : f32
        %add3A_759 = vector.broadcast %add3A_758 : f32 to vector<16xf32>
        %add3A_760 = arith.addf %get3A_749, %add3A_759 : vector<16xf32>
        %sub3A_761 = arith.subf %add3A_760, %get3A_753 : vector<16xf32>
        %sub3A_762 = arith.subf %add3A_760, %get3A_757 : vector<16xf32>
        %mul3A_763 = arith.mulf %sub3A_761, %sub3A_761 : vector<16xf32>
        %add3A_764 = arith.addf %add3A_743, %mul3A_763 : vector<16xf32>
        %mul3A_765 = arith.mulf %sub3A_762, %sub3A_762 : vector<16xf32>
        %add3A_766 = arith.addf %add3A_745, %mul3A_765 : vector<16xf32>
        %get3A_767 = arith.index_cast %scan3A_114 : i32 to index
        %get3A_768 = arith.constant 496 : index
        %get3A_769 = tpu.vector_load %arg11[%get3A_767, %get3A_768] {strides = array<i32>} : memref<16x512xf32, #tpu.memory_space<vmem>>, vector<1x16xf32>,
        %get3A_770 = vector.shape_cast %get3A_769 : vector<1x16xf32> to vector<16xf32>
        %get3A_771 = arith.index_cast %scan3A_114 : i32 to index
        %get3A_772 = arith.constant 496 : index
        %get3A_773 = tpu.vector_load %arg12[%get3A_771, %get3A_772] {strides = array<i32>} : memref<16x512xf32, #tpu.memory_space<vmem>>, vector<1x16xf32>,
        %get3A_774 = vector.shape_cast %get3A_773 : vector<1x16xf32> to vector<16xf32>
        %get3A_775 = arith.index_cast %scan3A_114 : i32 to index
        %get3A_776 = arith.constant 496 : index
        %get3A_777 = tpu.vector_load %arg13[%get3A_775, %get3A_776] {strides = array<i32>} : memref<16x512xf32, #tpu.memory_space<vmem>>, vector<1x16xf32>,
        %get3A_778 = vector.shape_cast %get3A_777 : vector<1x16xf32> to vector<16xf32>
        %add3A_779 = arith.constant 9.99999997E-7 : f32
        %add3A_780 = vector.broadcast %add3A_779 : f32 to vector<16xf32>
        %add3A_781 = arith.addf %get3A_770, %add3A_780 : vector<16xf32>
        %sub3A_782 = arith.subf %add3A_781, %get3A_774 : vector<16xf32>
        %sub3A_783 = arith.subf %add3A_781, %get3A_778 : vector<16xf32>
        %mul3A_784 = arith.mulf %sub3A_782, %sub3A_782 : vector<16xf32>
        %add3A_785 = arith.addf %add3A_764, %mul3A_784 : vector<16xf32>
        %mul3A_786 = arith.mulf %sub3A_783, %sub3A_783 : vector<16xf32>
        %add3A_787 = arith.addf %add3A_766, %mul3A_786 : vector<16xf32>
        %add3A_788 = arith.addi %mul3A_68, %scan3A_114 : i32
        %jit3A = arith.constant 8 : i32
        %div3A = arith.divsi %add3A_788, %jit3A : i32
        %sign3A = arith.constant 0 : i32
        %sign3A_789 = arith.cmpi sgt, %add3A_788, %sign3A : i32
        %sign3A_790 = arith.extui %sign3A_789 : i1 to i32
        %sign3A_791 = arith.constant 0 : i32
        %sign3A_792 = arith.cmpi slt, %add3A_788, %sign3A_791 : i32
        %sign3A_793 = arith.extui %sign3A_792 : i1 to i32
        %sign3A_794 = arith.subi %sign3A_790, %sign3A_793 : i32
        %sign3A_795 = arith.constant 0 : i32
        %sign3A_796 = arith.cmpi sgt, %jit3A, %sign3A_795 : i32
        %sign3A_797 = arith.extui %sign3A_796 : i1 to i32
        %sign3A_798 = arith.constant 0 : i32
        %sign3A_799 = arith.cmpi slt, %jit3A, %sign3A_798 : i32
        %sign3A_800 = arith.extui %sign3A_799 : i1 to i32
        %sign3A_801 = arith.subi %sign3A_797, %sign3A_800 : i32
        %ne3A = arith.cmpi ne, %sign3A_794, %sign3A_801 : i32
        %rem3A = arith.remsi %add3A_788, %jit3A : i32
        %ne3A_802 = arith.constant 0 : i32
        %ne3A_803 = arith.cmpi ne, %rem3A, %ne3A_802 : i32
        %and3A = arith.andi %ne3A, %ne3A_803 : i1
        %sub3A_804 = arith.constant 1 : i32
        %sub3A_805 = arith.subi %div3A, %sub3A_804 : i32
        %select_n3A = arith.select %and3A, %sub3A_805, %div3A : i32
        %jit3A_806 = arith.constant 8 : i32
        %eq3A = arith.constant 0 : i32
        %eq3A_807 = arith.cmpi eq, %jit3A_806, %eq3A : i32
        %jit3A_808 = arith.constant 1 : i32
        %select_n3A_809 = arith.select %eq3A_807, %jit3A_808, %jit3A_806 : i32
        %rem3A_810 = arith.remsi %add3A_788, %select_n3A_809 : i32
        %ne3A_811 = arith.constant 0 : i32
        %ne3A_812 = arith.cmpi ne, %rem3A_810, %ne3A_811 : i32
        %lt3A_813 = arith.constant 0 : i32
        %lt3A_814 = arith.cmpi slt, %rem3A_810, %lt3A_813 : i32
        %lt3A_815 = arith.constant 0 : i32
        %lt3A_816 = arith.cmpi slt, %select_n3A_809, %lt3A_815 : i32
        %ne3A_817 = arith.xori %lt3A_814, %lt3A_816 : i1
        %and3A_818 = arith.andi %ne3A_817, %ne3A_812 : i1
        %add3A_819 = arith.addi %rem3A_810, %select_n3A_809 : i32
        %select_n3A_820 = arith.select %and3A_818, %add3A_819, %rem3A_810 : i32
        %mul3A_821 = arith.constant 16 : i32
        %mul3A_822 = arith.muli %select_n3A_820, %mul3A_821 : i32
        %swap3A = arith.index_cast %select_n3A : i32 to index
        %swap3A_823 = arith.index_cast %mul3A_822 : i32 to index
        %swap3A_824 = tpu.vector_load %arg17[%swap3A, %swap3A_823] {strides = array<i32>} : memref<64x128xf32, #tpu.memory_space<vmem>>, vector<1x16xf32>,
        %swap3A_825 = vector.shape_cast %swap3A_824 : vector<1x16xf32> to vector<16xf32>
        %swap3A_826 = vector.shape_cast %add3A_785 : vector<16xf32> to vector<1x16xf32>
        tpu.vector_store %arg17[%swap3A, %swap3A_823], %swap3A_826 {strides = array<i32>} : memref<64x128xf32, #tpu.memory_space<vmem>>, vector<1x16xf32>,
        %swap3A_827 = arith.index_cast %select_n3A : i32 to index
        %swap3A_828 = arith.index_cast %mul3A_822 : i32 to index
        %swap3A_829 = tpu.vector_load %arg18[%swap3A_827, %swap3A_828] {strides = array<i32>} : memref<64x128xf32, #tpu.memory_space<vmem>>, vector<1x16xf32>,
        %swap3A_830 = vector.shape_cast %swap3A_829 : vector<1x16xf32> to vector<16xf32>
        %swap3A_831 = vector.shape_cast %add3A_787 : vector<16xf32> to vector<1x16xf32>
        tpu.vector_store %arg18[%swap3A_827, %swap3A_828], %swap3A_831 {strides = array<i32>} : memref<64x128xf32, #tpu.memory_space<vmem>>, vector<1x16xf32>,
      }
      %scan3A_74 = arith.constant 16 : i32
      %add3A_75 = arith.constant 2 : i32
      %add3A_76 = arith.addi %add3A_49, %add3A_75 : i32
      %lt3A = arith.constant 32 : i32
      %lt3A_77 = arith.cmpi slt, %add3A_76, %lt3A : i32
      %convert_element_type3A = arith.extui %lt3A_77 : i1 to i32
      %cond3A = arith.constant 0 : i32
      %cond3A_78 = arith.cmpi ne, %convert_element_type3A, %cond3A : i32
      scf.if %cond3A_78 {
        %add3A_114 = arith.constant 2 : i32
        %add3A_115 = arith.addi %add3A_49, %add3A_114 : i32
        %mul3A_116 = arith.constant 16 : i32
        %mul3A_117 = arith.muli %add3A_115, %mul3A_116 : i32
        %dma_start3A_118 = tpu.memref_slice %arg8[%mul3A_117] : memref<512xi32, #tpu.memory_space<vmem>> -> memref<16xi32, #tpu.memory_space<vmem>>
        %dma_start3A_119 = arith.constant 0 : i32
        %dma_start3A_120 = arith.constant 0 : i32
        %dma_start3A_121 = tpu.memref_slice %arg2[%dma_start3A_119, %dma_start3A_120] : memref<100000x512xf32, #tpu.memory_space<hbm>> -> memref<100000x512xf32, #tpu.memory_space<hbm>>
        tpu.enqueue_indirect_dma source(%dma_start3A_121 : memref<100000x512xf32, #tpu.memory_space<hbm>>) target(%arg11 : memref<16x512xf32, #tpu.memory_space<vmem>>) offsets(%dma_start3A_118 : memref<16xi32, #tpu.memory_space<vmem>>) semaphore(%arg19 : memref<!tpu.dma_semaphore, #tpu.memory_space<semaphore_mem>>)
        %dma_start3A_122 = tpu.memref_slice %arg9[%mul3A_117] : memref<512xi32, #tpu.memory_space<vmem>> -> memref<16xi32, #tpu.memory_space<vmem>>
        %dma_start3A_123 = arith.constant 0 : i32
        %dma_start3A_124 = arith.constant 0 : i32
        %dma_start3A_125 = tpu.memref_slice %arg2[%dma_start3A_123, %dma_start3A_124] : memref<100000x512xf32, #tpu.memory_space<hbm>> -> memref<100000x512xf32, #tpu.memory_space<hbm>>
        tpu.enqueue_indirect_dma source(%dma_start3A_125 : memref<100000x512xf32, #tpu.memory_space<hbm>>) target(%arg12 : memref<16x512xf32, #tpu.memory_space<vmem>>) offsets(%dma_start3A_122 : memref<16xi32, #tpu.memory_space<vmem>>) semaphore(%arg19 : memref<!tpu.dma_semaphore, #tpu.memory_space<semaphore_mem>>)
        %dma_start3A_126 = tpu.memref_slice %arg10[%mul3A_117] : memref<512xi32, #tpu.memory_space<vmem>> -> memref<16xi32, #tpu.memory_space<vmem>>
        %dma_start3A_127 = arith.constant 0 : i32
        %dma_start3A_128 = arith.constant 0 : i32
        %dma_start3A_129 = tpu.memref_slice %arg2[%dma_start3A_127, %dma_start3A_128] : memref<100000x512xf32, #tpu.memory_space<hbm>> -> memref<100000x512xf32, #tpu.memory_space<hbm>>
        tpu.enqueue_indirect_dma source(%dma_start3A_129 : memref<100000x512xf32, #tpu.memory_space<hbm>>) target(%arg13 : memref<16x512xf32, #tpu.memory_space<vmem>>) offsets(%dma_start3A_126 : memref<16xi32, #tpu.memory_space<vmem>>) semaphore(%arg19 : memref<!tpu.dma_semaphore, #tpu.memory_space<semaphore_mem>>)
      } else {
      }
      %add3A_79 = arith.constant 1 : i32
      %add3A_80 = arith.addi %mul3A_47, %add3A_79 : i32
      %dma_wait3A_81 = arith.constant 0 : i32
      %dma_wait3A_82 = arith.constant 0 : i32
      %dma_wait3A_83 = tpu.memref_slice %arg2[%dma_wait3A_81, %dma_wait3A_82] : memref<100000x512xf32, #tpu.memory_space<hbm>> -> memref<16x512xf32, #tpu.memory_space<hbm>>
      %dma_wait3A_84 = arith.constant 0 : i32
      %dma_wait3A_85 = arith.constant 0 : i32
      %dma_wait3A_86 = tpu.memref_slice %arg2[%dma_wait3A_84, %dma_wait3A_85] : memref<100000x512xf32, #tpu.memory_space<hbm>> -> memref<16x512xf32, #tpu.memory_space<hbm>>
      tpu.wait_dma2 semaphore(%arg20 : memref<!tpu.dma_semaphore, #tpu.memory_space<semaphore_mem>>) src(%dma_wait3A_86 : memref<16x512xf32, #tpu.memory_space<hbm>>) dst(%arg14 : memref<16x512xf32, #tpu.memory_space<vmem>>)
      %dma_wait3A_87 = arith.constant 0 : i32
      %dma_wait3A_88 = arith.constant 0 : i32
      %dma_wait3A_89 = tpu.memref_slice %arg2[%dma_wait3A_87, %dma_wait3A_88] : memref<100000x512xf32, #tpu.memory_space<hbm>> -> memref<16x512xf32, #tpu.memory_space<hbm>>
      %dma_wait3A_90 = arith.constant 0 : i32
      %dma_wait3A_91 = arith.constant 0 : i32
      %dma_wait3A_92 = tpu.memref_slice %arg2[%dma_wait3A_90, %dma_wait3A_91] : memref<100000x512xf32, #tpu.memory_space<hbm>> -> memref<16x512xf32, #tpu.memory_space<hbm>>
      tpu.wait_dma2 semaphore(%arg20 : memref<!tpu.dma_semaphore, #tpu.memory_space<semaphore_mem>>) src(%dma_wait3A_92 : memref<16x512xf32, #tpu.memory_space<hbm>>) dst(%arg15 : memref<16x512xf32, #tpu.memory_space<vmem>>)
      %dma_wait3A_93 = arith.constant 0 : i32
      %dma_wait3A_94 = arith.constant 0 : i32
      %dma_wait3A_95 = tpu.memref_slice %arg2[%dma_wait3A_93, %dma_wait3A_94] : memref<100000x512xf32, #tpu.memory_space<hbm>> -> memref<16x512xf32, #tpu.memory_space<hbm>>
      %dma_wait3A_96 = arith.constant 0 : i32
      %dma_wait3A_97 = arith.constant 0 : i32
      %dma_wait3A_98 = tpu.memref_slice %arg2[%dma_wait3A_96, %dma_wait3A_97] : memref<100000x512xf32, #tpu.memory_space<hbm>> -> memref<16x512xf32, #tpu.memory_space<hbm>>
      tpu.wait_dma2 semaphore(%arg20 : memref<!tpu.dma_semaphore, #tpu.memory_space<semaphore_mem>>) src(%dma_wait3A_98 : memref<16x512xf32, #tpu.memory_space<hbm>>) dst(%arg16 : memref<16x512xf32, #tpu.memory_space<vmem>>)
      %mul3A_99 = arith.constant 16 : i32
      %mul3A_100 = arith.muli %add3A_80, %mul3A_99 : i32
      %scan3A_101 = arith.constant 0 : i32
      %scan3A_102 = arith.constant 0 : i32
      %scan3A_103 = arith.constant 16 : i32
      %scan3A_104 = arith.addi %scan3A_102, %scan3A_103 : i32
      %scan3A_105 = arith.constant 1 : i32
      scf.for %scan3A_114 = %scan3A_102 to %scan3A_104 step %scan3A_105  : i32 {
        %broadcast_in_dim3A = arith.constant 0.000000e+00 : f32
        %broadcast_in_dim3A_115 = vector.broadcast %broadcast_in_dim3A : f32 to vector<16xf32>
        %broadcast_in_dim3A_116 = arith.constant 0.000000e+00 : f32
        %broadcast_in_dim3A_117 = vector.broadcast %broadcast_in_dim3A_116 : f32 to vector<16xf32>
        %get3A = arith.index_cast %scan3A_114 : i32 to index
        %get3A_118 = arith.constant 0 : index
        %get3A_119 = tpu.vector_load %arg14[%get3A, %get3A_118] {strides = array<i32>} : memref<16x512xf32, #tpu.memory_space<vmem>>, vector<1x16xf32>,
        %get3A_120 = vector.shape_cast %get3A_119 : vector<1x16xf32> to vector<16xf32>
        %get3A_121 = arith.index_cast %scan3A_114 : i32 to index
        %get3A_122 = arith.constant 0 : index
        %get3A_123 = tpu.vector_load %arg15[%get3A_121, %get3A_122] {strides = array<i32>} : memref<16x512xf32, #tpu.memory_space<vmem>>, vector<1x16xf32>,
        %get3A_124 = vector.shape_cast %get3A_123 : vector<1x16xf32> to vector<16xf32>
        %get3A_125 = arith.index_cast %scan3A_114 : i32 to index
        %get3A_126 = arith.constant 0 : index
        %get3A_127 = tpu.vector_load %arg16[%get3A_125, %get3A_126] {strides = array<i32>} : memref<16x512xf32, #tpu.memory_space<vmem>>, vector<1x16xf32>,
        %get3A_128 = vector.shape_cast %get3A_127 : vector<1x16xf32> to vector<16xf32>
        %add3A_129 = arith.constant 9.99999997E-7 : f32
        %add3A_130 = vector.broadcast %add3A_129 : f32 to vector<16xf32>
        %add3A_131 = arith.addf %get3A_120, %add3A_130 : vector<16xf32>
        %sub3A = arith.subf %add3A_131, %get3A_124 : vector<16xf32>
        %sub3A_132 = arith.subf %add3A_131, %get3A_128 : vector<16xf32>
        %mul3A_133 = arith.mulf %sub3A, %sub3A : vector<16xf32>
        %add3A_134 = arith.addf %broadcast_in_dim3A_115, %mul3A_133 : vector<16xf32>
        %mul3A_135 = arith.mulf %sub3A_132, %sub3A_132 : vector<16xf32>
        %add3A_136 = arith.addf %broadcast_in_dim3A_117, %mul3A_135 : vector<16xf32>
        %get3A_137 = arith.index_cast %scan3A_114 : i32 to index
        %get3A_138 = arith.constant 16 : index
        %get3A_139 = tpu.vector_load %arg14[%get3A_137, %get3A_138] {strides = array<i32>} : memref<16x512xf32, #tpu.memory_space<vmem>>, vector<1x16xf32>,
        %get3A_140 = vector.shape_cast %get3A_139 : vector<1x16xf32> to vector<16xf32>
        %get3A_141 = arith.index_cast %scan3A_114 : i32 to index
        %get3A_142 = arith.constant 16 : index
        %get3A_143 = tpu.vector_load %arg15[%get3A_141, %get3A_142] {strides = array<i32>} : memref<16x512xf32, #tpu.memory_space<vmem>>, vector<1x16xf32>,
        %get3A_144 = vector.shape_cast %get3A_143 : vector<1x16xf32> to vector<16xf32>
        %get3A_145 = arith.index_cast %scan3A_114 : i32 to index
        %get3A_146 = arith.constant 16 : index
        %get3A_147 = tpu.vector_load %arg16[%get3A_145, %get3A_146] {strides = array<i32>} : memref<16x512xf32, #tpu.memory_space<vmem>>, vector<1x16xf32>,
        %get3A_148 = vector.shape_cast %get3A_147 : vector<1x16xf32> to vector<16xf32>
        %add3A_149 = arith.constant 9.99999997E-7 : f32
        %add3A_150 = vector.broadcast %add3A_149 : f32 to vector<16xf32>
        %add3A_151 = arith.addf %get3A_140, %add3A_150 : vector<16xf32>
        %sub3A_152 = arith.subf %add3A_151, %get3A_144 : vector<16xf32>
        %sub3A_153 = arith.subf %add3A_151, %get3A_148 : vector<16xf32>
        %mul3A_154 = arith.mulf %sub3A_152, %sub3A_152 : vector<16xf32>
        %add3A_155 = arith.addf %add3A_134, %mul3A_154 : vector<16xf32>
        %mul3A_156 = arith.mulf %sub3A_153, %sub3A_153 : vector<16xf32>
        %add3A_157 = arith.addf %add3A_136, %mul3A_156 : vector<16xf32>
        %get3A_158 = arith.index_cast %scan3A_114 : i32 to index
        %get3A_159 = arith.constant 32 : index
        %get3A_160 = tpu.vector_load %arg14[%get3A_158, %get3A_159] {strides = array<i32>} : memref<16x512xf32, #tpu.memory_space<vmem>>, vector<1x16xf32>,
        %get3A_161 = vector.shape_cast %get3A_160 : vector<1x16xf32> to vector<16xf32>
        %get3A_162 = arith.index_cast %scan3A_114 : i32 to index
        %get3A_163 = arith.constant 32 : index
        %get3A_164 = tpu.vector_load %arg15[%get3A_162, %get3A_163] {strides = array<i32>} : memref<16x512xf32, #tpu.memory_space<vmem>>, vector<1x16xf32>,
        %get3A_165 = vector.shape_cast %get3A_164 : vector<1x16xf32> to vector<16xf32>
        %get3A_166 = arith.index_cast %scan3A_114 : i32 to index
        %get3A_167 = arith.constant 32 : index
        %get3A_168 = tpu.vector_load %arg16[%get3A_166, %get3A_167] {strides = array<i32>} : memref<16x512xf32, #tpu.memory_space<vmem>>, vector<1x16xf32>,
        %get3A_169 = vector.shape_cast %get3A_168 : vector<1x16xf32> to vector<16xf32>
        %add3A_170 = arith.constant 9.99999997E-7 : f32
        %add3A_171 = vector.broadcast %add3A_170 : f32 to vector<16xf32>
        %add3A_172 = arith.addf %get3A_161, %add3A_171 : vector<16xf32>
        %sub3A_173 = arith.subf %add3A_172, %get3A_165 : vector<16xf32>
        %sub3A_174 = arith.subf %add3A_172, %get3A_169 : vector<16xf32>
        %mul3A_175 = arith.mulf %sub3A_173, %sub3A_173 : vector<16xf32>
        %add3A_176 = arith.addf %add3A_155, %mul3A_175 : vector<16xf32>
        %mul3A_177 = arith.mulf %sub3A_174, %sub3A_174 : vector<16xf32>
        %add3A_178 = arith.addf %add3A_157, %mul3A_177 : vector<16xf32>
        %get3A_179 = arith.index_cast %scan3A_114 : i32 to index
        %get3A_180 = arith.constant 48 : index
        %get3A_181 = tpu.vector_load %arg14[%get3A_179, %get3A_180] {strides = array<i32>} : memref<16x512xf32, #tpu.memory_space<vmem>>, vector<1x16xf32>,
        %get3A_182 = vector.shape_cast %get3A_181 : vector<1x16xf32> to vector<16xf32>
        %get3A_183 = arith.index_cast %scan3A_114 : i32 to index
        %get3A_184 = arith.constant 48 : index
        %get3A_185 = tpu.vector_load %arg15[%get3A_183, %get3A_184] {strides = array<i32>} : memref<16x512xf32, #tpu.memory_space<vmem>>, vector<1x16xf32>,
        %get3A_186 = vector.shape_cast %get3A_185 : vector<1x16xf32> to vector<16xf32>
        %get3A_187 = arith.index_cast %scan3A_114 : i32 to index
        %get3A_188 = arith.constant 48 : index
        %get3A_189 = tpu.vector_load %arg16[%get3A_187, %get3A_188] {strides = array<i32>} : memref<16x512xf32, #tpu.memory_space<vmem>>, vector<1x16xf32>,
        %get3A_190 = vector.shape_cast %get3A_189 : vector<1x16xf32> to vector<16xf32>
        %add3A_191 = arith.constant 9.99999997E-7 : f32
        %add3A_192 = vector.broadcast %add3A_191 : f32 to vector<16xf32>
        %add3A_193 = arith.addf %get3A_182, %add3A_192 : vector<16xf32>
        %sub3A_194 = arith.subf %add3A_193, %get3A_186 : vector<16xf32>
        %sub3A_195 = arith.subf %add3A_193, %get3A_190 : vector<16xf32>
        %mul3A_196 = arith.mulf %sub3A_194, %sub3A_194 : vector<16xf32>
        %add3A_197 = arith.addf %add3A_176, %mul3A_196 : vector<16xf32>
        %mul3A_198 = arith.mulf %sub3A_195, %sub3A_195 : vector<16xf32>
        %add3A_199 = arith.addf %add3A_178, %mul3A_198 : vector<16xf32>
        %get3A_200 = arith.index_cast %scan3A_114 : i32 to index
        %get3A_201 = arith.constant 64 : index
        %get3A_202 = tpu.vector_load %arg14[%get3A_200, %get3A_201] {strides = array<i32>} : memref<16x512xf32, #tpu.memory_space<vmem>>, vector<1x16xf32>,
        %get3A_203 = vector.shape_cast %get3A_202 : vector<1x16xf32> to vector<16xf32>
        %get3A_204 = arith.index_cast %scan3A_114 : i32 to index
        %get3A_205 = arith.constant 64 : index
        %get3A_206 = tpu.vector_load %arg15[%get3A_204, %get3A_205] {strides = array<i32>} : memref<16x512xf32, #tpu.memory_space<vmem>>, vector<1x16xf32>,
        %get3A_207 = vector.shape_cast %get3A_206 : vector<1x16xf32> to vector<16xf32>
        %get3A_208 = arith.index_cast %scan3A_114 : i32 to index
        %get3A_209 = arith.constant 64 : index
        %get3A_210 = tpu.vector_load %arg16[%get3A_208, %get3A_209] {strides = array<i32>} : memref<16x512xf32, #tpu.memory_space<vmem>>, vector<1x16xf32>,
        %get3A_211 = vector.shape_cast %get3A_210 : vector<1x16xf32> to vector<16xf32>
        %add3A_212 = arith.constant 9.99999997E-7 : f32
        %add3A_213 = vector.broadcast %add3A_212 : f32 to vector<16xf32>
        %add3A_214 = arith.addf %get3A_203, %add3A_213 : vector<16xf32>
        %sub3A_215 = arith.subf %add3A_214, %get3A_207 : vector<16xf32>
        %sub3A_216 = arith.subf %add3A_214, %get3A_211 : vector<16xf32>
        %mul3A_217 = arith.mulf %sub3A_215, %sub3A_215 : vector<16xf32>
        %add3A_218 = arith.addf %add3A_197, %mul3A_217 : vector<16xf32>
        %mul3A_219 = arith.mulf %sub3A_216, %sub3A_216 : vector<16xf32>
        %add3A_220 = arith.addf %add3A_199, %mul3A_219 : vector<16xf32>
        %get3A_221 = arith.index_cast %scan3A_114 : i32 to index
        %get3A_222 = arith.constant 80 : index
        %get3A_223 = tpu.vector_load %arg14[%get3A_221, %get3A_222] {strides = array<i32>} : memref<16x512xf32, #tpu.memory_space<vmem>>, vector<1x16xf32>,
        %get3A_224 = vector.shape_cast %get3A_223 : vector<1x16xf32> to vector<16xf32>
        %get3A_225 = arith.index_cast %scan3A_114 : i32 to index
        %get3A_226 = arith.constant 80 : index
        %get3A_227 = tpu.vector_load %arg15[%get3A_225, %get3A_226] {strides = array<i32>} : memref<16x512xf32, #tpu.memory_space<vmem>>, vector<1x16xf32>,
        %get3A_228 = vector.shape_cast %get3A_227 : vector<1x16xf32> to vector<16xf32>
        %get3A_229 = arith.index_cast %scan3A_114 : i32 to index
        %get3A_230 = arith.constant 80 : index
        %get3A_231 = tpu.vector_load %arg16[%get3A_229, %get3A_230] {strides = array<i32>} : memref<16x512xf32, #tpu.memory_space<vmem>>, vector<1x16xf32>,
        %get3A_232 = vector.shape_cast %get3A_231 : vector<1x16xf32> to vector<16xf32>
        %add3A_233 = arith.constant 9.99999997E-7 : f32
        %add3A_234 = vector.broadcast %add3A_233 : f32 to vector<16xf32>
        %add3A_235 = arith.addf %get3A_224, %add3A_234 : vector<16xf32>
        %sub3A_236 = arith.subf %add3A_235, %get3A_228 : vector<16xf32>
        %sub3A_237 = arith.subf %add3A_235, %get3A_232 : vector<16xf32>
        %mul3A_238 = arith.mulf %sub3A_236, %sub3A_236 : vector<16xf32>
        %add3A_239 = arith.addf %add3A_218, %mul3A_238 : vector<16xf32>
        %mul3A_240 = arith.mulf %sub3A_237, %sub3A_237 : vector<16xf32>
        %add3A_241 = arith.addf %add3A_220, %mul3A_240 : vector<16xf32>
        %get3A_242 = arith.index_cast %scan3A_114 : i32 to index
        %get3A_243 = arith.constant 96 : index
        %get3A_244 = tpu.vector_load %arg14[%get3A_242, %get3A_243] {strides = array<i32>} : memref<16x512xf32, #tpu.memory_space<vmem>>, vector<1x16xf32>,
        %get3A_245 = vector.shape_cast %get3A_244 : vector<1x16xf32> to vector<16xf32>
        %get3A_246 = arith.index_cast %scan3A_114 : i32 to index
        %get3A_247 = arith.constant 96 : index
        %get3A_248 = tpu.vector_load %arg15[%get3A_246, %get3A_247] {strides = array<i32>} : memref<16x512xf32, #tpu.memory_space<vmem>>, vector<1x16xf32>,
        %get3A_249 = vector.shape_cast %get3A_248 : vector<1x16xf32> to vector<16xf32>
        %get3A_250 = arith.index_cast %scan3A_114 : i32 to index
        %get3A_251 = arith.constant 96 : index
        %get3A_252 = tpu.vector_load %arg16[%get3A_250, %get3A_251] {strides = array<i32>} : memref<16x512xf32, #tpu.memory_space<vmem>>, vector<1x16xf32>,
        %get3A_253 = vector.shape_cast %get3A_252 : vector<1x16xf32> to vector<16xf32>
        %add3A_254 = arith.constant 9.99999997E-7 : f32
        %add3A_255 = vector.broadcast %add3A_254 : f32 to vector<16xf32>
        %add3A_256 = arith.addf %get3A_245, %add3A_255 : vector<16xf32>
        %sub3A_257 = arith.subf %add3A_256, %get3A_249 : vector<16xf32>
        %sub3A_258 = arith.subf %add3A_256, %get3A_253 : vector<16xf32>
        %mul3A_259 = arith.mulf %sub3A_257, %sub3A_257 : vector<16xf32>
        %add3A_260 = arith.addf %add3A_239, %mul3A_259 : vector<16xf32>
        %mul3A_261 = arith.mulf %sub3A_258, %sub3A_258 : vector<16xf32>
        %add3A_262 = arith.addf %add3A_241, %mul3A_261 : vector<16xf32>
        %get3A_263 = arith.index_cast %scan3A_114 : i32 to index
        %get3A_264 = arith.constant 112 : index
        %get3A_265 = tpu.vector_load %arg14[%get3A_263, %get3A_264] {strides = array<i32>} : memref<16x512xf32, #tpu.memory_space<vmem>>, vector<1x16xf32>,
        %get3A_266 = vector.shape_cast %get3A_265 : vector<1x16xf32> to vector<16xf32>
        %get3A_267 = arith.index_cast %scan3A_114 : i32 to index
        %get3A_268 = arith.constant 112 : index
        %get3A_269 = tpu.vector_load %arg15[%get3A_267, %get3A_268] {strides = array<i32>} : memref<16x512xf32, #tpu.memory_space<vmem>>, vector<1x16xf32>,
        %get3A_270 = vector.shape_cast %get3A_269 : vector<1x16xf32> to vector<16xf32>
        %get3A_271 = arith.index_cast %scan3A_114 : i32 to index
        %get3A_272 = arith.constant 112 : index
        %get3A_273 = tpu.vector_load %arg16[%get3A_271, %get3A_272] {strides = array<i32>} : memref<16x512xf32, #tpu.memory_space<vmem>>, vector<1x16xf32>,
        %get3A_274 = vector.shape_cast %get3A_273 : vector<1x16xf32> to vector<16xf32>
        %add3A_275 = arith.constant 9.99999997E-7 : f32
        %add3A_276 = vector.broadcast %add3A_275 : f32 to vector<16xf32>
        %add3A_277 = arith.addf %get3A_266, %add3A_276 : vector<16xf32>
        %sub3A_278 = arith.subf %add3A_277, %get3A_270 : vector<16xf32>
        %sub3A_279 = arith.subf %add3A_277, %get3A_274 : vector<16xf32>
        %mul3A_280 = arith.mulf %sub3A_278, %sub3A_278 : vector<16xf32>
        %add3A_281 = arith.addf %add3A_260, %mul3A_280 : vector<16xf32>
        %mul3A_282 = arith.mulf %sub3A_279, %sub3A_279 : vector<16xf32>
        %add3A_283 = arith.addf %add3A_262, %mul3A_282 : vector<16xf32>
        %get3A_284 = arith.index_cast %scan3A_114 : i32 to index
        %get3A_285 = arith.constant 128 : index
        %get3A_286 = tpu.vector_load %arg14[%get3A_284, %get3A_285] {strides = array<i32>} : memref<16x512xf32, #tpu.memory_space<vmem>>, vector<1x16xf32>,
        %get3A_287 = vector.shape_cast %get3A_286 : vector<1x16xf32> to vector<16xf32>
        %get3A_288 = arith.index_cast %scan3A_114 : i32 to index
        %get3A_289 = arith.constant 128 : index
        %get3A_290 = tpu.vector_load %arg15[%get3A_288, %get3A_289] {strides = array<i32>} : memref<16x512xf32, #tpu.memory_space<vmem>>, vector<1x16xf32>,
        %get3A_291 = vector.shape_cast %get3A_290 : vector<1x16xf32> to vector<16xf32>
        %get3A_292 = arith.index_cast %scan3A_114 : i32 to index
        %get3A_293 = arith.constant 128 : index
        %get3A_294 = tpu.vector_load %arg16[%get3A_292, %get3A_293] {strides = array<i32>} : memref<16x512xf32, #tpu.memory_space<vmem>>, vector<1x16xf32>,
        %get3A_295 = vector.shape_cast %get3A_294 : vector<1x16xf32> to vector<16xf32>
        %add3A_296 = arith.constant 9.99999997E-7 : f32
        %add3A_297 = vector.broadcast %add3A_296 : f32 to vector<16xf32>
        %add3A_298 = arith.addf %get3A_287, %add3A_297 : vector<16xf32>
        %sub3A_299 = arith.subf %add3A_298, %get3A_291 : vector<16xf32>
        %sub3A_300 = arith.subf %add3A_298, %get3A_295 : vector<16xf32>
        %mul3A_301 = arith.mulf %sub3A_299, %sub3A_299 : vector<16xf32>
        %add3A_302 = arith.addf %add3A_281, %mul3A_301 : vector<16xf32>
        %mul3A_303 = arith.mulf %sub3A_300, %sub3A_300 : vector<16xf32>
        %add3A_304 = arith.addf %add3A_283, %mul3A_303 : vector<16xf32>
        %get3A_305 = arith.index_cast %scan3A_114 : i32 to index
        %get3A_306 = arith.constant 144 : index
        %get3A_307 = tpu.vector_load %arg14[%get3A_305, %get3A_306] {strides = array<i32>} : memref<16x512xf32, #tpu.memory_space<vmem>>, vector<1x16xf32>,
        %get3A_308 = vector.shape_cast %get3A_307 : vector<1x16xf32> to vector<16xf32>
        %get3A_309 = arith.index_cast %scan3A_114 : i32 to index
        %get3A_310 = arith.constant 144 : index
        %get3A_311 = tpu.vector_load %arg15[%get3A_309, %get3A_310] {strides = array<i32>} : memref<16x512xf32, #tpu.memory_space<vmem>>, vector<1x16xf32>,
        %get3A_312 = vector.shape_cast %get3A_311 : vector<1x16xf32> to vector<16xf32>
        %get3A_313 = arith.index_cast %scan3A_114 : i32 to index
        %get3A_314 = arith.constant 144 : index
        %get3A_315 = tpu.vector_load %arg16[%get3A_313, %get3A_314] {strides = array<i32>} : memref<16x512xf32, #tpu.memory_space<vmem>>, vector<1x16xf32>,
        %get3A_316 = vector.shape_cast %get3A_315 : vector<1x16xf32> to vector<16xf32>
        %add3A_317 = arith.constant 9.99999997E-7 : f32
        %add3A_318 = vector.broadcast %add3A_317 : f32 to vector<16xf32>
        %add3A_319 = arith.addf %get3A_308, %add3A_318 : vector<16xf32>
        %sub3A_320 = arith.subf %add3A_319, %get3A_312 : vector<16xf32>
        %sub3A_321 = arith.subf %add3A_319, %get3A_316 : vector<16xf32>
        %mul3A_322 = arith.mulf %sub3A_320, %sub3A_320 : vector<16xf32>
        %add3A_323 = arith.addf %add3A_302, %mul3A_322 : vector<16xf32>
        %mul3A_324 = arith.mulf %sub3A_321, %sub3A_321 : vector<16xf32>
        %add3A_325 = arith.addf %add3A_304, %mul3A_324 : vector<16xf32>
        %get3A_326 = arith.index_cast %scan3A_114 : i32 to index
        %get3A_327 = arith.constant 160 : index
        %get3A_328 = tpu.vector_load %arg14[%get3A_326, %get3A_327] {strides = array<i32>} : memref<16x512xf32, #tpu.memory_space<vmem>>, vector<1x16xf32>,
        %get3A_329 = vector.shape_cast %get3A_328 : vector<1x16xf32> to vector<16xf32>
        %get3A_330 = arith.index_cast %scan3A_114 : i32 to index
        %get3A_331 = arith.constant 160 : index
        %get3A_332 = tpu.vector_load %arg15[%get3A_330, %get3A_331] {strides = array<i32>} : memref<16x512xf32, #tpu.memory_space<vmem>>, vector<1x16xf32>,
        %get3A_333 = vector.shape_cast %get3A_332 : vector<1x16xf32> to vector<16xf32>
        %get3A_334 = arith.index_cast %scan3A_114 : i32 to index
        %get3A_335 = arith.constant 160 : index
        %get3A_336 = tpu.vector_load %arg16[%get3A_334, %get3A_335] {strides = array<i32>} : memref<16x512xf32, #tpu.memory_space<vmem>>, vector<1x16xf32>,
        %get3A_337 = vector.shape_cast %get3A_336 : vector<1x16xf32> to vector<16xf32>
        %add3A_338 = arith.constant 9.99999997E-7 : f32
        %add3A_339 = vector.broadcast %add3A_338 : f32 to vector<16xf32>
        %add3A_340 = arith.addf %get3A_329, %add3A_339 : vector<16xf32>
        %sub3A_341 = arith.subf %add3A_340, %get3A_333 : vector<16xf32>
        %sub3A_342 = arith.subf %add3A_340, %get3A_337 : vector<16xf32>
        %mul3A_343 = arith.mulf %sub3A_341, %sub3A_341 : vector<16xf32>
        %add3A_344 = arith.addf %add3A_323, %mul3A_343 : vector<16xf32>
        %mul3A_345 = arith.mulf %sub3A_342, %sub3A_342 : vector<16xf32>
        %add3A_346 = arith.addf %add3A_325, %mul3A_345 : vector<16xf32>
        %get3A_347 = arith.index_cast %scan3A_114 : i32 to index
        %get3A_348 = arith.constant 176 : index
        %get3A_349 = tpu.vector_load %arg14[%get3A_347, %get3A_348] {strides = array<i32>} : memref<16x512xf32, #tpu.memory_space<vmem>>, vector<1x16xf32>,
        %get3A_350 = vector.shape_cast %get3A_349 : vector<1x16xf32> to vector<16xf32>
        %get3A_351 = arith.index_cast %scan3A_114 : i32 to index
        %get3A_352 = arith.constant 176 : index
        %get3A_353 = tpu.vector_load %arg15[%get3A_351, %get3A_352] {strides = array<i32>} : memref<16x512xf32, #tpu.memory_space<vmem>>, vector<1x16xf32>,
        %get3A_354 = vector.shape_cast %get3A_353 : vector<1x16xf32> to vector<16xf32>
        %get3A_355 = arith.index_cast %scan3A_114 : i32 to index
        %get3A_356 = arith.constant 176 : index
        %get3A_357 = tpu.vector_load %arg16[%get3A_355, %get3A_356] {strides = array<i32>} : memref<16x512xf32, #tpu.memory_space<vmem>>, vector<1x16xf32>,
        %get3A_358 = vector.shape_cast %get3A_357 : vector<1x16xf32> to vector<16xf32>
        %add3A_359 = arith.constant 9.99999997E-7 : f32
        %add3A_360 = vector.broadcast %add3A_359 : f32 to vector<16xf32>
        %add3A_361 = arith.addf %get3A_350, %add3A_360 : vector<16xf32>
        %sub3A_362 = arith.subf %add3A_361, %get3A_354 : vector<16xf32>
        %sub3A_363 = arith.subf %add3A_361, %get3A_358 : vector<16xf32>
        %mul3A_364 = arith.mulf %sub3A_362, %sub3A_362 : vector<16xf32>
        %add3A_365 = arith.addf %add3A_344, %mul3A_364 : vector<16xf32>
        %mul3A_366 = arith.mulf %sub3A_363, %sub3A_363 : vector<16xf32>
        %add3A_367 = arith.addf %add3A_346, %mul3A_366 : vector<16xf32>
        %get3A_368 = arith.index_cast %scan3A_114 : i32 to index
        %get3A_369 = arith.constant 192 : index
        %get3A_370 = tpu.vector_load %arg14[%get3A_368, %get3A_369] {strides = array<i32>} : memref<16x512xf32, #tpu.memory_space<vmem>>, vector<1x16xf32>,
        %get3A_371 = vector.shape_cast %get3A_370 : vector<1x16xf32> to vector<16xf32>
        %get3A_372 = arith.index_cast %scan3A_114 : i32 to index
        %get3A_373 = arith.constant 192 : index
        %get3A_374 = tpu.vector_load %arg15[%get3A_372, %get3A_373] {strides = array<i32>} : memref<16x512xf32, #tpu.memory_space<vmem>>, vector<1x16xf32>,
        %get3A_375 = vector.shape_cast %get3A_374 : vector<1x16xf32> to vector<16xf32>
        %get3A_376 = arith.index_cast %scan3A_114 : i32 to index
        %get3A_377 = arith.constant 192 : index
        %get3A_378 = tpu.vector_load %arg16[%get3A_376, %get3A_377] {strides = array<i32>} : memref<16x512xf32, #tpu.memory_space<vmem>>, vector<1x16xf32>,
        %get3A_379 = vector.shape_cast %get3A_378 : vector<1x16xf32> to vector<16xf32>
        %add3A_380 = arith.constant 9.99999997E-7 : f32
        %add3A_381 = vector.broadcast %add3A_380 : f32 to vector<16xf32>
        %add3A_382 = arith.addf %get3A_371, %add3A_381 : vector<16xf32>
        %sub3A_383 = arith.subf %add3A_382, %get3A_375 : vector<16xf32>
        %sub3A_384 = arith.subf %add3A_382, %get3A_379 : vector<16xf32>
        %mul3A_385 = arith.mulf %sub3A_383, %sub3A_383 : vector<16xf32>
        %add3A_386 = arith.addf %add3A_365, %mul3A_385 : vector<16xf32>
        %mul3A_387 = arith.mulf %sub3A_384, %sub3A_384 : vector<16xf32>
        %add3A_388 = arith.addf %add3A_367, %mul3A_387 : vector<16xf32>
        %get3A_389 = arith.index_cast %scan3A_114 : i32 to index
        %get3A_390 = arith.constant 208 : index
        %get3A_391 = tpu.vector_load %arg14[%get3A_389, %get3A_390] {strides = array<i32>} : memref<16x512xf32, #tpu.memory_space<vmem>>, vector<1x16xf32>,
        %get3A_392 = vector.shape_cast %get3A_391 : vector<1x16xf32> to vector<16xf32>
        %get3A_393 = arith.index_cast %scan3A_114 : i32 to index
        %get3A_394 = arith.constant 208 : index
        %get3A_395 = tpu.vector_load %arg15[%get3A_393, %get3A_394] {strides = array<i32>} : memref<16x512xf32, #tpu.memory_space<vmem>>, vector<1x16xf32>,
        %get3A_396 = vector.shape_cast %get3A_395 : vector<1x16xf32> to vector<16xf32>
        %get3A_397 = arith.index_cast %scan3A_114 : i32 to index
        %get3A_398 = arith.constant 208 : index
        %get3A_399 = tpu.vector_load %arg16[%get3A_397, %get3A_398] {strides = array<i32>} : memref<16x512xf32, #tpu.memory_space<vmem>>, vector<1x16xf32>,
        %get3A_400 = vector.shape_cast %get3A_399 : vector<1x16xf32> to vector<16xf32>
        %add3A_401 = arith.constant 9.99999997E-7 : f32
        %add3A_402 = vector.broadcast %add3A_401 : f32 to vector<16xf32>
        %add3A_403 = arith.addf %get3A_392, %add3A_402 : vector<16xf32>
        %sub3A_404 = arith.subf %add3A_403, %get3A_396 : vector<16xf32>
        %sub3A_405 = arith.subf %add3A_403, %get3A_400 : vector<16xf32>
        %mul3A_406 = arith.mulf %sub3A_404, %sub3A_404 : vector<16xf32>
        %add3A_407 = arith.addf %add3A_386, %mul3A_406 : vector<16xf32>
        %mul3A_408 = arith.mulf %sub3A_405, %sub3A_405 : vector<16xf32>
        %add3A_409 = arith.addf %add3A_388, %mul3A_408 : vector<16xf32>
        %get3A_410 = arith.index_cast %scan3A_114 : i32 to index
        %get3A_411 = arith.constant 224 : index
        %get3A_412 = tpu.vector_load %arg14[%get3A_410, %get3A_411] {strides = array<i32>} : memref<16x512xf32, #tpu.memory_space<vmem>>, vector<1x16xf32>,
        %get3A_413 = vector.shape_cast %get3A_412 : vector<1x16xf32> to vector<16xf32>
        %get3A_414 = arith.index_cast %scan3A_114 : i32 to index
        %get3A_415 = arith.constant 224 : index
        %get3A_416 = tpu.vector_load %arg15[%get3A_414, %get3A_415] {strides = array<i32>} : memref<16x512xf32, #tpu.memory_space<vmem>>, vector<1x16xf32>,
        %get3A_417 = vector.shape_cast %get3A_416 : vector<1x16xf32> to vector<16xf32>
        %get3A_418 = arith.index_cast %scan3A_114 : i32 to index
        %get3A_419 = arith.constant 224 : index
        %get3A_420 = tpu.vector_load %arg16[%get3A_418, %get3A_419] {strides = array<i32>} : memref<16x512xf32, #tpu.memory_space<vmem>>, vector<1x16xf32>,
        %get3A_421 = vector.shape_cast %get3A_420 : vector<1x16xf32> to vector<16xf32>
        %add3A_422 = arith.constant 9.99999997E-7 : f32
        %add3A_423 = vector.broadcast %add3A_422 : f32 to vector<16xf32>
        %add3A_424 = arith.addf %get3A_413, %add3A_423 : vector<16xf32>
        %sub3A_425 = arith.subf %add3A_424, %get3A_417 : vector<16xf32>
        %sub3A_426 = arith.subf %add3A_424, %get3A_421 : vector<16xf32>
        %mul3A_427 = arith.mulf %sub3A_425, %sub3A_425 : vector<16xf32>
        %add3A_428 = arith.addf %add3A_407, %mul3A_427 : vector<16xf32>
        %mul3A_429 = arith.mulf %sub3A_426, %sub3A_426 : vector<16xf32>
        %add3A_430 = arith.addf %add3A_409, %mul3A_429 : vector<16xf32>
        %get3A_431 = arith.index_cast %scan3A_114 : i32 to index
        %get3A_432 = arith.constant 240 : index
        %get3A_433 = tpu.vector_load %arg14[%get3A_431, %get3A_432] {strides = array<i32>} : memref<16x512xf32, #tpu.memory_space<vmem>>, vector<1x16xf32>,
        %get3A_434 = vector.shape_cast %get3A_433 : vector<1x16xf32> to vector<16xf32>
        %get3A_435 = arith.index_cast %scan3A_114 : i32 to index
        %get3A_436 = arith.constant 240 : index
        %get3A_437 = tpu.vector_load %arg15[%get3A_435, %get3A_436] {strides = array<i32>} : memref<16x512xf32, #tpu.memory_space<vmem>>, vector<1x16xf32>,
        %get3A_438 = vector.shape_cast %get3A_437 : vector<1x16xf32> to vector<16xf32>
        %get3A_439 = arith.index_cast %scan3A_114 : i32 to index
        %get3A_440 = arith.constant 240 : index
        %get3A_441 = tpu.vector_load %arg16[%get3A_439, %get3A_440] {strides = array<i32>} : memref<16x512xf32, #tpu.memory_space<vmem>>, vector<1x16xf32>,
        %get3A_442 = vector.shape_cast %get3A_441 : vector<1x16xf32> to vector<16xf32>
        %add3A_443 = arith.constant 9.99999997E-7 : f32
        %add3A_444 = vector.broadcast %add3A_443 : f32 to vector<16xf32>
        %add3A_445 = arith.addf %get3A_434, %add3A_444 : vector<16xf32>
        %sub3A_446 = arith.subf %add3A_445, %get3A_438 : vector<16xf32>
        %sub3A_447 = arith.subf %add3A_445, %get3A_442 : vector<16xf32>
        %mul3A_448 = arith.mulf %sub3A_446, %sub3A_446 : vector<16xf32>
        %add3A_449 = arith.addf %add3A_428, %mul3A_448 : vector<16xf32>
        %mul3A_450 = arith.mulf %sub3A_447, %sub3A_447 : vector<16xf32>
        %add3A_451 = arith.addf %add3A_430, %mul3A_450 : vector<16xf32>
        %get3A_452 = arith.index_cast %scan3A_114 : i32 to index
        %get3A_453 = arith.constant 256 : index
        %get3A_454 = tpu.vector_load %arg14[%get3A_452, %get3A_453] {strides = array<i32>} : memref<16x512xf32, #tpu.memory_space<vmem>>, vector<1x16xf32>,
        %get3A_455 = vector.shape_cast %get3A_454 : vector<1x16xf32> to vector<16xf32>
        %get3A_456 = arith.index_cast %scan3A_114 : i32 to index
        %get3A_457 = arith.constant 256 : index
        %get3A_458 = tpu.vector_load %arg15[%get3A_456, %get3A_457] {strides = array<i32>} : memref<16x512xf32, #tpu.memory_space<vmem>>, vector<1x16xf32>,
        %get3A_459 = vector.shape_cast %get3A_458 : vector<1x16xf32> to vector<16xf32>
        %get3A_460 = arith.index_cast %scan3A_114 : i32 to index
        %get3A_461 = arith.constant 256 : index
        %get3A_462 = tpu.vector_load %arg16[%get3A_460, %get3A_461] {strides = array<i32>} : memref<16x512xf32, #tpu.memory_space<vmem>>, vector<1x16xf32>,
        %get3A_463 = vector.shape_cast %get3A_462 : vector<1x16xf32> to vector<16xf32>
        %add3A_464 = arith.constant 9.99999997E-7 : f32
        %add3A_465 = vector.broadcast %add3A_464 : f32 to vector<16xf32>
        %add3A_466 = arith.addf %get3A_455, %add3A_465 : vector<16xf32>
        %sub3A_467 = arith.subf %add3A_466, %get3A_459 : vector<16xf32>
        %sub3A_468 = arith.subf %add3A_466, %get3A_463 : vector<16xf32>
        %mul3A_469 = arith.mulf %sub3A_467, %sub3A_467 : vector<16xf32>
        %add3A_470 = arith.addf %add3A_449, %mul3A_469 : vector<16xf32>
        %mul3A_471 = arith.mulf %sub3A_468, %sub3A_468 : vector<16xf32>
        %add3A_472 = arith.addf %add3A_451, %mul3A_471 : vector<16xf32>
        %get3A_473 = arith.index_cast %scan3A_114 : i32 to index
        %get3A_474 = arith.constant 272 : index
        %get3A_475 = tpu.vector_load %arg14[%get3A_473, %get3A_474] {strides = array<i32>} : memref<16x512xf32, #tpu.memory_space<vmem>>, vector<1x16xf32>,
        %get3A_476 = vector.shape_cast %get3A_475 : vector<1x16xf32> to vector<16xf32>
        %get3A_477 = arith.index_cast %scan3A_114 : i32 to index
        %get3A_478 = arith.constant 272 : index
        %get3A_479 = tpu.vector_load %arg15[%get3A_477, %get3A_478] {strides = array<i32>} : memref<16x512xf32, #tpu.memory_space<vmem>>, vector<1x16xf32>,
        %get3A_480 = vector.shape_cast %get3A_479 : vector<1x16xf32> to vector<16xf32>
        %get3A_481 = arith.index_cast %scan3A_114 : i32 to index
        %get3A_482 = arith.constant 272 : index
        %get3A_483 = tpu.vector_load %arg16[%get3A_481, %get3A_482] {strides = array<i32>} : memref<16x512xf32, #tpu.memory_space<vmem>>, vector<1x16xf32>,
        %get3A_484 = vector.shape_cast %get3A_483 : vector<1x16xf32> to vector<16xf32>
        %add3A_485 = arith.constant 9.99999997E-7 : f32
        %add3A_486 = vector.broadcast %add3A_485 : f32 to vector<16xf32>
        %add3A_487 = arith.addf %get3A_476, %add3A_486 : vector<16xf32>
        %sub3A_488 = arith.subf %add3A_487, %get3A_480 : vector<16xf32>
        %sub3A_489 = arith.subf %add3A_487, %get3A_484 : vector<16xf32>
        %mul3A_490 = arith.mulf %sub3A_488, %sub3A_488 : vector<16xf32>
        %add3A_491 = arith.addf %add3A_470, %mul3A_490 : vector<16xf32>
        %mul3A_492 = arith.mulf %sub3A_489, %sub3A_489 : vector<16xf32>
        %add3A_493 = arith.addf %add3A_472, %mul3A_492 : vector<16xf32>
        %get3A_494 = arith.index_cast %scan3A_114 : i32 to index
        %get3A_495 = arith.constant 288 : index
        %get3A_496 = tpu.vector_load %arg14[%get3A_494, %get3A_495] {strides = array<i32>} : memref<16x512xf32, #tpu.memory_space<vmem>>, vector<1x16xf32>,
        %get3A_497 = vector.shape_cast %get3A_496 : vector<1x16xf32> to vector<16xf32>
        %get3A_498 = arith.index_cast %scan3A_114 : i32 to index
        %get3A_499 = arith.constant 288 : index
        %get3A_500 = tpu.vector_load %arg15[%get3A_498, %get3A_499] {strides = array<i32>} : memref<16x512xf32, #tpu.memory_space<vmem>>, vector<1x16xf32>,
        %get3A_501 = vector.shape_cast %get3A_500 : vector<1x16xf32> to vector<16xf32>
        %get3A_502 = arith.index_cast %scan3A_114 : i32 to index
        %get3A_503 = arith.constant 288 : index
        %get3A_504 = tpu.vector_load %arg16[%get3A_502, %get3A_503] {strides = array<i32>} : memref<16x512xf32, #tpu.memory_space<vmem>>, vector<1x16xf32>,
        %get3A_505 = vector.shape_cast %get3A_504 : vector<1x16xf32> to vector<16xf32>
        %add3A_506 = arith.constant 9.99999997E-7 : f32
        %add3A_507 = vector.broadcast %add3A_506 : f32 to vector<16xf32>
        %add3A_508 = arith.addf %get3A_497, %add3A_507 : vector<16xf32>
        %sub3A_509 = arith.subf %add3A_508, %get3A_501 : vector<16xf32>
        %sub3A_510 = arith.subf %add3A_508, %get3A_505 : vector<16xf32>
        %mul3A_511 = arith.mulf %sub3A_509, %sub3A_509 : vector<16xf32>
        %add3A_512 = arith.addf %add3A_491, %mul3A_511 : vector<16xf32>
        %mul3A_513 = arith.mulf %sub3A_510, %sub3A_510 : vector<16xf32>
        %add3A_514 = arith.addf %add3A_493, %mul3A_513 : vector<16xf32>
        %get3A_515 = arith.index_cast %scan3A_114 : i32 to index
        %get3A_516 = arith.constant 304 : index
        %get3A_517 = tpu.vector_load %arg14[%get3A_515, %get3A_516] {strides = array<i32>} : memref<16x512xf32, #tpu.memory_space<vmem>>, vector<1x16xf32>,
        %get3A_518 = vector.shape_cast %get3A_517 : vector<1x16xf32> to vector<16xf32>
        %get3A_519 = arith.index_cast %scan3A_114 : i32 to index
        %get3A_520 = arith.constant 304 : index
        %get3A_521 = tpu.vector_load %arg15[%get3A_519, %get3A_520] {strides = array<i32>} : memref<16x512xf32, #tpu.memory_space<vmem>>, vector<1x16xf32>,
        %get3A_522 = vector.shape_cast %get3A_521 : vector<1x16xf32> to vector<16xf32>
        %get3A_523 = arith.index_cast %scan3A_114 : i32 to index
        %get3A_524 = arith.constant 304 : index
        %get3A_525 = tpu.vector_load %arg16[%get3A_523, %get3A_524] {strides = array<i32>} : memref<16x512xf32, #tpu.memory_space<vmem>>, vector<1x16xf32>,
        %get3A_526 = vector.shape_cast %get3A_525 : vector<1x16xf32> to vector<16xf32>
        %add3A_527 = arith.constant 9.99999997E-7 : f32
        %add3A_528 = vector.broadcast %add3A_527 : f32 to vector<16xf32>
        %add3A_529 = arith.addf %get3A_518, %add3A_528 : vector<16xf32>
        %sub3A_530 = arith.subf %add3A_529, %get3A_522 : vector<16xf32>
        %sub3A_531 = arith.subf %add3A_529, %get3A_526 : vector<16xf32>
        %mul3A_532 = arith.mulf %sub3A_530, %sub3A_530 : vector<16xf32>
        %add3A_533 = arith.addf %add3A_512, %mul3A_532 : vector<16xf32>
        %mul3A_534 = arith.mulf %sub3A_531, %sub3A_531 : vector<16xf32>
        %add3A_535 = arith.addf %add3A_514, %mul3A_534 : vector<16xf32>
        %get3A_536 = arith.index_cast %scan3A_114 : i32 to index
        %get3A_537 = arith.constant 320 : index
        %get3A_538 = tpu.vector_load %arg14[%get3A_536, %get3A_537] {strides = array<i32>} : memref<16x512xf32, #tpu.memory_space<vmem>>, vector<1x16xf32>,
        %get3A_539 = vector.shape_cast %get3A_538 : vector<1x16xf32> to vector<16xf32>
        %get3A_540 = arith.index_cast %scan3A_114 : i32 to index
        %get3A_541 = arith.constant 320 : index
        %get3A_542 = tpu.vector_load %arg15[%get3A_540, %get3A_541] {strides = array<i32>} : memref<16x512xf32, #tpu.memory_space<vmem>>, vector<1x16xf32>,
        %get3A_543 = vector.shape_cast %get3A_542 : vector<1x16xf32> to vector<16xf32>
        %get3A_544 = arith.index_cast %scan3A_114 : i32 to index
        %get3A_545 = arith.constant 320 : index
        %get3A_546 = tpu.vector_load %arg16[%get3A_544, %get3A_545] {strides = array<i32>} : memref<16x512xf32, #tpu.memory_space<vmem>>, vector<1x16xf32>,
        %get3A_547 = vector.shape_cast %get3A_546 : vector<1x16xf32> to vector<16xf32>
        %add3A_548 = arith.constant 9.99999997E-7 : f32
        %add3A_549 = vector.broadcast %add3A_548 : f32 to vector<16xf32>
        %add3A_550 = arith.addf %get3A_539, %add3A_549 : vector<16xf32>
        %sub3A_551 = arith.subf %add3A_550, %get3A_543 : vector<16xf32>
        %sub3A_552 = arith.subf %add3A_550, %get3A_547 : vector<16xf32>
        %mul3A_553 = arith.mulf %sub3A_551, %sub3A_551 : vector<16xf32>
        %add3A_554 = arith.addf %add3A_533, %mul3A_553 : vector<16xf32>
        %mul3A_555 = arith.mulf %sub3A_552, %sub3A_552 : vector<16xf32>
        %add3A_556 = arith.addf %add3A_535, %mul3A_555 : vector<16xf32>
        %get3A_557 = arith.index_cast %scan3A_114 : i32 to index
        %get3A_558 = arith.constant 336 : index
        %get3A_559 = tpu.vector_load %arg14[%get3A_557, %get3A_558] {strides = array<i32>} : memref<16x512xf32, #tpu.memory_space<vmem>>, vector<1x16xf32>,
        %get3A_560 = vector.shape_cast %get3A_559 : vector<1x16xf32> to vector<16xf32>
        %get3A_561 = arith.index_cast %scan3A_114 : i32 to index
        %get3A_562 = arith.constant 336 : index
        %get3A_563 = tpu.vector_load %arg15[%get3A_561, %get3A_562] {strides = array<i32>} : memref<16x512xf32, #tpu.memory_space<vmem>>, vector<1x16xf32>,
        %get3A_564 = vector.shape_cast %get3A_563 : vector<1x16xf32> to vector<16xf32>
        %get3A_565 = arith.index_cast %scan3A_114 : i32 to index
        %get3A_566 = arith.constant 336 : index
        %get3A_567 = tpu.vector_load %arg16[%get3A_565, %get3A_566] {strides = array<i32>} : memref<16x512xf32, #tpu.memory_space<vmem>>, vector<1x16xf32>,
        %get3A_568 = vector.shape_cast %get3A_567 : vector<1x16xf32> to vector<16xf32>
        %add3A_569 = arith.constant 9.99999997E-7 : f32
        %add3A_570 = vector.broadcast %add3A_569 : f32 to vector<16xf32>
        %add3A_571 = arith.addf %get3A_560, %add3A_570 : vector<16xf32>
        %sub3A_572 = arith.subf %add3A_571, %get3A_564 : vector<16xf32>
        %sub3A_573 = arith.subf %add3A_571, %get3A_568 : vector<16xf32>
        %mul3A_574 = arith.mulf %sub3A_572, %sub3A_572 : vector<16xf32>
        %add3A_575 = arith.addf %add3A_554, %mul3A_574 : vector<16xf32>
        %mul3A_576 = arith.mulf %sub3A_573, %sub3A_573 : vector<16xf32>
        %add3A_577 = arith.addf %add3A_556, %mul3A_576 : vector<16xf32>
        %get3A_578 = arith.index_cast %scan3A_114 : i32 to index
        %get3A_579 = arith.constant 352 : index
        %get3A_580 = tpu.vector_load %arg14[%get3A_578, %get3A_579] {strides = array<i32>} : memref<16x512xf32, #tpu.memory_space<vmem>>, vector<1x16xf32>,
        %get3A_581 = vector.shape_cast %get3A_580 : vector<1x16xf32> to vector<16xf32>
        %get3A_582 = arith.index_cast %scan3A_114 : i32 to index
        %get3A_583 = arith.constant 352 : index
        %get3A_584 = tpu.vector_load %arg15[%get3A_582, %get3A_583] {strides = array<i32>} : memref<16x512xf32, #tpu.memory_space<vmem>>, vector<1x16xf32>,
        %get3A_585 = vector.shape_cast %get3A_584 : vector<1x16xf32> to vector<16xf32>
        %get3A_586 = arith.index_cast %scan3A_114 : i32 to index
        %get3A_587 = arith.constant 352 : index
        %get3A_588 = tpu.vector_load %arg16[%get3A_586, %get3A_587] {strides = array<i32>} : memref<16x512xf32, #tpu.memory_space<vmem>>, vector<1x16xf32>,
        %get3A_589 = vector.shape_cast %get3A_588 : vector<1x16xf32> to vector<16xf32>
        %add3A_590 = arith.constant 9.99999997E-7 : f32
        %add3A_591 = vector.broadcast %add3A_590 : f32 to vector<16xf32>
        %add3A_592 = arith.addf %get3A_581, %add3A_591 : vector<16xf32>
        %sub3A_593 = arith.subf %add3A_592, %get3A_585 : vector<16xf32>
        %sub3A_594 = arith.subf %add3A_592, %get3A_589 : vector<16xf32>
        %mul3A_595 = arith.mulf %sub3A_593, %sub3A_593 : vector<16xf32>
        %add3A_596 = arith.addf %add3A_575, %mul3A_595 : vector<16xf32>
        %mul3A_597 = arith.mulf %sub3A_594, %sub3A_594 : vector<16xf32>
        %add3A_598 = arith.addf %add3A_577, %mul3A_597 : vector<16xf32>
        %get3A_599 = arith.index_cast %scan3A_114 : i32 to index
        %get3A_600 = arith.constant 368 : index
        %get3A_601 = tpu.vector_load %arg14[%get3A_599, %get3A_600] {strides = array<i32>} : memref<16x512xf32, #tpu.memory_space<vmem>>, vector<1x16xf32>,
        %get3A_602 = vector.shape_cast %get3A_601 : vector<1x16xf32> to vector<16xf32>
        %get3A_603 = arith.index_cast %scan3A_114 : i32 to index
        %get3A_604 = arith.constant 368 : index
        %get3A_605 = tpu.vector_load %arg15[%get3A_603, %get3A_604] {strides = array<i32>} : memref<16x512xf32, #tpu.memory_space<vmem>>, vector<1x16xf32>,
        %get3A_606 = vector.shape_cast %get3A_605 : vector<1x16xf32> to vector<16xf32>
        %get3A_607 = arith.index_cast %scan3A_114 : i32 to index
        %get3A_608 = arith.constant 368 : index
        %get3A_609 = tpu.vector_load %arg16[%get3A_607, %get3A_608] {strides = array<i32>} : memref<16x512xf32, #tpu.memory_space<vmem>>, vector<1x16xf32>,
        %get3A_610 = vector.shape_cast %get3A_609 : vector<1x16xf32> to vector<16xf32>
        %add3A_611 = arith.constant 9.99999997E-7 : f32
        %add3A_612 = vector.broadcast %add3A_611 : f32 to vector<16xf32>
        %add3A_613 = arith.addf %get3A_602, %add3A_612 : vector<16xf32>
        %sub3A_614 = arith.subf %add3A_613, %get3A_606 : vector<16xf32>
        %sub3A_615 = arith.subf %add3A_613, %get3A_610 : vector<16xf32>
        %mul3A_616 = arith.mulf %sub3A_614, %sub3A_614 : vector<16xf32>
        %add3A_617 = arith.addf %add3A_596, %mul3A_616 : vector<16xf32>
        %mul3A_618 = arith.mulf %sub3A_615, %sub3A_615 : vector<16xf32>
        %add3A_619 = arith.addf %add3A_598, %mul3A_618 : vector<16xf32>
        %get3A_620 = arith.index_cast %scan3A_114 : i32 to index
        %get3A_621 = arith.constant 384 : index
        %get3A_622 = tpu.vector_load %arg14[%get3A_620, %get3A_621] {strides = array<i32>} : memref<16x512xf32, #tpu.memory_space<vmem>>, vector<1x16xf32>,
        %get3A_623 = vector.shape_cast %get3A_622 : vector<1x16xf32> to vector<16xf32>
        %get3A_624 = arith.index_cast %scan3A_114 : i32 to index
        %get3A_625 = arith.constant 384 : index
        %get3A_626 = tpu.vector_load %arg15[%get3A_624, %get3A_625] {strides = array<i32>} : memref<16x512xf32, #tpu.memory_space<vmem>>, vector<1x16xf32>,
        %get3A_627 = vector.shape_cast %get3A_626 : vector<1x16xf32> to vector<16xf32>
        %get3A_628 = arith.index_cast %scan3A_114 : i32 to index
        %get3A_629 = arith.constant 384 : index
        %get3A_630 = tpu.vector_load %arg16[%get3A_628, %get3A_629] {strides = array<i32>} : memref<16x512xf32, #tpu.memory_space<vmem>>, vector<1x16xf32>,
        %get3A_631 = vector.shape_cast %get3A_630 : vector<1x16xf32> to vector<16xf32>
        %add3A_632 = arith.constant 9.99999997E-7 : f32
        %add3A_633 = vector.broadcast %add3A_632 : f32 to vector<16xf32>
        %add3A_634 = arith.addf %get3A_623, %add3A_633 : vector<16xf32>
        %sub3A_635 = arith.subf %add3A_634, %get3A_627 : vector<16xf32>
        %sub3A_636 = arith.subf %add3A_634, %get3A_631 : vector<16xf32>
        %mul3A_637 = arith.mulf %sub3A_635, %sub3A_635 : vector<16xf32>
        %add3A_638 = arith.addf %add3A_617, %mul3A_637 : vector<16xf32>
        %mul3A_639 = arith.mulf %sub3A_636, %sub3A_636 : vector<16xf32>
        %add3A_640 = arith.addf %add3A_619, %mul3A_639 : vector<16xf32>
        %get3A_641 = arith.index_cast %scan3A_114 : i32 to index
        %get3A_642 = arith.constant 400 : index
        %get3A_643 = tpu.vector_load %arg14[%get3A_641, %get3A_642] {strides = array<i32>} : memref<16x512xf32, #tpu.memory_space<vmem>>, vector<1x16xf32>,
        %get3A_644 = vector.shape_cast %get3A_643 : vector<1x16xf32> to vector<16xf32>
        %get3A_645 = arith.index_cast %scan3A_114 : i32 to index
        %get3A_646 = arith.constant 400 : index
        %get3A_647 = tpu.vector_load %arg15[%get3A_645, %get3A_646] {strides = array<i32>} : memref<16x512xf32, #tpu.memory_space<vmem>>, vector<1x16xf32>,
        %get3A_648 = vector.shape_cast %get3A_647 : vector<1x16xf32> to vector<16xf32>
        %get3A_649 = arith.index_cast %scan3A_114 : i32 to index
        %get3A_650 = arith.constant 400 : index
        %get3A_651 = tpu.vector_load %arg16[%get3A_649, %get3A_650] {strides = array<i32>} : memref<16x512xf32, #tpu.memory_space<vmem>>, vector<1x16xf32>,
        %get3A_652 = vector.shape_cast %get3A_651 : vector<1x16xf32> to vector<16xf32>
        %add3A_653 = arith.constant 9.99999997E-7 : f32
        %add3A_654 = vector.broadcast %add3A_653 : f32 to vector<16xf32>
        %add3A_655 = arith.addf %get3A_644, %add3A_654 : vector<16xf32>
        %sub3A_656 = arith.subf %add3A_655, %get3A_648 : vector<16xf32>
        %sub3A_657 = arith.subf %add3A_655, %get3A_652 : vector<16xf32>
        %mul3A_658 = arith.mulf %sub3A_656, %sub3A_656 : vector<16xf32>
        %add3A_659 = arith.addf %add3A_638, %mul3A_658 : vector<16xf32>
        %mul3A_660 = arith.mulf %sub3A_657, %sub3A_657 : vector<16xf32>
        %add3A_661 = arith.addf %add3A_640, %mul3A_660 : vector<16xf32>
        %get3A_662 = arith.index_cast %scan3A_114 : i32 to index
        %get3A_663 = arith.constant 416 : index
        %get3A_664 = tpu.vector_load %arg14[%get3A_662, %get3A_663] {strides = array<i32>} : memref<16x512xf32, #tpu.memory_space<vmem>>, vector<1x16xf32>,
        %get3A_665 = vector.shape_cast %get3A_664 : vector<1x16xf32> to vector<16xf32>
        %get3A_666 = arith.index_cast %scan3A_114 : i32 to index
        %get3A_667 = arith.constant 416 : index
        %get3A_668 = tpu.vector_load %arg15[%get3A_666, %get3A_667] {strides = array<i32>} : memref<16x512xf32, #tpu.memory_space<vmem>>, vector<1x16xf32>,
        %get3A_669 = vector.shape_cast %get3A_668 : vector<1x16xf32> to vector<16xf32>
        %get3A_670 = arith.index_cast %scan3A_114 : i32 to index
        %get3A_671 = arith.constant 416 : index
        %get3A_672 = tpu.vector_load %arg16[%get3A_670, %get3A_671] {strides = array<i32>} : memref<16x512xf32, #tpu.memory_space<vmem>>, vector<1x16xf32>,
        %get3A_673 = vector.shape_cast %get3A_672 : vector<1x16xf32> to vector<16xf32>
        %add3A_674 = arith.constant 9.99999997E-7 : f32
        %add3A_675 = vector.broadcast %add3A_674 : f32 to vector<16xf32>
        %add3A_676 = arith.addf %get3A_665, %add3A_675 : vector<16xf32>
        %sub3A_677 = arith.subf %add3A_676, %get3A_669 : vector<16xf32>
        %sub3A_678 = arith.subf %add3A_676, %get3A_673 : vector<16xf32>
        %mul3A_679 = arith.mulf %sub3A_677, %sub3A_677 : vector<16xf32>
        %add3A_680 = arith.addf %add3A_659, %mul3A_679 : vector<16xf32>
        %mul3A_681 = arith.mulf %sub3A_678, %sub3A_678 : vector<16xf32>
        %add3A_682 = arith.addf %add3A_661, %mul3A_681 : vector<16xf32>
        %get3A_683 = arith.index_cast %scan3A_114 : i32 to index
        %get3A_684 = arith.constant 432 : index
        %get3A_685 = tpu.vector_load %arg14[%get3A_683, %get3A_684] {strides = array<i32>} : memref<16x512xf32, #tpu.memory_space<vmem>>, vector<1x16xf32>,
        %get3A_686 = vector.shape_cast %get3A_685 : vector<1x16xf32> to vector<16xf32>
        %get3A_687 = arith.index_cast %scan3A_114 : i32 to index
        %get3A_688 = arith.constant 432 : index
        %get3A_689 = tpu.vector_load %arg15[%get3A_687, %get3A_688] {strides = array<i32>} : memref<16x512xf32, #tpu.memory_space<vmem>>, vector<1x16xf32>,
        %get3A_690 = vector.shape_cast %get3A_689 : vector<1x16xf32> to vector<16xf32>
        %get3A_691 = arith.index_cast %scan3A_114 : i32 to index
        %get3A_692 = arith.constant 432 : index
        %get3A_693 = tpu.vector_load %arg16[%get3A_691, %get3A_692] {strides = array<i32>} : memref<16x512xf32, #tpu.memory_space<vmem>>, vector<1x16xf32>,
        %get3A_694 = vector.shape_cast %get3A_693 : vector<1x16xf32> to vector<16xf32>
        %add3A_695 = arith.constant 9.99999997E-7 : f32
        %add3A_696 = vector.broadcast %add3A_695 : f32 to vector<16xf32>
        %add3A_697 = arith.addf %get3A_686, %add3A_696 : vector<16xf32>
        %sub3A_698 = arith.subf %add3A_697, %get3A_690 : vector<16xf32>
        %sub3A_699 = arith.subf %add3A_697, %get3A_694 : vector<16xf32>
        %mul3A_700 = arith.mulf %sub3A_698, %sub3A_698 : vector<16xf32>
        %add3A_701 = arith.addf %add3A_680, %mul3A_700 : vector<16xf32>
        %mul3A_702 = arith.mulf %sub3A_699, %sub3A_699 : vector<16xf32>
        %add3A_703 = arith.addf %add3A_682, %mul3A_702 : vector<16xf32>
        %get3A_704 = arith.index_cast %scan3A_114 : i32 to index
        %get3A_705 = arith.constant 448 : index
        %get3A_706 = tpu.vector_load %arg14[%get3A_704, %get3A_705] {strides = array<i32>} : memref<16x512xf32, #tpu.memory_space<vmem>>, vector<1x16xf32>,
        %get3A_707 = vector.shape_cast %get3A_706 : vector<1x16xf32> to vector<16xf32>
        %get3A_708 = arith.index_cast %scan3A_114 : i32 to index
        %get3A_709 = arith.constant 448 : index
        %get3A_710 = tpu.vector_load %arg15[%get3A_708, %get3A_709] {strides = array<i32>} : memref<16x512xf32, #tpu.memory_space<vmem>>, vector<1x16xf32>,
        %get3A_711 = vector.shape_cast %get3A_710 : vector<1x16xf32> to vector<16xf32>
        %get3A_712 = arith.index_cast %scan3A_114 : i32 to index
        %get3A_713 = arith.constant 448 : index
        %get3A_714 = tpu.vector_load %arg16[%get3A_712, %get3A_713] {strides = array<i32>} : memref<16x512xf32, #tpu.memory_space<vmem>>, vector<1x16xf32>,
        %get3A_715 = vector.shape_cast %get3A_714 : vector<1x16xf32> to vector<16xf32>
        %add3A_716 = arith.constant 9.99999997E-7 : f32
        %add3A_717 = vector.broadcast %add3A_716 : f32 to vector<16xf32>
        %add3A_718 = arith.addf %get3A_707, %add3A_717 : vector<16xf32>
        %sub3A_719 = arith.subf %add3A_718, %get3A_711 : vector<16xf32>
        %sub3A_720 = arith.subf %add3A_718, %get3A_715 : vector<16xf32>
        %mul3A_721 = arith.mulf %sub3A_719, %sub3A_719 : vector<16xf32>
        %add3A_722 = arith.addf %add3A_701, %mul3A_721 : vector<16xf32>
        %mul3A_723 = arith.mulf %sub3A_720, %sub3A_720 : vector<16xf32>
        %add3A_724 = arith.addf %add3A_703, %mul3A_723 : vector<16xf32>
        %get3A_725 = arith.index_cast %scan3A_114 : i32 to index
        %get3A_726 = arith.constant 464 : index
        %get3A_727 = tpu.vector_load %arg14[%get3A_725, %get3A_726] {strides = array<i32>} : memref<16x512xf32, #tpu.memory_space<vmem>>, vector<1x16xf32>,
        %get3A_728 = vector.shape_cast %get3A_727 : vector<1x16xf32> to vector<16xf32>
        %get3A_729 = arith.index_cast %scan3A_114 : i32 to index
        %get3A_730 = arith.constant 464 : index
        %get3A_731 = tpu.vector_load %arg15[%get3A_729, %get3A_730] {strides = array<i32>} : memref<16x512xf32, #tpu.memory_space<vmem>>, vector<1x16xf32>,
        %get3A_732 = vector.shape_cast %get3A_731 : vector<1x16xf32> to vector<16xf32>
        %get3A_733 = arith.index_cast %scan3A_114 : i32 to index
        %get3A_734 = arith.constant 464 : index
        %get3A_735 = tpu.vector_load %arg16[%get3A_733, %get3A_734] {strides = array<i32>} : memref<16x512xf32, #tpu.memory_space<vmem>>, vector<1x16xf32>,
        %get3A_736 = vector.shape_cast %get3A_735 : vector<1x16xf32> to vector<16xf32>
        %add3A_737 = arith.constant 9.99999997E-7 : f32
        %add3A_738 = vector.broadcast %add3A_737 : f32 to vector<16xf32>
        %add3A_739 = arith.addf %get3A_728, %add3A_738 : vector<16xf32>
        %sub3A_740 = arith.subf %add3A_739, %get3A_732 : vector<16xf32>
        %sub3A_741 = arith.subf %add3A_739, %get3A_736 : vector<16xf32>
        %mul3A_742 = arith.mulf %sub3A_740, %sub3A_740 : vector<16xf32>
        %add3A_743 = arith.addf %add3A_722, %mul3A_742 : vector<16xf32>
        %mul3A_744 = arith.mulf %sub3A_741, %sub3A_741 : vector<16xf32>
        %add3A_745 = arith.addf %add3A_724, %mul3A_744 : vector<16xf32>
        %get3A_746 = arith.index_cast %scan3A_114 : i32 to index
        %get3A_747 = arith.constant 480 : index
        %get3A_748 = tpu.vector_load %arg14[%get3A_746, %get3A_747] {strides = array<i32>} : memref<16x512xf32, #tpu.memory_space<vmem>>, vector<1x16xf32>,
        %get3A_749 = vector.shape_cast %get3A_748 : vector<1x16xf32> to vector<16xf32>
        %get3A_750 = arith.index_cast %scan3A_114 : i32 to index
        %get3A_751 = arith.constant 480 : index
        %get3A_752 = tpu.vector_load %arg15[%get3A_750, %get3A_751] {strides = array<i32>} : memref<16x512xf32, #tpu.memory_space<vmem>>, vector<1x16xf32>,
        %get3A_753 = vector.shape_cast %get3A_752 : vector<1x16xf32> to vector<16xf32>
        %get3A_754 = arith.index_cast %scan3A_114 : i32 to index
        %get3A_755 = arith.constant 480 : index
        %get3A_756 = tpu.vector_load %arg16[%get3A_754, %get3A_755] {strides = array<i32>} : memref<16x512xf32, #tpu.memory_space<vmem>>, vector<1x16xf32>,
        %get3A_757 = vector.shape_cast %get3A_756 : vector<1x16xf32> to vector<16xf32>
        %add3A_758 = arith.constant 9.99999997E-7 : f32
        %add3A_759 = vector.broadcast %add3A_758 : f32 to vector<16xf32>
        %add3A_760 = arith.addf %get3A_749, %add3A_759 : vector<16xf32>
        %sub3A_761 = arith.subf %add3A_760, %get3A_753 : vector<16xf32>
        %sub3A_762 = arith.subf %add3A_760, %get3A_757 : vector<16xf32>
        %mul3A_763 = arith.mulf %sub3A_761, %sub3A_761 : vector<16xf32>
        %add3A_764 = arith.addf %add3A_743, %mul3A_763 : vector<16xf32>
        %mul3A_765 = arith.mulf %sub3A_762, %sub3A_762 : vector<16xf32>
        %add3A_766 = arith.addf %add3A_745, %mul3A_765 : vector<16xf32>
        %get3A_767 = arith.index_cast %scan3A_114 : i32 to index
        %get3A_768 = arith.constant 496 : index
        %get3A_769 = tpu.vector_load %arg14[%get3A_767, %get3A_768] {strides = array<i32>} : memref<16x512xf32, #tpu.memory_space<vmem>>, vector<1x16xf32>,
        %get3A_770 = vector.shape_cast %get3A_769 : vector<1x16xf32> to vector<16xf32>
        %get3A_771 = arith.index_cast %scan3A_114 : i32 to index
        %get3A_772 = arith.constant 496 : index
        %get3A_773 = tpu.vector_load %arg15[%get3A_771, %get3A_772] {strides = array<i32>} : memref<16x512xf32, #tpu.memory_space<vmem>>, vector<1x16xf32>,
        %get3A_774 = vector.shape_cast %get3A_773 : vector<1x16xf32> to vector<16xf32>
        %get3A_775 = arith.index_cast %scan3A_114 : i32 to index
        %get3A_776 = arith.constant 496 : index
        %get3A_777 = tpu.vector_load %arg16[%get3A_775, %get3A_776] {strides = array<i32>} : memref<16x512xf32, #tpu.memory_space<vmem>>, vector<1x16xf32>,
        %get3A_778 = vector.shape_cast %get3A_777 : vector<1x16xf32> to vector<16xf32>
        %add3A_779 = arith.constant 9.99999997E-7 : f32
        %add3A_780 = vector.broadcast %add3A_779 : f32 to vector<16xf32>
        %add3A_781 = arith.addf %get3A_770, %add3A_780 : vector<16xf32>
        %sub3A_782 = arith.subf %add3A_781, %get3A_774 : vector<16xf32>
        %sub3A_783 = arith.subf %add3A_781, %get3A_778 : vector<16xf32>
        %mul3A_784 = arith.mulf %sub3A_782, %sub3A_782 : vector<16xf32>
        %add3A_785 = arith.addf %add3A_764, %mul3A_784 : vector<16xf32>
        %mul3A_786 = arith.mulf %sub3A_783, %sub3A_783 : vector<16xf32>
        %add3A_787 = arith.addf %add3A_766, %mul3A_786 : vector<16xf32>
        %add3A_788 = arith.addi %mul3A_100, %scan3A_114 : i32
        %jit3A = arith.constant 8 : i32
        %div3A = arith.divsi %add3A_788, %jit3A : i32
        %sign3A = arith.constant 0 : i32
        %sign3A_789 = arith.cmpi sgt, %add3A_788, %sign3A : i32
        %sign3A_790 = arith.extui %sign3A_789 : i1 to i32
        %sign3A_791 = arith.constant 0 : i32
        %sign3A_792 = arith.cmpi slt, %add3A_788, %sign3A_791 : i32
        %sign3A_793 = arith.extui %sign3A_792 : i1 to i32
        %sign3A_794 = arith.subi %sign3A_790, %sign3A_793 : i32
        %sign3A_795 = arith.constant 0 : i32
        %sign3A_796 = arith.cmpi sgt, %jit3A, %sign3A_795 : i32
        %sign3A_797 = arith.extui %sign3A_796 : i1 to i32
        %sign3A_798 = arith.constant 0 : i32
        %sign3A_799 = arith.cmpi slt, %jit3A, %sign3A_798 : i32
        %sign3A_800 = arith.extui %sign3A_799 : i1 to i32
        %sign3A_801 = arith.subi %sign3A_797, %sign3A_800 : i32
        %ne3A = arith.cmpi ne, %sign3A_794, %sign3A_801 : i32
        %rem3A = arith.remsi %add3A_788, %jit3A : i32
        %ne3A_802 = arith.constant 0 : i32
        %ne3A_803 = arith.cmpi ne, %rem3A, %ne3A_802 : i32
        %and3A = arith.andi %ne3A, %ne3A_803 : i1
        %sub3A_804 = arith.constant 1 : i32
        %sub3A_805 = arith.subi %div3A, %sub3A_804 : i32
        %select_n3A = arith.select %and3A, %sub3A_805, %div3A : i32
        %jit3A_806 = arith.constant 8 : i32
        %eq3A = arith.constant 0 : i32
        %eq3A_807 = arith.cmpi eq, %jit3A_806, %eq3A : i32
        %jit3A_808 = arith.constant 1 : i32
        %select_n3A_809 = arith.select %eq3A_807, %jit3A_808, %jit3A_806 : i32
        %rem3A_810 = arith.remsi %add3A_788, %select_n3A_809 : i32
        %ne3A_811 = arith.constant 0 : i32
        %ne3A_812 = arith.cmpi ne, %rem3A_810, %ne3A_811 : i32
        %lt3A_813 = arith.constant 0 : i32
        %lt3A_814 = arith.cmpi slt, %rem3A_810, %lt3A_813 : i32
        %lt3A_815 = arith.constant 0 : i32
        %lt3A_816 = arith.cmpi slt, %select_n3A_809, %lt3A_815 : i32
        %ne3A_817 = arith.xori %lt3A_814, %lt3A_816 : i1
        %and3A_818 = arith.andi %ne3A_817, %ne3A_812 : i1
        %add3A_819 = arith.addi %rem3A_810, %select_n3A_809 : i32
        %select_n3A_820 = arith.select %and3A_818, %add3A_819, %rem3A_810 : i32
        %mul3A_821 = arith.constant 16 : i32
        %mul3A_822 = arith.muli %select_n3A_820, %mul3A_821 : i32
        %swap3A = arith.index_cast %select_n3A : i32 to index
        %swap3A_823 = arith.index_cast %mul3A_822 : i32 to index
        %swap3A_824 = tpu.vector_load %arg17[%swap3A, %swap3A_823] {strides = array<i32>} : memref<64x128xf32, #tpu.memory_space<vmem>>, vector<1x16xf32>,
        %swap3A_825 = vector.shape_cast %swap3A_824 : vector<1x16xf32> to vector<16xf32>
        %swap3A_826 = vector.shape_cast %add3A_785 : vector<16xf32> to vector<1x16xf32>
        tpu.vector_store %arg17[%swap3A, %swap3A_823], %swap3A_826 {strides = array<i32>} : memref<64x128xf32, #tpu.memory_space<vmem>>, vector<1x16xf32>,
        %swap3A_827 = arith.index_cast %select_n3A : i32 to index
        %swap3A_828 = arith.index_cast %mul3A_822 : i32 to index
        %swap3A_829 = tpu.vector_load %arg18[%swap3A_827, %swap3A_828] {strides = array<i32>} : memref<64x128xf32, #tpu.memory_space<vmem>>, vector<1x16xf32>,
        %swap3A_830 = vector.shape_cast %swap3A_829 : vector<1x16xf32> to vector<16xf32>
        %swap3A_831 = vector.shape_cast %add3A_787 : vector<16xf32> to vector<1x16xf32>
        tpu.vector_store %arg18[%swap3A_827, %swap3A_828], %swap3A_831 {strides = array<i32>} : memref<64x128xf32, #tpu.memory_space<vmem>>, vector<1x16xf32>,
      }
      %scan3A_106 = arith.constant 16 : i32
      %add3A_107 = arith.constant 2 : i32
      %add3A_108 = arith.addi %add3A_80, %add3A_107 : i32
      %lt3A_109 = arith.constant 32 : i32
      %lt3A_110 = arith.cmpi slt, %add3A_108, %lt3A_109 : i32
      %convert_element_type3A_111 = arith.extui %lt3A_110 : i1 to i32
      %cond3A_112 = arith.constant 0 : i32
      %cond3A_113 = arith.cmpi ne, %convert_element_type3A_111, %cond3A_112 : i32
      scf.if %cond3A_113 {
        %add3A_114 = arith.constant 2 : i32
        %add3A_115 = arith.addi %add3A_80, %add3A_114 : i32
        %mul3A_116 = arith.constant 16 : i32
        %mul3A_117 = arith.muli %add3A_115, %mul3A_116 : i32
        %dma_start3A_118 = tpu.memref_slice %arg8[%mul3A_117] : memref<512xi32, #tpu.memory_space<vmem>> -> memref<16xi32, #tpu.memory_space<vmem>>
        %dma_start3A_119 = arith.constant 0 : i32
        %dma_start3A_120 = arith.constant 0 : i32
        %dma_start3A_121 = tpu.memref_slice %arg2[%dma_start3A_119, %dma_start3A_120] : memref<100000x512xf32, #tpu.memory_space<hbm>> -> memref<100000x512xf32, #tpu.memory_space<hbm>>
        tpu.enqueue_indirect_dma source(%dma_start3A_121 : memref<100000x512xf32, #tpu.memory_space<hbm>>) target(%arg14 : memref<16x512xf32, #tpu.memory_space<vmem>>) offsets(%dma_start3A_118 : memref<16xi32, #tpu.memory_space<vmem>>) semaphore(%arg20 : memref<!tpu.dma_semaphore, #tpu.memory_space<semaphore_mem>>)
        %dma_start3A_122 = tpu.memref_slice %arg9[%mul3A_117] : memref<512xi32, #tpu.memory_space<vmem>> -> memref<16xi32, #tpu.memory_space<vmem>>
        %dma_start3A_123 = arith.constant 0 : i32
        %dma_start3A_124 = arith.constant 0 : i32
        %dma_start3A_125 = tpu.memref_slice %arg2[%dma_start3A_123, %dma_start3A_124] : memref<100000x512xf32, #tpu.memory_space<hbm>> -> memref<100000x512xf32, #tpu.memory_space<hbm>>
        tpu.enqueue_indirect_dma source(%dma_start3A_125 : memref<100000x512xf32, #tpu.memory_space<hbm>>) target(%arg15 : memref<16x512xf32, #tpu.memory_space<vmem>>) offsets(%dma_start3A_122 : memref<16xi32, #tpu.memory_space<vmem>>) semaphore(%arg20 : memref<!tpu.dma_semaphore, #tpu.memory_space<semaphore_mem>>)
        %dma_start3A_126 = tpu.memref_slice %arg10[%mul3A_117] : memref<512xi32, #tpu.memory_space<vmem>> -> memref<16xi32, #tpu.memory_space<vmem>>
        %dma_start3A_127 = arith.constant 0 : i32
        %dma_start3A_128 = arith.constant 0 : i32
        %dma_start3A_129 = tpu.memref_slice %arg2[%dma_start3A_127, %dma_start3A_128] : memref<100000x512xf32, #tpu.memory_space<hbm>> -> memref<100000x512xf32, #tpu.memory_space<hbm>>
        tpu.enqueue_indirect_dma source(%dma_start3A_129 : memref<100000x512xf32, #tpu.memory_space<hbm>>) target(%arg16 : memref<16x512xf32, #tpu.memory_space<vmem>>) offsets(%dma_start3A_126 : memref<16xi32, #tpu.memory_space<vmem>>) semaphore(%arg20 : memref<!tpu.dma_semaphore, #tpu.memory_space<semaphore_mem>>)
      } else {
      }
    }
    %scan3A_40 = arith.constant 16 : i32
    %mul3A_41 = arith.constant 64 : i32
    %mul3A_42 = arith.muli %add3A, %mul3A_41 : i32
    "tpu.region"() ({
      %run_scoped3A = tpu.sem_alloc : memref<!tpu.dma_semaphore, #tpu.memory_space<semaphore_mem>>
      %dma_start3A_45 = arith.constant 0 : i32
      %dma_start3A_46 = tpu.memref_slice %arg6[%mul3A_42, %dma_start3A_45] : memref<2048x128xf32, #tpu.memory_space<hbm>> -> memref<64x128xf32, #tpu.memory_space<hbm>>
      %dma_start3A_47 = arith.constant 0 : i32
      %dma_start3A_48 = tpu.memref_slice %arg6[%mul3A_42, %dma_start3A_47] : memref<2048x128xf32, #tpu.memory_space<hbm>> -> memref<64x128xf32, #tpu.memory_space<hbm>>
      tpu.enqueue_dma source(%arg17 : memref<64x128xf32, #tpu.memory_space<vmem>>) target(%dma_start3A_48 : memref<64x128xf32, #tpu.memory_space<hbm>>) target_semaphore(%run_scoped3A : memref<!tpu.dma_semaphore, #tpu.memory_space<semaphore_mem>>)
      %dma_wait3A = arith.constant 0 : i32
      %dma_wait3A_49 = tpu.memref_slice %arg6[%mul3A_42, %dma_wait3A] : memref<2048x128xf32, #tpu.memory_space<hbm>> -> memref<64x128xf32, #tpu.memory_space<hbm>>
      %dma_wait3A_50 = arith.constant 0 : i32
      %dma_wait3A_51 = tpu.memref_slice %arg6[%mul3A_42, %dma_wait3A_50] : memref<2048x128xf32, #tpu.memory_space<hbm>> -> memref<64x128xf32, #tpu.memory_space<hbm>>
      tpu.wait_dma2 semaphore(%run_scoped3A : memref<!tpu.dma_semaphore, #tpu.memory_space<semaphore_mem>>) src(%arg17 : memref<64x128xf32, #tpu.memory_space<vmem>>) dst(%dma_wait3A_51 : memref<64x128xf32, #tpu.memory_space<hbm>>)
      tpu.yield
    }) : () -> ()
    %mul3A_43 = arith.constant 64 : i32
    %mul3A_44 = arith.muli %add3A, %mul3A_43 : i32
    "tpu.region"() ({
      %run_scoped3A = tpu.sem_alloc : memref<!tpu.dma_semaphore, #tpu.memory_space<semaphore_mem>>
      %dma_start3A_45 = arith.constant 0 : i32
      %dma_start3A_46 = tpu.memref_slice %arg7[%mul3A_44, %dma_start3A_45] : memref<2048x128xf32, #tpu.memory_space<hbm>> -> memref<64x128xf32, #tpu.memory_space<hbm>>
      %dma_start3A_47 = arith.constant 0 : i32
      %dma_start3A_48 = tpu.memref_slice %arg7[%mul3A_44, %dma_start3A_47] : memref<2048x128xf32, #tpu.memory_space<hbm>> -> memref<64x128xf32, #tpu.memory_space<hbm>>
      tpu.enqueue_dma source(%arg18 : memref<64x128xf32, #tpu.memory_space<vmem>>) target(%dma_start3A_48 : memref<64x128xf32, #tpu.memory_space<hbm>>) target_semaphore(%run_scoped3A : memref<!tpu.dma_semaphore, #tpu.memory_space<semaphore_mem>>)
      %dma_wait3A = arith.constant 0 : i32
      %dma_wait3A_49 = tpu.memref_slice %arg7[%mul3A_44, %dma_wait3A] : memref<2048x128xf32, #tpu.memory_space<hbm>> -> memref<64x128xf32, #tpu.memory_space<hbm>>
      %dma_wait3A_50 = arith.constant 0 : i32
      %dma_wait3A_51 = tpu.memref_slice %arg7[%mul3A_44, %dma_wait3A_50] : memref<2048x128xf32, #tpu.memory_space<hbm>> -> memref<64x128xf32, #tpu.memory_space<hbm>>
      tpu.wait_dma2 semaphore(%run_scoped3A : memref<!tpu.dma_semaphore, #tpu.memory_space<semaphore_mem>>) src(%arg18 : memref<64x128xf32, #tpu.memory_space<vmem>>) dst(%dma_wait3A_51 : memref<64x128xf32, #tpu.memory_space<hbm>>)
      tpu.yield
    }) : () -> ()
    return
  }
}

module attributes {stable_mosaic.version = 14 : i64} {
  func.func @_tc_finish_body(%arg0: memref<2048x128xf32, #tpu.memory_space<vmem>>, %arg1: memref<2048x128xf32, #tpu.memory_space<vmem>>, %arg2: memref<1x1xf32, #tpu.memory_space<vmem>>) attributes {dimension_semantics = [], scalar_prefetch = 0 : i64, scratch_operands = 0 : i64, tpu.core_type = #tpu.core_type<tc>} {
    %iota3A = tpu.iota {dimensions = array<i32: 0>} : vector<128x8xi32>
    %jit3A = arith.constant 16 : i32
    %div3A = vector.broadcast %jit3A : i32 to vector<128x8xi32>
    %div3A_0 = arith.divsi %iota3A, %div3A : vector<128x8xi32>
    %sign3A = arith.constant 0 : i32
    %sign3A_1 = vector.broadcast %sign3A : i32 to vector<128x8xi32>
    %sign3A_2 = arith.cmpi sgt, %iota3A, %sign3A_1 : vector<128x8xi32>
    %sign3A_3 = arith.extui %sign3A_2 : vector<128x8xi1> to vector<128x8xi32>
    %sign3A_4 = arith.constant 0 : i32
    %sign3A_5 = vector.broadcast %sign3A_4 : i32 to vector<128x8xi32>
    %sign3A_6 = arith.cmpi slt, %iota3A, %sign3A_5 : vector<128x8xi32>
    %sign3A_7 = arith.extui %sign3A_6 : vector<128x8xi1> to vector<128x8xi32>
    %sign3A_8 = arith.subi %sign3A_3, %sign3A_7 : vector<128x8xi32>
    %sign3A_9 = arith.constant 0 : i32
    %sign3A_10 = arith.cmpi sgt, %jit3A, %sign3A_9 : i32
    %sign3A_11 = arith.extui %sign3A_10 : i1 to i32
    %sign3A_12 = arith.constant 0 : i32
    %sign3A_13 = arith.cmpi slt, %jit3A, %sign3A_12 : i32
    %sign3A_14 = arith.extui %sign3A_13 : i1 to i32
    %sign3A_15 = arith.subi %sign3A_11, %sign3A_14 : i32
    %ne3A = vector.broadcast %sign3A_15 : i32 to vector<128x8xi32>
    %ne3A_16 = arith.cmpi ne, %sign3A_8, %ne3A : vector<128x8xi32>
    %rem3A = vector.broadcast %jit3A : i32 to vector<128x8xi32>
    %rem3A_17 = arith.remsi %iota3A, %rem3A : vector<128x8xi32>
    %ne3A_18 = arith.constant 0 : i32
    %ne3A_19 = vector.broadcast %ne3A_18 : i32 to vector<128x8xi32>
    %ne3A_20 = arith.cmpi ne, %rem3A_17, %ne3A_19 : vector<128x8xi32>
    %and3A = arith.andi %ne3A_16, %ne3A_20 : vector<128x8xi1>
    %sub3A = arith.constant 1 : i32
    %sub3A_21 = vector.broadcast %sub3A : i32 to vector<128x8xi32>
    %sub3A_22 = arith.subi %div3A_0, %sub3A_21 : vector<128x8xi32>
    %select_n3A = arith.select %and3A, %sub3A_22, %div3A_0 : vector<128x8xi1>, vector<128x8xi32>
    %iota3A_23 = tpu.iota {dimensions = array<i32: 1>} : vector<128x8xi32>
    %eq3A = arith.cmpi eq, %select_n3A, %iota3A_23 : vector<128x8xi32>
    %convert_element_type3A = arith.extui %eq3A : vector<128x8xi1> to vector<128x8xi32>
    %convert_element_type3A_24 = arith.sitofp %convert_element_type3A : vector<128x8xi32> to vector<128x8xf32>
    %get3A = arith.constant 0 : index
    %get3A_25 = arith.constant 0 : index
    %get3A_26 = vector.load %arg0[%get3A, %get3A_25] : memref<2048x128xf32, #tpu.memory_space<vmem>>, vector<2048x128xf32>
    %dot_general3A = arith.constant dense<0.000000e+00> : vector<2048x8xf32>
    %dot_general3A_27 = tpu.matmul %get3A_26, %convert_element_type3A_24, %dot_general3A {dimension_numbers = #tpu.dot_dimension_numbers<[1], [0], [0], [1], [0, 0, 1, 1], [], []>, transpose_lhs_hint = false} : vector<2048x128xf32>, vector<128x8xf32>, vector<2048x8xf32> -> vector<2048x8xf32>
    %get3A_28 = arith.constant 0 : index
    %get3A_29 = arith.constant 0 : index
    %get3A_30 = vector.load %arg1[%get3A_28, %get3A_29] : memref<2048x128xf32, #tpu.memory_space<vmem>>, vector<2048x128xf32>
    %dot_general3A_31 = arith.constant dense<0.000000e+00> : vector<2048x8xf32>
    %dot_general3A_32 = tpu.matmul %get3A_30, %convert_element_type3A_24, %dot_general3A_31 {dimension_numbers = #tpu.dot_dimension_numbers<[1], [0], [0], [1], [0, 0, 1, 1], [], []>, transpose_lhs_hint = false} : vector<2048x128xf32>, vector<128x8xf32>, vector<2048x8xf32> -> vector<2048x8xf32>
    %max3A = arith.constant 1.000000e-30 : f32
    %max3A_33 = vector.broadcast %max3A : f32 to vector<2048x8xf32>
    %max3A_34 = arith.maximumf %dot_general3A_27, %max3A_33 : vector<2048x8xf32>
    %rsqrt3A = math.rsqrt %max3A_34 : vector<2048x8xf32>
    %mul3A = arith.mulf %dot_general3A_27, %rsqrt3A : vector<2048x8xf32>
    %max3A_35 = arith.constant 1.000000e-30 : f32
    %max3A_36 = vector.broadcast %max3A_35 : f32 to vector<2048x8xf32>
    %max3A_37 = arith.maximumf %dot_general3A_32, %max3A_36 : vector<2048x8xf32>
    %rsqrt3A_38 = math.rsqrt %max3A_37 : vector<2048x8xf32>
    %mul3A_39 = arith.mulf %dot_general3A_32, %rsqrt3A_38 : vector<2048x8xf32>
    %sub3A_40 = arith.subf %mul3A, %mul3A_39 : vector<2048x8xf32>
    %add3A = arith.constant 1.000000e+00 : f32
    %add3A_41 = vector.broadcast %add3A : f32 to vector<2048x8xf32>
    %add3A_42 = arith.addf %sub3A_40, %add3A_41 : vector<2048x8xf32>
    %max3A_43 = arith.constant 0.000000e+00 : f32
    %max3A_44 = vector.broadcast %max3A_43 : f32 to vector<2048x8xf32>
    %max3A_45 = arith.maximumf %add3A_42, %max3A_44 : vector<2048x8xf32>
    %reduce_sum3A = vector.shape_cast %max3A_45 : vector<2048x8xf32> to vector<1x2048x8xf32>
    %reduce_sum3A_46 = arith.constant dense<0.000000e+00> : vector<1xf32>
    %reduce_sum3A_47 = vector.multi_reduction <add>, %reduce_sum3A, %reduce_sum3A_46 [1, 2] : vector<1x2048x8xf32> to vector<1xf32>
    %reduce_sum3A_48 = vector.shape_cast %reduce_sum3A_47 : vector<1xf32> to vector<1x1x1xf32>
    %reduce_sum3A_49 = vector.extract %reduce_sum3A_48[0, 0, 0] : f32 from vector<1x1x1xf32>
    %reshape3A = vector.broadcast %reduce_sum3A_49 : f32 to vector<1x1xf32>
    %div3A_50 = arith.constant 1.638400e+04 : f32
    %div3A_51 = vector.broadcast %div3A_50 : f32 to vector<1x1xf32>
    %div3A_52 = arith.divf %reshape3A, %div3A_51 : vector<1x1xf32>
    %swap3A = arith.constant 0 : index
    %swap3A_53 = arith.constant 0 : index
    %swap3A_54 = vector.load %arg2[%swap3A, %swap3A_53] : memref<1x1xf32, #tpu.memory_space<vmem>>, vector<1x1xf32>
    tpu.vector_store %arg2[%swap3A, %swap3A_53], %div3A_52 {strides = array<i32>} : memref<1x1xf32, #tpu.memory_space<vmem>>, vector<1x1xf32>,
    return
  }
}

</mosaic_0001>

<sc_bundles>
// kernel: kernel.4.cloned.1.call-start
scs
__scs_entry_jumppad:
0x0: {  	(pc) =	sbr.rel $0x88, $3  }
0x1: {  	(tag) =	ssettag $0x0;
	lr =	simm.s32 $0x1  }
0x2: {  	[smem:$0x3F9D] =	sst lr;
	_ =	strace $0xD0000000  }
0x3: {  	_ = 	snop  }
0x4: {  	_ = 	snop  }
0x5: {  	_ = 	snop  }
0x6: {  	_ = 	snop  }
0x7: {  	_ = 	snop  }
__scs_overlays_trampoline_lowered:
0x8: {  	[smem:$0x3FAC] =	sst s0  }
0x9: {  	[smem:$0x3FAD] =	sst s1  }
0xa: {  	[smem:$0x3FAE] =	sst s2  }
0xb: {  	[smem:$0x3FAF] =	sst s3  }
0xc: {  	[smem:$0x3FB0] =	sst s4  }
0xd: {  	[smem:$0x3FB1] =	sst s5  }
0xe: {  	[smem:$0x3FB2] =	sst s6  }
0xf: {  	[smem:$0x3FB3] =	sst s7  }
0x10: {  	[smem:$0x3FB4] =	sst s8  }
0x11: {  	[smem:$0x3FB5] =	sst s9;
	s0 =	simm.s32 @!p0 $0x0  }
0x12: {  	s1 =	sld [smem:$0x3F9B];
	s0 =	simm.s32 @p0 $0x1  }
0x13: {  	[smem:$0x3FB6] =	sst s0;
	s0 =	simm.s32 @!p1 $0x0  }
0x14: {  	s2 =	sld [smem:$0x3F9A];
	s0 =	simm.s32 @p1 $0x1  }
0x15: {  	[smem:$0x3FB7] =	sst s0;
	s0 =	simm.s32 @!p2 $0x0  }
0x16: {  	s3 =	sld [smem:$0x3FDB];
	s0 =	simm.s32 @p2 $0x1  }
0x17: {  	s4 =	simm.s32 $0x1BF5;
	[smem:$0x3FB9] =	sst s0  }
0x18: {  	s0 =	sld [smem:$0x3F9C];
	_ =	swait.ge [sflag:s4], $0x0  }
0x19: {  	s7 =	sld [smem:$0x3F9D]  }
0x1a: {  	s8 =	sadd.s32 $0xFFFFE003, lr  }
0x1b: {  	s9 =	sadd.s32 $0xFFFFFEF7, lr;
	s5 =	simm.s32 $0xFFFFFFFF;
	p2 =	slt.u32 s8, $0xFFFFF086  }
0x1c: {  	p1 =	slt.u32 s9, $0xF7A;
	s5 =	simm.s32 @!p2 $0x0  }
0x1d: {  	s5 =	simm.s32 @p1 $0x1;
	p0 =	seq.s32 s7, s2  }
0x1e: {  	s7 =	smul.u32 @!p0 $0xF7A, s2;
	p2 =	seq.s32 @!p0 s5, $0x0  }
0x1f: {  	s9 =	smul.u32 $0xF7A, s1;
	s8 =	simm.s32 @!p0 $0x1BF5;
	p2 =	por !p2, p0  }
0x20: {  	[sflag:s8] =	ssyncset.s32 @!p0 $0xFFFFF086;
	s6 =	sadd.s32 @!p0 s3, s7;
	s7 =	simm.s32 @!p0 $0x108  }
0x21: {  	s3 =	sadd.s32 s3, s9;
	s6 =	sadd.s32 @!p0 $0x88, s6;
	s7 =	simm.s32 @p2 $0x1082  }
0x22: {  	[simem:s7], [sflag:s8] =	dma.local @!p0 [hbm:s6], $0xF7A  }
0x23: {  	s9 =	sor.u32 $0xD0000000, s2;
	s6 =	simm.s32 $0x108;
	_ =	swait.ge @!p0 [sflag:s8], $0x0  }
0x24: {  	s3 =	sadd.s32 $0x88, s3;
	s6 =	simm.s32 @!p1 $0x1082;
	[sflag:s4] =	ssyncset.s32 $0xFFFFF086  }
0x25: {  	[simem:s6], [sflag:s4] =	dma.local [hbm:s3], $0xF7A  }
0x26: {  	[smem:$0x3F9D] =	sst s1;
	(tag) =	ssettag s2;
	_ =	strace s9  }
0x27: {  	s1 =	sld [smem:$0x3FAD]  }
0x28: {  	s2 =	sld [smem:$0x3FAE]  }
0x29: {  	s4 =	sld [smem:$0x3FB0]  }
0x2a: {  	p0 =	seq.s32 s5, $0x0;
	s5 =	sld [smem:$0x3FB1]  }
0x2b: {  	s6 =	sld [smem:$0x3FB2]  }
0x2c: {  	s7 =	sld [smem:$0x3FB3]  }
0x2d: {  	s3 =	simm.s32 $0x108;
	s8 =	sld [smem:$0x3FB4]  }
0x2e: {  	s3 =	simm.s32 @!p0 $0x1082;
	s9 =	sld [smem:$0x3FB5]  }
0x2f: {  	lr =	sadd.s32 s0, s3;
	s0 =	sld [smem:$0x3FAC]  }
0x30: {  	s3 =	sld [smem:$0x3FAF]  }
0x31: {  	[smem:$0x3FB8] =	sst s10  }
0x32: {  	s10 =	sld [smem:$0x3FB6];
	_ =	sdelay $0x3  }
0x33: {  	p0 =	seq.s32 s10, $0x1;
	s10 =	sld [smem:$0x3FB8];
	_ =	sdelay $0x3  }
0x34: {  	[smem:$0x3FB8] =	sst s10  }
0x35: {  	s10 =	sld [smem:$0x3FB7];
	_ =	sdelay $0x3  }
0x36: {  	p1 =	seq.s32 s10, $0x1;
	s10 =	sld [smem:$0x3FB8];
	_ =	sdelay $0x3  }
0x37: {  	[smem:$0x3FB8] =	sst s10  }
0x38: {  	s10 =	sld [smem:$0x3FB9]  }
0x39: {  	_ = 	snop;
	(pc) =	sbr.ind lr, $3  }
0x3a: {  	_ = 	snop  }
0x3b: {  	_ = 	snop  }
0x3c: {  	p2 =	seq.s32 s10, $0x1;
	s10 =	sld [smem:$0x3FB8]  }
0x3d: {  	_ =	shalt  }
0x3e: {  	_ =	shalt  }
0x3f: {  	_ =	shalt  }
0x40: {  	_ =	shalt  }
0x41: {  	_ =	shalt  }
0x42: {  	_ =	shalt  }
0x43: {  	_ =	shalt  }
0x44: {  	_ =	shalt  }
0x45: {  	_ =	shalt  }
0x46: {  	_ =	shalt  }
0x47: {  	_ =	shalt  }
0x48: {  	_ =	shalt  }
0x49: {  	_ =	shalt  }
0x4a: {  	_ =	shalt  }
0x4b: {  	_ =	shalt  }
0x4c: {  	_ =	shalt  }
0x4d: {  	_ =	shalt  }
0x4e: {  	_ =	shalt  }
0x4f: {  	_ =	shalt  }
0x50: {  	_ =	shalt  }
0x51: {  	_ =	shalt  }
0x52: {  	_ =	shalt  }
0x53: {  	_ =	shalt  }
0x54: {  	_ =	shalt  }
0x55: {  	_ =	shalt  }
0x56: {  	_ =	shalt  }
0x57: {  	_ =	shalt  }
0x58: {  	_ =	shalt  }
0x59: {  	_ =	shalt  }
0x5a: {  	_ =	shalt  }
0x5b: {  	_ =	shalt  }
0x5c: {  	_ =	shalt  }
0x5d: {  	_ =	shalt  }
0x5e: {  	_ =	shalt  }
0x5f: {  	_ =	shalt  }
0x60: {  	_ =	shalt  }
0x61: {  	_ =	shalt  }
0x62: {  	_ =	shalt  }
0x63: {  	_ =	shalt  }
0x64: {  	_ =	shalt  }
0x65: {  	_ =	shalt  }
0x66: {  	_ =	shalt  }
0x67: {  	_ =	shalt  }
0x68: {  	_ =	shalt  }
0x69: {  	_ =	shalt  }
0x6a: {  	_ =	shalt  }
0x6b: {  	_ =	shalt  }
0x6c: {  	_ =	shalt  }
0x6d: {  	_ =	shalt  }
0x6e: {  	_ =	shalt  }
0x6f: {  	_ =	shalt  }
0x70: {  	_ =	shalt  }
0x71: {  	_ =	shalt  }
0x72: {  	_ =	shalt  }
0x73: {  	_ =	shalt  }
0x74: {  	_ =	shalt  }
0x75: {  	_ =	shalt  }
0x76: {  	_ =	shalt  }
0x77: {  	_ =	shalt  }
0x78: {  	_ =	shalt  }
0x79: {  	_ =	shalt  }
0x7a: {  	_ =	shalt  }
0x7b: {  	_ =	shalt  }
0x7c: {  	_ =	shalt  }
0x7d: {  	_ =	shalt  }
0x7e: {  	_ =	shalt  }
0x7f: {  	_ =	shalt  }
0x80: {  	_ =	shalt  }
0x81: {  	_ =	shalt  }
0x82: {  	_ =	shalt  }
0x83: {  	_ =	shalt  }
0x84: {  	_ =	shalt  }
0x85: {  	_ =	shalt  }
0x86: {  	_ =	shalt  }
0x87: {  	_ =	shalt  }
.Lfunc_end0:
.L_simem_size_0:
called_computation_lowered:
.L_overlay_start_0:
0x88: {  	s2 =	sld [smem:$0x3FD9]  }
0x89: {  	s3 =	sld [smem:$0x3FFE];
	_ =	sdelay $0x1  }
0x8a: {  	s1 =	srdreg.scid  }
0x8b: {  	s0 =	sand.u32 $0x1, s1  }
0x8c: {  	s17 =	sshll.u32 s0, $0xA;
	s2 =	sadd.s32 s3, s2  }
0x8d: {  	s2 =	sadd.s32 s2, s17  }
0x8e: {  	[smem:$0x3FC4] =	sst s2  }
0x8f: {  	_ = 	snop  }
0x90: {  	s2 =	sld [smem:$0x3FC9]  }
0x91: {  	s18 =	sld [smem:$0x3FC8]  }
0x92: {  	s4 =	sld [smem:$0x3FC7]  }
0x93: {  	s5 =	sld [smem:$0x3FC6];
	(tm) =	ssettm $0x1  }
0x94: {  	s6 =	sld [smem:$0x3FFB];
	_ =	sdelay $0x3  }
0x95: {  	_ =	strace s6  }
0x96: {  	s6 =	sld [smem:$0x3FFC];
	_ =	sdelay $0x3  }
0x97: {  	_ =	strace s6  }
0x98: {  	s6 =	sld [smem:$0x3FFD];
	_ =	sdelay $0x3  }
0x99: {  	_ =	strace s6  }
0x9a: {  	_ =	strace $0x8FFFFFFF  }
0x9b: {  	s19 =	sld [smem:$0x3FDB];
	_ =	sdelay $0x1  }
0x9c: {  	s7 =	simm.s32 $_scs_section_size  }
0x9d: {  	s8 =	simm.s32 $_size__tile_overlayer_lowered;
	s9 =	simm.s32 $_tile_overlayer_lowered  }
0x9e: {  	s22 =	simm.s32 $0x1BFF;
	s21 =	sshll.u32 s9, $0x1;
	s6 =	sadd.s32 s7, s19  }
0x9f: {  	s10 =	simm.s32 $0x0;
	s20 =	sshll.u32 s8, $0x1;
	s8 =	sadd.s32 s21, s6  }
0xa0: {  	[timem:s10], [sflag:s22] =	dma.local [hbm:s8], s20  }
0xa1: {  	_ =	swait.ge [sflag:s22], s20  }
0xa2: {  	s7 =	ssub.s32 $0x0, s20;
	[sflag:s22] =	ssyncset.done $0x0  }
0xa3: {  	[sflag:s22] =	ssyncadd.s32 s7;
	_ =	sdelay $0x1  }
0xa4: {  	s23 =	simm.s32 $0x1B8B  }
0xa5: {  	_ =	swait.ge [sflag:s23], $0x1  }
0xa6: {  	[sflag:s23] =	ssyncset.done $0x0  }
0xa7: {  	s25 =	simm.s32 $0x1B8E;
	s24 =	sld [smem:$0x3FFE];
	[sflag:s23] =	ssyncadd.s32 $0xFFFFFFFF  }
0xa8: {  	s26 =	simm.s32 $execute0_lowered;
	[smem:$0x3FD2] =	sst s25  }
0xa9: {  	s8 =	sshll.u32 s26, $0x1;
	_ =	strace $0x80000046;
	[dreg:$0x1] =	wrdreg $0xFFFFFFFF  }
0xaa: {  	s28 =	simm.s32 $_size_execute0_lowered;
	s6 =	sadd.s32 s6, s8;
	[dreg:$0x0] =	wrdreg $0x0  }
0xab: {  	s8 =	sshll.u32 s28, $0x1;
	[dreg:$0x2] =	wrdreg s6  }
0xac: {  	[dreg:$0x3] =	wrdreg s8  }
0xad: {  	[dreg:$0x4] =	wrdreg $0xC0  }
0xae: {  	_ =	task [dreg:s10], $0x5FFFF  }
0xaf: {  	[dreg:$0x1] =	wrdreg $0xFFFFFFFF  }
0xb0: {  	[dreg:$0x0] =	wrdreg $0x60  }
0xb1: {  	[dreg:$0x2] =	wrdreg s2  }
0xb2: {  	[dreg:$0x3] =	wrdreg s18  }
0xb3: {  	[dreg:$0x4] =	wrdreg s4  }
0xb4: {  	[dreg:$0x5] =	wrdreg s5  }
0xb5: {  	[dreg:$0x6] =	wrdreg s24  }
0xb6: {  	[dreg:$0x7] =	wrdreg $0x9  }
0xb7: {  	_ =	task.clear_ibuf [dreg:s10], $0x8FFFF;
	_ =	strace $0x90000046  }
0xb8: {  	s29 =	simm.s32 $0x9;
	_ =	strace $0x80000048  }
0xb9: {  	_ =	swait.ge [sflag:s29], $0x1  }
0xba: {  	[sflag:s29] =	ssyncadd.s32 $0xFFFFFFFF  }
0xbb: {  	_ =	strace $0x90000048  }
0xbc: {  	_ =	sfence  }
0xbd: {  	s30 =	sld [smem:$0x0];
	_ =	sdelay $0x2  }
0xbe: {  	s31 =	sshll.u32 s1, $0xD;
	s1 =	sshrl.u32 s1, $0x2  }
0xbf: {  	s3 =	sand.u32 $0x4000, s31;
	s1 =	sadd.s32 s1, s30  }
0xc0: {  	s0 =	sor.u32 s3, s0;
	s1 =	sshll.u32 s1, $0x11  }
0xc1: {  	s0 =	sor.u32 s1, s0  }
0xc2: {  	s0 =	sadd.s32 $0x8F2B, s0  }
0xc3: {  	[sflag:s0] =	ssyncadd.remote.s32 $0x1  }
0xc4: {  	_ =	sfence.sel $0xFFFF  }
0xc5: {  	[dreg:$0x0] =	wrdreg $0xFFFFFFFF;
	(pc) =	sbr.abs _section_cstart, $3  }
0xc6: {  	[dreg:$0x1] =	wrdreg $0xFFFFFFFF  }
0xc7: {  	_ =	task.clear_ibuf [dreg:s10], $0x2FFFF;
	_ =	strace $0x9FFFFFFF  }
0xc8: {  	(tm) =	ssettm $0x7FFFFFFF  }
0xc9: {  	_ =	shalt  }
tec
execute0_lowered:
.L_overlay_start_1:
0x0: {  	(tag) =	ssettag $0x1  }
0x1: {  	s1 =	rddreg [dreg:$0x0]  }
0x2: {  	s0 =	rddreg [dreg:$0x1]  }
0x3: {  	s2 =	rddreg [dreg:$0x2]  }
0x4: {  	s4 =	rddreg [dreg:$0x3]  }
0x5: {  	s5 =	rddreg [dreg:$0x4]  }
0x6: {  	s6 =	srdreg.scid;
	s7 =	stileid.u32;
	s3 =	simm.s32 $0x0  }
0x7: {  	s11 =	simm.s32 $0x3;
	s28 =	simm.s32 $0x6E00;
	s29 =	simm.s32 $0x7600  }
0x8: {  	s30 =	simm.s32 $0x7E00;
	s31 =	simm.s32 $0x8600;
	s12 =	simm.s32 $0x9E00  }
0x9: {  	s13 =	simm.s32 $0xA600;
	s14 =	simm.s32 $0xAE00;
	s15 =	simm.s32 $0xB600  }
0xa: {  	s16 =	simm.s32 $0xBE00;
	s17 =	simm.s32 $0x1;
	s18 =	simm.s32 $0x2  }
0xb: {  	s21 =	simm.s32 $0x0;
	s6 =	sand.u32 $0x1, s6;
	s7 =	sshll.u32 s7, $0x1  }
0xc: {  	[smem:$0x7FF] =	sst s3;
	s7 =	sor.u32 s6, s7;
	s6 =	ssub.s32 $0x2, s6  }
0xd: {  	_ =	strace $0x80000047;
	s8 =	sshll.u32 s7, $0xA;
	s7 =	sshll.u32 s7, $0x6  }
0xe: {  	s9 =	sshrl.u32 s6, $0x1;
	s5 =	sadd.s32 s8, s5;
	s0 =	sadd.s32 s0, s7  }
.Ltmp0:
0xf: {  	s24 =	sadd.s32 s2, s7;
	[dreg:$0x6] =	wrdreg s0;
	(pc) =	sbr.rel .LBB2_1-.Ltmp0, $4  }
0x10: {  	s6 =	ssub.s32 s6, s9;
	s25 =	sadd.s32 s4, s7;
	[dreg:$0x7] =	wrdreg s24  }
0x11: {  	v2 =	vlaneseq.u32;
	s7 =	sadd.s32 $0x100, s1;
	s2 =	simm.s32 $0x9600;
	[dreg:$0x8] =	wrdreg s25  }
0x12: {  	vm0 =	vmmov $0xffff;
	v1 =	vshrl.u32 v2, $0x3;
	s26 =	sadd.s32 $0xC00, s5;
	s9 =	sadd.s32 $0x8C00, s5;
	s10 =	smax.u32 s6, $0x1  }
0x13: {  	v0 =	vand.u32 $0x7, v2;
	v2 =	vor.u32 $0x8, v2;
	v1 =	vmul.u32 $0x8, v1;
	s0 =	simm.s32 $0x8E00;
	[dreg:$0x9] =	wrdreg s26;
	s26 =	simm.s32 $0x6600  }
.LBB2_8:
0x14: {  	s4 =	rddreg [dreg:$0x9];
	s5 =	simm.s32 $0xC600  }
0x15: {  	[hbm4b:s4+s3] =	stream.linear.scatter [tilespmem:s5], [sflag:$0x3], $0x2000, $0x38;
	[tilespmem:$0x10600] =	vst v63  }
0x16: {  	s21 =	sadd.s32 $0x1, s21;
	_ =	swait.ge [sflag:s11], $0x2000  }
0x17: {  	p0 =	sne.s32 s21, s10;
	[sflag:s11] =	ssyncset.done $0x0  }
.Ltmp1:
0x18: {  	s25 =	simm.s32 $0xE600;
	[sflag:s11] =	ssyncadd.s32 $0xFFFFE000;
	(pc) =	sbr.rel @!p0 .LBB2_9-.Ltmp1, $4  }
0x19: {  	[hbm4b:s9+s3] =	stream.linear.scatter [tilespmem:s25], [sflag:$0x3], $0x2000, $0x38;
	[tilespmem:$0x10600] =	vst v63  }
0x1a: {  	_ =	swait.ge [sflag:s11], $0x2000  }
0x1b: {  	[sflag:s11] =	ssyncset.done $0x0  }
0x1c: {  	[sflag:s11] =	ssyncadd.s32 $0xFFFFE000  }
.LBB2_1:
0x1d: {  	s4 =	rddreg [dreg:$0x6]  }
0x1e: {  	[tilespmem:s3], [sflag:$0x3] =	stream.linear.gather [hbm4b:s4+s3], $0x200, $0x38;
	[tilespmem:$0x10600] =	vst v63  }
0x1f: {  	_ =	swait.ge [sflag:s11], $0x200  }
0x20: {  	[sflag:s11] =	ssyncset.done $0x0  }
0x21: {  	s5 =	simm.s32 $0x200;
	s19 =	rddreg [dreg:$0x7];
	[sflag:s11] =	ssyncadd.s32 $0xFFFFFE00  }
0x22: {  	[tilespmem:s5], [sflag:$0x3] =	stream.linear.gather [hbm4b:s19+s3], $0x200, $0x38;
	[tilespmem:$0x10600] =	vst v63  }
0x23: {  	_ =	swait.ge [sflag:s11], $0x200  }
0x24: {  	[sflag:s11] =	ssyncset.done $0x0  }
0x25: {  	s22 =	simm.s32 $0x400;
	s20 =	rddreg [dreg:$0x8];
	[sflag:s11] =	ssyncadd.s32 $0xFFFFFE00  }
0x26: {  	[tilespmem:s22], [sflag:$0x3] =	stream.linear.gather [hbm4b:s20+s3], $0x200, $0x38;
	[tilespmem:$0x10600] =	vst v63  }
0x27: {  	_ =	swait.ge [sflag:s11], $0x200  }
0x28: {  	[sflag:s11] =	ssyncset.done $0x0  }
0x29: {  	[sflag:s11] =	ssyncadd.s32 $0xFFFFFE00  }
0x2a: {  	v3 =	vld [tilespmem:$0x0];
	_ =	sdelay $0x4  }
0x2b: {  	v4 =	vshll.u32 v3, $0x2  }
0x2c: {  	v3 =	vand.u32 $0x7, v3;
	v4 =	vand.u32 $0xFFFFFFE0, v4  }
0x2d: {  	v3 =	vor.u32 v3, v4  }
0x2e: {  	v4 =	vperm.xlane v3, v0;
	_ =	sdelay $0x1  }
0x2f: {  	v4 =	vadd.s32 v1, v4;
	_ =	sdelay $0x1  }
0x30: {  	v3 =	vperm.xlane v3, v2;
	_ =	sdelay $0x1  }
0x31: {  	s23 =	simm.s32 $0x600;
	v3 =	vadd.s32 v1, v3  }
0x32: {  	[tilespmem:s23], [sflag:$0x1] =	stream.indirect_vreg.gather [hbm4b:s1+s3], $0x80, v4, vm0, $0xb8;
	[tilespmem:$0x10600] =	vst v63  }
0x33: {  	s24 =	simm.s32 $0xE00  }
0x34: {  	[tilespmem:s24], [sflag:$0x1] =	stream.indirect_vreg.gather [hbm4b:s7+s3], $0x80, v4, vm0, $0xb8;
	[tilespmem:$0x10600] =	vst v63  }
0x35: {  	s25 =	simm.s32 $0x1600  }
0x36: {  	[tilespmem:s25], [sflag:$0x1] =	stream.indirect_vreg.gather [hbm4b:s1+s3], $0x80, v3, vm0, $0xb8;
	[tilespmem:$0x10600] =	vst v63  }
0x37: {  	s5 =	simm.s32 $0x1E00  }
0x38: {  	[tilespmem:s5], [sflag:$0x1] =	stream.indirect_vreg.gather [hbm4b:s7+s3], $0x80, v3, vm0, $0xb8;
	[tilespmem:$0x10600] =	vst v63  }
0x39: {  	v3 =	vld [tilespmem:$0x200];
	_ =	sdelay $0x4  }
0x3a: {  	v59 =	vshll.u32 v3, $0x2  }
0x3b: {  	v3 =	vand.u32 $0x7, v3;
	v4 =	vand.u32 $0xFFFFFFE0, v59  }
0x3c: {  	v3 =	vor.u32 v3, v4  }
0x3d: {  	v4 =	vperm.xlane v3, v0;
	_ =	sdelay $0x1  }
0x3e: {  	v4 =	vadd.s32 v1, v4;
	_ =	sdelay $0x1  }
0x3f: {  	v3 =	vperm.xlane v3, v2;
	_ =	sdelay $0x1  }
0x40: {  	s6 =	simm.s32 $0x2600;
	v3 =	vadd.s32 v1, v3  }
0x41: {  	[tilespmem:s6], [sflag:$0x1] =	stream.indirect_vreg.gather [hbm4b:s1+s3], $0x80, v4, vm0, $0xb8;
	[tilespmem:$0x10600] =	vst v63  }
0x42: {  	s8 =	simm.s32 $0x2E00  }
0x43: {  	[tilespmem:s8], [sflag:$0x1] =	stream.indirect_vreg.gather [hbm4b:s7+s3], $0x80, v4, vm0, $0xb8;
	[tilespmem:$0x10600] =	vst v63  }
0x44: {  	s19 =	simm.s32 $0x3600  }
0x45: {  	[tilespmem:s19], [sflag:$0x1] =	stream.indirect_vreg.gather [hbm4b:s1+s3], $0x80, v3, vm0, $0xb8;
	[tilespmem:$0x10600] =	vst v63  }
0x46: {  	s20 =	simm.s32 $0x3E00  }
0x47: {  	[tilespmem:s20], [sflag:$0x1] =	stream.indirect_vreg.gather [hbm4b:s7+s3], $0x80, v3, vm0, $0xb8;
	[tilespmem:$0x10600] =	vst v63  }
0x48: {  	v3 =	vld [tilespmem:$0x400];
	_ =	sdelay $0x4  }
0x49: {  	v60 =	vshll.u32 v3, $0x2  }
0x4a: {  	v3 =	vand.u32 $0x7, v3;
	v4 =	vand.u32 $0xFFFFFFE0, v60  }
0x4b: {  	v3 =	vor.u32 v3, v4  }
0x4c: {  	v4 =	vperm.xlane v3, v0;
	_ =	sdelay $0x1  }
0x4d: {  	v4 =	vadd.s32 v1, v4;
	_ =	sdelay $0x1  }
0x4e: {  	v3 =	vperm.xlane v3, v2;
	_ =	sdelay $0x1  }
0x4f: {  	s22 =	simm.s32 $0x4600;
	v3 =	vadd.s32 v1, v3  }
0x50: {  	[tilespmem:s22], [sflag:$0x1] =	stream.indirect_vreg.gather [hbm4b:s1+s3], $0x80, v4, vm0, $0xb8;
	[tilespmem:$0x10600] =	vst v63  }
0x51: {  	s23 =	simm.s32 $0x4E00  }
0x52: {  	[tilespmem:s23], [sflag:$0x1] =	stream.indirect_vreg.gather [hbm4b:s7+s3], $0x80, v4, vm0, $0xb8;
	[tilespmem:$0x10600] =	vst v63  }
0x53: {  	s24 =	simm.s32 $0x5600  }
0x54: {  	[tilespmem:s24], [sflag:$0x1] =	stream.indirect_vreg.gather [hbm4b:s1+s3], $0x80, v3, vm0, $0xb8;
	[tilespmem:$0x10600] =	vst v63  }
0x55: {  	s25 =	simm.s32 $0x5E00  }
0x56: {  	[tilespmem:s25], [sflag:$0x1] =	stream.indirect_vreg.gather [hbm4b:s7+s3], $0x80, v3, vm0, $0xb8;
	[tilespmem:$0x10600] =	vst v63  }
0x57: {  	v3 =	vld [tilespmem:$0x10];
	_ =	sdelay $0x4  }
0x58: {  	v61 =	vshll.u32 v3, $0x2  }
0x59: {  	v3 =	vand.u32 $0x7, v3;
	v4 =	vand.u32 $0xFFFFFFE0, v61  }
0x5a: {  	v3 =	vor.u32 v3, v4  }
0x5b: {  	v4 =	vperm.xlane v3, v0;
	_ =	sdelay $0x1  }
0x5c: {  	v4 =	vadd.s32 v1, v4;
	_ =	sdelay $0x1  }
0x5d: {  	v3 =	vperm.xlane v3, v2;
	_ =	sdelay $0x1  }
0x5e: {  	v3 =	vadd.s32 v1, v3  }
0x5f: {  	[tilespmem:s26], [sflag:$0x2] =	stream.indirect_vreg.gather [hbm4b:s1+s3], $0x80, v4, vm0, $0xb8;
	[tilespmem:$0x10600] =	vst v63  }
0x60: {  	_ = 	snop  }
0x61: {  	[tilespmem:s28], [sflag:$0x2] =	stream.indirect_vreg.gather [hbm4b:s7+s3], $0x80, v4, vm0, $0xb8;
	[tilespmem:$0x10600] =	vst v63  }
0x62: {  	_ = 	snop  }
0x63: {  	[tilespmem:s29], [sflag:$0x2] =	stream.indirect_vreg.gather [hbm4b:s1+s3], $0x80, v3, vm0, $0xb8;
	[tilespmem:$0x10600] =	vst v63  }
0x64: {  	_ = 	snop  }
0x65: {  	[tilespmem:s30], [sflag:$0x2] =	stream.indirect_vreg.gather [hbm4b:s7+s3], $0x80, v3, vm0, $0xb8;
	[tilespmem:$0x10600] =	vst v63  }
0x66: {  	v3 =	vld [tilespmem:$0x210];
	_ =	sdelay $0x4  }
0x67: {  	v62 =	vshll.u32 v3, $0x2  }
0x68: {  	v3 =	vand.u32 $0x7, v3;
	v4 =	vand.u32 $0xFFFFFFE0, v62  }
0x69: {  	v3 =	vor.u32 v3, v4  }
0x6a: {  	v4 =	vperm.xlane v3, v0;
	_ =	sdelay $0x1  }
0x6b: {  	v4 =	vadd.s32 v1, v4;
	_ =	sdelay $0x1  }
0x6c: {  	v3 =	vperm.xlane v3, v2;
	_ =	sdelay $0x1  }
0x6d: {  	v3 =	vadd.s32 v1, v3  }
0x6e: {  	[tilespmem:s31], [sflag:$0x2] =	stream.indirect_vreg.gather [hbm4b:s1+s3], $0x80, v4, vm0, $0xb8;
	[tilespmem:$0x10600] =	vst v63  }
0x6f: {  	_ = 	snop  }
0x70: {  	[tilespmem:s0], [sflag:$0x2] =	stream.indirect_vreg.gather [hbm4b:s7+s3], $0x80, v4, vm0, $0xb8;
	[tilespmem:$0x10600] =	vst v63  }
0x71: {  	_ = 	snop  }
0x72: {  	[tilespmem:s2], [sflag:$0x2] =	stream.indirect_vreg.gather [hbm4b:s1+s3], $0x80, v3, vm0, $0xb8;
	[tilespmem:$0x10600] =	vst v63  }
0x73: {  	_ = 	snop  }
0x74: {  	[tilespmem:s12], [sflag:$0x2] =	stream.indirect_vreg.gather [hbm4b:s7+s3], $0x80, v3, vm0, $0xb8;
	[tilespmem:$0x10600] =	vst v63  }
0x75: {  	v3 =	vld [tilespmem:$0x410];
	_ =	sdelay $0x4  }
0x76: {  	v63 =	vshll.u32 v3, $0x2  }
0x77: {  	v3 =	vand.u32 $0x7, v3;
	v4 =	vand.u32 $0xFFFFFFE0, v63  }
0x78: {  	v3 =	vor.u32 v3, v4  }
0x79: {  	v4 =	vperm.xlane v3, v0;
	_ =	sdelay $0x1  }
0x7a: {  	v4 =	vadd.s32 v1, v4;
	_ =	sdelay $0x1  }
0x7b: {  	v3 =	vperm.xlane v3, v2;
	_ =	sdelay $0x1  }
0x7c: {  	v3 =	vadd.s32 v1, v3  }
0x7d: {  	[tilespmem:s13], [sflag:$0x2] =	stream.indirect_vreg.gather [hbm4b:s1+s3], $0x80, v4, vm0, $0xb8;
	[tilespmem:$0x10600] =	vst v63  }
0x7e: {  	_ = 	snop  }
0x7f: {  	[tilespmem:s14], [sflag:$0x2] =	stream.indirect_vreg.gather [hbm4b:s7+s3], $0x80, v4, vm0, $0xb8;
	[tilespmem:$0x10600] =	vst v63  }
0x80: {  	_ = 	snop  }
0x81: {  	[tilespmem:s15], [sflag:$0x2] =	stream.indirect_vreg.gather [hbm4b:s1+s3], $0x80, v3, vm0, $0xb8;
	[tilespmem:$0x10600] =	vst v63  }
0x82: {  	s19 =	simm.s32 $0xE700;
	s20 =	simm.s32 $0xC700;
	s24 =	simm.s32 $0x0  }
0x83: {  	[tilespmem:s16], [sflag:$0x2] =	stream.indirect_vreg.gather [hbm4b:s7+s3], $0x80, v3, vm0, $0xb8;
	[tilespmem:$0x10600] =	vst v63  }
.LBB2_2:
0x84: {  	_ =	swait.ge [sflag:s17], $0x2000  }
0x85: {  	[sflag:s17] =	ssyncset.done $0x0  }
0x86: {  	[sflag:s17] =	ssyncadd.s32 $0xFFFFE000  }
0x87: {  	_ =	swait.ge [sflag:s17], $0x2000  }
0x88: {  	[sflag:s17] =	ssyncset.done $0x0  }
0x89: {  	[sflag:s17] =	ssyncadd.s32 $0xFFFFE000  }
0x8a: {  	_ =	swait.ge [sflag:s17], $0x2000  }
0x8b: {  	[sflag:s17] =	ssyncset.done $0x0  }
0x8c: {  	s25 =	sshll.u32 s24, $0x5;
	s4 =	simm.s32 $0x0;
	[sflag:s17] =	ssyncadd.s32 $0xFFFFE000  }
.LBB2_3:
0x8d: {  	s5 =	sshll.u32 s4, $0x9;
	s6 =	sshll.u32 s4, $0x7  }
0x8e: {  	s5 =	sand.u32 $0x1000, s5;
	s6 =	sand.u32 $0x380, s6  }
0x8f: {  	s5 =	sor.u32 s6, s5  }
0x90: {  	v3 =	vld [tilespmem:s5+$0x600]  }
0x91: {  	v4 =	vld [tilespmem:s5+$0x2600]  }
0x92: {  	v5 =	vld [tilespmem:s5+$0x4600]  }
0x93: {  	v6 =	vld [tilespmem:s5+$0x610]  }
0x94: {  	v7 =	vld [tilespmem:s5+$0x2610]  }
0x95: {  	v8 =	vld [tilespmem:s5+$0x4610]  }
0x96: {  	v9 =	vld [tilespmem:s5+$0x620]  }
0x97: {  	v10 =	vld [tilespmem:s5+$0x2620]  }
0x98: {  	v11 =	vld [tilespmem:s5+$0x4620]  }
0x99: {  	v12 =	vld [tilespmem:s5+$0x630]  }
0x9a: {  	v13 =	vld [tilespmem:s5+$0x2630]  }
0x9b: {  	v14 =	vld [tilespmem:s5+$0x4630]  }
0x9c: {  	v32 =	vld [tilespmem:s5+$0x640]  }
0x9d: {  	v34 =	vld [tilespmem:s5+$0x2640]  }
0x9e: {  	v15 =	vld [tilespmem:s5+$0x4640]  }
0x9f: {  	v16 =	vld [tilespmem:s5+$0x650]  }
0xa0: {  	v36 =	vld [tilespmem:s5+$0x2650]  }
0xa1: {  	v37 =	vld [tilespmem:s5+$0x4650]  }
0xa2: {  	v40 =	vld [tilespmem:s5+$0x660]  }
0xa3: {  	v41 =	vld [tilespmem:s5+$0x2660]  }
0xa4: {  	v50 =	vld [tilespmem:s5+$0xA00]  }
0xa5: {  	v55 =	vld [tilespmem:s5+$0xA10]  }
0xa6: {  	v60 =	vld [tilespmem:s5+$0xA20]  }
0xa7: {  	v42 =	vld [tilespmem:s5+$0x4660];
	v3 =	vadd.f32 $9.999999970e-07, v3  }
0xa8: {  	v45 =	vld [tilespmem:s5+$0x670];
	v6 =	vadd.f32 $9.999999970e-07, v6;
	v33 =	vadd.f32 $9.999999970e-07, v9  }
0xa9: {  	v47 =	vld [tilespmem:s5+$0x2670];
	v35 =	vadd.f32 $9.999999970e-07, v12;
	v46 =	vadd.f32 $9.999999970e-07, v16  }
0xaa: {  	v51 =	vld [tilespmem:s5+$0x2A00];
	v61 =	vadd.f32 $9.999999970e-07, v50;
	v22 =	vadd.f32 $9.999999970e-07, v55  }
0xab: {  	v56 =	vld [tilespmem:s5+$0x2A10];
	v28 =	vadd.f32 $9.999999970e-07, v60;
	v4 =	vsub.f32 v3, v4  }
0xac: {  	v62 =	vld [tilespmem:s5+$0x2A20];
	v3 =	vsub.f32 v3, v5;
	v31 =	vsub.f32 v6, v7  }
0xad: {  	v27 =	vld [tilespmem:s5+$0xA40];
	v6 =	vsub.f32 v6, v8;
	v10 =	vsub.f32 v33, v10  }
0xae: {  	v48 =	vld [tilespmem:s5+$0x4670];
	v8 =	vsub.f32 v33, v11;
	v39 =	vsub.f32 v35, v13  }
0xaf: {  	v52 =	vld [tilespmem:s5+$0x4A00];
	v11 =	vsub.f32 v35, v14;
	v7 =	vadd.f32 $9.999999970e-07, v32  }
0xb0: {  	v21 =	vld [tilespmem:s5+$0xA30];
	v49 =	vsub.f32 v46, v36;
	v13 =	vadd.f32 $9.999999970e-07, v40  }
0xb1: {  	v57 =	vld [tilespmem:s5+$0x4A10];
	v20 =	vsub.f32 v61, v51;
	v26 =	vsub.f32 v22, v56  }
0xb2: {  	v63 =	vld [tilespmem:s5+$0x4A20];
	v32 =	vsub.f32 v28, v62;
	v40 =	vadd.f32 $9.999999970e-07, v27;
	v4 =	vmul.f32 v4, v4  }
0xb3: {  	v33 =	vld [tilespmem:s5+$0xA50];
	v3 =	vmul.f32 v3, v3;
	v5 =	vmul.f32 v31, v31;
	v9 =	vsub.f32 v7, v34  }
0xb4: {  	v23 =	vld [tilespmem:s5+$0x2A30];
	v6 =	vmul.f32 v6, v6;
	v7 =	vsub.f32 v7, v15;
	v54 =	vsub.f32 v13, v41  }
0xb5: {  	v24 =	vld [tilespmem:s5+$0x4A30];
	v44 =	vmul.f32 v11, v11;
	v11 =	vadd.f32 $9.999999970e-07, v45;
	v34 =	vadd.f32 $9.999999970e-07, v21  }
0xb6: {  	v29 =	vld [tilespmem:s5+$0x2A40];
	v38 =	vmul.f32 v10, v10;
	v4 =	vadd.f32 v5, v4;
	v3 =	vadd.f32 v6, v3  }
0xb7: {  	v35 =	vld [tilespmem:s5+$0x2A50];
	v8 =	vmul.f32 v8, v8;
	v5 =	vsub.f32 v46, v37;
	v6 =	vsub.f32 v13, v42  }
0xb8: {  	v30 =	vld [tilespmem:s5+$0x4A40];
	v43 =	vmul.f32 v39, v39;
	v59 =	vsub.f32 v11, v47;
	v46 =	vadd.f32 $9.999999970e-07, v33  }
0xb9: {  	v53 =	vmul.f32 v49, v49;
	v39 =	vld [tilespmem:s5+$0xA60];
	v4 =	vadd.f32 v38, v4;
	v3 =	vadd.f32 v8, v3  }
0xba: {  	v60 =	vld [tilespmem:s5+$0x4E10];
	v9 =	vmul.f32 v9, v9;
	v8 =	vsub.f32 v11, v48;
	v38 =	vsub.f32 v34, v23  }
0xbb: {  	v41 =	vld [tilespmem:s5+$0x2A60];
	v7 =	vmul.f32 v7, v7;
	v4 =	vadd.f32 v43, v4;
	v3 =	vadd.f32 v44, v3  }
0xbc: {  	v36 =	vld [tilespmem:s5+$0x4A50];
	v25 =	vmul.f32 v20, v20;
	v50 =	vsub.f32 v46, v35;
	v44 =	vsub.f32 v40, v29  }
0xbd: {  	v45 =	vld [tilespmem:s5+$0xA70];
	v5 =	vmul.f32 v5, v5;
	v4 =	vadd.f32 v9, v4;
	v3 =	vadd.f32 v7, v3  }
0xbe: {  	v51 =	vld [tilespmem:s5+$0xE00];
	v58 =	vmul.f32 v54, v54;
	v7 =	vsub.f32 v61, v52;
	v52 =	vadd.f32 $9.999999970e-07, v39  }
0xbf: {  	v47 =	vld [tilespmem:s5+$0x2A70];
	v6 =	vmul.f32 v6, v6;
	v4 =	vadd.f32 v53, v4;
	v3 =	vadd.f32 v5, v3  }
0xc0: {  	v20 =	vld [tilespmem:s5+$0x2E20];
	v19 =	vmul.f32 v59, v59;
	v5 =	vsub.f32 v22, v57;
	v56 =	vsub.f32 v52, v41  }
0xc1: {  	v8 =	vmul.f32 v8, v8;
	v53 =	vld [tilespmem:s5+$0x2E00];
	v4 =	vadd.f32 v58, v4;
	v3 =	vadd.f32 v6, v3  }
0xc2: {  	v57 =	vld [tilespmem:s5+$0xE10];
	v6 =	vsub.f32 v28, v63;
	v58 =	vadd.f32 $9.999999970e-07, v45  }
0xc3: {  	v31 =	vmul.f32 v26, v26;
	v26 =	vld [tilespmem:s5+$0x2E30];
	v4 =	vadd.f32 v19, v4;
	v3 =	vadd.f32 v8, v3  }
0xc4: {  	v59 =	vld [tilespmem:s5+$0x2E10];
	v7 =	vmul.f32 v7, v7;
	v8 =	vsub.f32 v34, v24;
	v62 =	vsub.f32 v58, v47  }
0xc5: {  	v63 =	vld [tilespmem:s5+$0xE20];
	v19 =	vadd.f32 $9.999999970e-07, v51;
	v4 =	vadd.f32 v25, v4  }
0xc6: {  	v42 =	vld [tilespmem:s5+$0x4A60];
	v5 =	vmul.f32 v5, v5;
	v3 =	vadd.f32 v7, v3;
	v7 =	vsub.f32 v40, v30  }
0xc7: {  	v24 =	vld [tilespmem:s5+$0xE30];
	v23 =	vsub.f32 v19, v53;
	v25 =	vadd.f32 $9.999999970e-07, v57  }
0xc8: {  	v37 =	vmul.f32 v32, v32;
	v54 =	vld [tilespmem:s5+$0x4E00];
	v4 =	vadd.f32 v31, v4;
	v3 =	vadd.f32 v5, v3  }
0xc9: {  	v48 =	vld [tilespmem:s5+$0x4A70];
	v6 =	vmul.f32 v6, v6;
	v5 =	vsub.f32 v46, v36;
	v29 =	vsub.f32 v25, v59  }
0xca: {  	v43 =	vmul.f32 v38, v38;
	v30 =	vld [tilespmem:s5+$0xE40];
	v31 =	vadd.f32 $9.999999970e-07, v63;
	v4 =	vadd.f32 v37, v4  }
0xcb: {  	v32 =	vld [tilespmem:s5+$0x2E40];
	v8 =	vmul.f32 v8, v8;
	v3 =	vadd.f32 v6, v3;
	v6 =	vsub.f32 v52, v42  }
0xcc: {  	v36 =	vld [tilespmem:s5+$0xE50];
	v35 =	vsub.f32 v31, v20;
	v37 =	vadd.f32 $9.999999970e-07, v24  }
0xcd: {  	v21 =	vld [tilespmem:s5+$0x4E20];
	v49 =	vmul.f32 v44, v44;
	v4 =	vadd.f32 v43, v4;
	v3 =	vadd.f32 v8, v3  }
0xce: {  	v38 =	vld [tilespmem:s5+$0x2E50];
	v7 =	vmul.f32 v7, v7;
	v8 =	vsub.f32 v58, v48;
	v41 =	vsub.f32 v37, v26  }
0xcf: {  	v55 =	vmul.f32 v50, v50;
	v42 =	vld [tilespmem:s5+$0xE60];
	v43 =	vadd.f32 $9.999999970e-07, v30;
	v4 =	vadd.f32 v49, v4  }
0xd0: {  	v44 =	vld [tilespmem:s5+$0x2E60];
	v5 =	vmul.f32 v5, v5;
	v3 =	vadd.f32 v7, v3;
	v7 =	vsub.f32 v19, v54  }
0xd1: {  	v48 =	vld [tilespmem:s5+$0xE70];
	v47 =	vsub.f32 v43, v32;
	v49 =	vadd.f32 $9.999999970e-07, v36  }
0xd2: {  	v61 =	vmul.f32 v56, v56;
	v54 =	vld [tilespmem:s5+$0x1200];
	v4 =	vadd.f32 v55, v4;
	v3 =	vadd.f32 v5, v3  }
0xd3: {  	v27 =	vld [tilespmem:s5+$0x4E30];
	v6 =	vmul.f32 v6, v6;
	v5 =	vsub.f32 v25, v60;
	v53 =	vsub.f32 v49, v38  }
0xd4: {  	v50 =	vld [tilespmem:s5+$0x2E70];
	v55 =	vadd.f32 $9.999999970e-07, v42;
	v4 =	vadd.f32 v61, v4  }
0xd5: {  	v56 =	vld [tilespmem:s5+$0x3200];
	v22 =	vmul.f32 v62, v62;
	v3 =	vadd.f32 v6, v3;
	v6 =	vsub.f32 v31, v21  }
0xd6: {  	v8 =	vmul.f32 v8, v8;
	v60 =	vld [tilespmem:s5+$0x1210];
	v59 =	vsub.f32 v55, v44;
	v61 =	vadd.f32 $9.999999970e-07, v48  }
0xd7: {  	v33 =	vld [tilespmem:s5+$0x4E40];
	v28 =	vmul.f32 v23, v23;
	v23 =	vadd.f32 $9.999999970e-07, v54;
	v4 =	vadd.f32 v22, v4  }
0xd8: {  	v62 =	vld [tilespmem:s5+$0x3210];
	v7 =	vmul.f32 v7, v7;
	v3 =	vadd.f32 v8, v3;
	v8 =	vsub.f32 v37, v27  }
0xd9: {  	v39 =	vld [tilespmem:s5+$0x4E50];
	v34 =	vmul.f32 v29, v29;
	v21 =	vsub.f32 v61, v50;
	v4 =	vadd.f32 v28, v4  }
0xda: {  	v5 =	vmul.f32 v5, v5;
	v22 =	vld [tilespmem:s5+$0x1220];
	v27 =	vsub.f32 v23, v56;
	v3 =	vadd.f32 v7, v3  }
0xdb: {  	v45 =	vld [tilespmem:s5+$0x4E60];
	v40 =	vmul.f32 v35, v35;
	v29 =	vadd.f32 $9.999999970e-07, v60;
	v4 =	vadd.f32 v34, v4  }
0xdc: {  	v24 =	vld [tilespmem:s5+$0x3220];
	v6 =	vmul.f32 v6, v6;
	v7 =	vsub.f32 v43, v33;
	v3 =	vadd.f32 v5, v3  }
0xdd: {  	v46 =	vmul.f32 v41, v41;
	v28 =	vld [tilespmem:s5+$0x1230];
	v33 =	vsub.f32 v29, v62;
	v4 =	vadd.f32 v40, v4  }
0xde: {  	v51 =	vld [tilespmem:s5+$0x4E70];
	v8 =	vmul.f32 v8, v8;
	v5 =	vsub.f32 v49, v39;
	v3 =	vadd.f32 v6, v3  }
0xdf: {  	v30 =	vld [tilespmem:s5+$0x3230];
	v52 =	vmul.f32 v47, v47;
	v35 =	vadd.f32 $9.999999970e-07, v22;
	v4 =	vadd.f32 v46, v4  }
0xe0: {  	v7 =	vmul.f32 v7, v7;
	v34 =	vld [tilespmem:s5+$0x1240];
	v6 =	vsub.f32 v55, v45;
	v3 =	vadd.f32 v8, v3  }
0xe1: {  	v57 =	vld [tilespmem:s5+$0x5200];
	v58 =	vmul.f32 v53, v53;
	v39 =	vsub.f32 v35, v24;
	v4 =	vadd.f32 v52, v4  }
0xe2: {  	v36 =	vld [tilespmem:s5+$0x3240];
	v5 =	vmul.f32 v5, v5;
	v13 =	vadd.f32 $9.999999970e-07, v28;
	v3 =	vadd.f32 v7, v3  }
0xe3: {  	v63 =	vld [tilespmem:s5+$0x5210];
	v20 =	vmul.f32 v59, v59;
	v8 =	vsub.f32 v61, v51;
	v4 =	vadd.f32 v58, v4  }
0xe4: {  	v40 =	vld [tilespmem:s5+$0x1250];
	v6 =	vmul.f32 v6, v6;
	v43 =	vsub.f32 v13, v30;
	v3 =	vadd.f32 v5, v3  }
0xe5: {  	v25 =	vld [tilespmem:s5+$0x5220];
	v26 =	vmul.f32 v21, v21;
	v12 =	vadd.f32 $9.999999970e-07, v34;
	v4 =	vadd.f32 v20, v4  }
0xe6: {  	v38 =	vld [tilespmem:s5+$0x5240];
	v8 =	vmul.f32 v8, v8;
	v7 =	vsub.f32 v23, v57;
	v3 =	vadd.f32 v6, v3  }
0xe7: {  	v31 =	vld [tilespmem:s5+$0x5230];
	v32 =	vmul.f32 v27, v27;
	v49 =	vsub.f32 v12, v36;
	v4 =	vadd.f32 v26, v4  }
0xe8: {  	v45 =	vld [tilespmem:s5+$0x1260];
	v7 =	vmul.f32 v7, v7;
	v5 =	vsub.f32 v29, v63;
	v3 =	vadd.f32 v8, v3  }
0xe9: {  	v50 =	vld [tilespmem:s5+$0x1270];
	v37 =	vmul.f32 v33, v33;
	v51 =	vadd.f32 $9.999999970e-07, v40;
	v4 =	vadd.f32 v32, v4  }
0xea: {  	v41 =	vld [tilespmem:s5+$0x3250];
	v5 =	vmul.f32 v5, v5;
	v6 =	vsub.f32 v35, v25;
	v3 =	vadd.f32 v7, v3  }
0xeb: {  	v44 =	vld [tilespmem:s5+$0x5250];
	v42 =	vmul.f32 v39, v39;
	v53 =	vsub.f32 v12, v38;
	v4 =	vadd.f32 v37, v4  }
0xec: {  	v47 =	vld [tilespmem:s5+$0x3260];
	v6 =	vmul.f32 v6, v6;
	v8 =	vsub.f32 v13, v31;
	v3 =	vadd.f32 v5, v3  }
0xed: {  	v52 =	vld [tilespmem:s5+$0x5260];
	v46 =	vmul.f32 v43, v43;
	v55 =	vadd.f32 $9.999999970e-07, v45;
	v4 =	vadd.f32 v42, v4  }
0xee: {  	v54 =	vld [tilespmem:s5+$0x3270];
	v58 =	vadd.f32 $9.999999970e-07, v50;
	v48 =	vmul.f32 v8, v8;
	v3 =	vadd.f32 v6, v3  }
0xef: {  	v56 =	vld [tilespmem:s5+$0x5270];
	v8 =	vmul.f32 v49, v49;
	v7 =	vsub.f32 v51, v41;
	v4 =	vadd.f32 v46, v4  }
0xf0: {  	v5 =	vsub.f32 v51, v44;
	v6 =	vmul.f32 v53, v53;
	v3 =	vadd.f32 v48, v3  }
0xf1: {  	s8 =	sor.u32 s25, s4;
	s22 =	sand.u32 $0x7, s4;
	v57 =	vsub.f32 v55, v47;
	v7 =	vmul.f32 v7, v7;
	v4 =	vadd.f32 v8, v4  }
0xf2: {  	p0 =	seq.s32 s8, $0x0;
	p1 =	sne.s32 s22, $0x0;
	v59 =	vsub.f32 v55, v52;
	v5 =	vmul.f32 v5, v5;
	v3 =	vadd.f32 v6, v3  }
0xf3: {  	p0 =	por !p0, !p1;
	v61 =	vsub.f32 v58, v54;
	v60 =	vmul.f32 v57, v57;
	v4 =	vadd.f32 v7, v4  }
0xf4: {  	s6 =	simm.s32 $0x1;
	p0 =	por !p0, !p0;
	v62 =	vsub.f32 v58, v56;
	v6 =	vmul.f32 v59, v59;
	v3 =	vadd.f32 v5, v3  }
0xf5: {  	s6 =	simm.s32 @!p0 $0x0;
	p0 =	sne.s32 s4, $0xF;
	s5 =	sshrl.u32 s8, $0x3;
	v63 =	vmul.f32 v61, v61;
	v4 =	vadd.f32 v60, v4  }
.Ltmp2:
0xf6: {  	s23 =	sshll.u32 s4, $0x4;
	s5 =	ssub.s32 s5, s6;
	v5 =	vmul.f32 v62, v62;
	v3 =	vadd.f32 v6, v3;
	(pc) =	sbr.rel @p0 .LBB2_3-.Ltmp2, $4  }
0xf7: {  	s6 =	sand.u32 $0x70, s23;
	s5 =	sshll.u32 s5, $0x7;
	v4 =	vadd.f32 v63, v4  }
0xf8: {  	s5 =	sor.u32 s6, s5;
	v3 =	vadd.f32 v5, v3  }
0xf9: {  	[tilespmem:s5+$0xC600] =	vst v4  }
0xfa: {  	s4 =	sadd.s32 $0x1, s4;
	[tilespmem:s5+$0xE600] =	vst v3  }
0xfb: {  	p0 =	seq.s32 s24, $0xF  }
0xfc: {  	v3 =	vld @!p0 [tilespmem:s25+$0x20];
	_ =	sdelay $0x4  }
0xfd: {  	v4 =	vshll.u32 @!p0 v3, $0x2  }
0xfe: {  	v5 =	vlaneseq.u32 @!p0;
	v3 =	vand.u32 @!p0 $0x7, v3;
	v4 =	vand.u32 @!p0 $0xFFFFFFE0, v4  }
0xff: {  	v6 =	vshrl.u32 @!p0 v5, $0x3;
	v3 =	vor.u32 @!p0 v3, v4;
	v4 =	vand.u32 @!p0 $0x7, v5  }
0x100: {  	v6 =	vmul.u32 @!p0 $0x8, v6;
	v7 =	vperm.xlane @!p0 v3, v4;
	_ =	sdelay $0x1  }
0x101: {  	v7 =	vadd.s32 @!p0 v6, v7  }
0x102: {  	v5 =	vor.u32 @!p0 $0x8, v5  }
0x103: {  	v3 =	vperm.xlane @!p0 v3, v5;
	_ =	sdelay $0x1  }
0x104: {  	vm1 =	vmmov @!p0 $0xffff;
	s4 =	simm.s32 @!p0 $0x0;
	s5 =	simm.s32 @!p0 $0x600;
	v3 =	vadd.s32 @!p0 v6, v3  }
0x105: {  	[tilespmem:s5], [sflag:$0x1] =	stream.indirect_vreg.gather @!p0 [hbm4b:s1+s4], $0x80, v7, vm1, $0xb8;
	[tilespmem:$0x10600] =	vst v63  }
0x106: {  	s5 =	simm.s32 @!p0 $0xE00  }
0x107: {  	[tilespmem:s5], [sflag:$0x1] =	stream.indirect_vreg.gather @!p0 [hbm4b:s7+s4], $0x80, v7, vm1, $0xb8;
	[tilespmem:$0x10600] =	vst v63  }
0x108: {  	s5 =	simm.s32 @!p0 $0x1600  }
0x109: {  	[tilespmem:s5], [sflag:$0x1] =	stream.indirect_vreg.gather @!p0 [hbm4b:s1+s4], $0x80, v3, vm1, $0xb8;
	[tilespmem:$0x10600] =	vst v63  }
0x10a: {  	s5 =	simm.s32 @!p0 $0x1E00  }
0x10b: {  	[tilespmem:s5], [sflag:$0x1] =	stream.indirect_vreg.gather @!p0 [hbm4b:s7+s4], $0x80, v3, vm1, $0xb8;
	[tilespmem:$0x10600] =	vst v63  }
0x10c: {  	v3 =	vld @!p0 [tilespmem:s25+$0x220];
	_ =	sdelay $0x4  }
0x10d: {  	v7 =	vshll.u32 @!p0 v3, $0x2  }
0x10e: {  	v3 =	vand.u32 @!p0 $0x7, v3;
	v7 =	vand.u32 @!p0 $0xFFFFFFE0, v7  }
0x10f: {  	v3 =	vor.u32 @!p0 v3, v7  }
0x110: {  	v7 =	vperm.xlane @!p0 v3, v4;
	_ =	sdelay $0x1  }
0x111: {  	v7 =	vadd.s32 @!p0 v6, v7;
	_ =	sdelay $0x1  }
0x112: {  	v3 =	vperm.xlane @!p0 v3, v5;
	_ =	sdelay $0x1  }
0x113: {  	s5 =	simm.s32 @!p0 $0x2600;
	v3 =	vadd.s32 @!p0 v6, v3  }
0x114: {  	[tilespmem:s5], [sflag:$0x1] =	stream.indirect_vreg.gather @!p0 [hbm4b:s1+s4], $0x80, v7, vm1, $0xb8;
	[tilespmem:$0x10600] =	vst v63  }
0x115: {  	s5 =	simm.s32 @!p0 $0x2E00  }
0x116: {  	[tilespmem:s5], [sflag:$0x1] =	stream.indirect_vreg.gather @!p0 [hbm4b:s7+s4], $0x80, v7, vm1, $0xb8;
	[tilespmem:$0x10600] =	vst v63  }
0x117: {  	s5 =	simm.s32 @!p0 $0x3600  }
0x118: {  	[tilespmem:s5], [sflag:$0x1] =	stream.indirect_vreg.gather @!p0 [hbm4b:s1+s4], $0x80, v3, vm1, $0xb8;
	[tilespmem:$0x10600] =	vst v63  }
0x119: {  	s5 =	simm.s32 @!p0 $0x3E00  }
0x11a: {  	[tilespmem:s5], [sflag:$0x1] =	stream.indirect_vreg.gather @!p0 [hbm4b:s7+s4], $0x80, v3, vm1, $0xb8;
	[tilespmem:$0x10600] =	vst v63  }
0x11b: {  	v3 =	vld @!p0 [tilespmem:s25+$0x420];
	_ =	sdelay $0x4  }
0x11c: {  	v7 =	vshll.u32 @!p0 v3, $0x2  }
0x11d: {  	v3 =	vand.u32 @!p0 $0x7, v3;
	v7 =	vand.u32 @!p0 $0xFFFFFFE0, v7  }
0x11e: {  	v3 =	vor.u32 @!p0 v3, v7  }
0x11f: {  	v4 =	vperm.xlane @!p0 v3, v4;
	_ =	sdelay $0x1  }
0x120: {  	v4 =	vadd.s32 @!p0 v6, v4;
	_ =	sdelay $0x1  }
0x121: {  	v3 =	vperm.xlane @!p0 v3, v5;
	_ =	sdelay $0x1  }
0x122: {  	s5 =	simm.s32 @!p0 $0x4600;
	v3 =	vadd.s32 @!p0 v6, v3  }
0x123: {  	[tilespmem:s5], [sflag:$0x1] =	stream.indirect_vreg.gather @!p0 [hbm4b:s1+s4], $0x80, v4, vm1, $0xb8;
	[tilespmem:$0x10600] =	vst v63  }
0x124: {  	s5 =	simm.s32 @!p0 $0x4E00  }
0x125: {  	[tilespmem:s5], [sflag:$0x1] =	stream.indirect_vreg.gather @!p0 [hbm4b:s7+s4], $0x80, v4, vm1, $0xb8;
	[tilespmem:$0x10600] =	vst v63  }
0x126: {  	s5 =	simm.s32 @!p0 $0x5600  }
0x127: {  	[tilespmem:s5], [sflag:$0x1] =	stream.indirect_vreg.gather @!p0 [hbm4b:s1+s4], $0x80, v3, vm1, $0xb8;
	[tilespmem:$0x10600] =	vst v63  }
0x128: {  	s5 =	simm.s32 @!p0 $0x5E00  }
0x129: {  	[tilespmem:s5], [sflag:$0x1] =	stream.indirect_vreg.gather @!p0 [hbm4b:s7+s4], $0x80, v3, vm1, $0xb8;
	[tilespmem:$0x10600] =	vst v63  }
0x12a: {  	_ =	swait.ge [sflag:s18], $0x2000  }
0x12b: {  	[sflag:s18] =	ssyncset.done $0x0  }
0x12c: {  	[sflag:s18] =	ssyncadd.s32 $0xFFFFE000  }
0x12d: {  	_ =	swait.ge [sflag:s18], $0x2000  }
0x12e: {  	[sflag:s18] =	ssyncset.done $0x0  }
0x12f: {  	[sflag:s18] =	ssyncadd.s32 $0xFFFFE000  }
0x130: {  	s8 =	simm.s32 $0x0;
	_ =	swait.ge [sflag:s18], $0x2000  }
0x131: {  	s22 =	sand.u32 $0x1000, s8;
	s4 =	sand.u32 $0x380, s8;
	[sflag:s18] =	ssyncset.done $0x0  }
0x132: {  	s4 =	sor.u32 s4, s22;
	[sflag:s18] =	ssyncadd.s32 $0xFFFFE000  }
0x133: {  	v3 =	vld [tilespmem:s4+$0x7270]  }
0x134: {  	v4 =	vld [tilespmem:s4+$0x7260]  }
0x135: {  	v5 =	vld [tilespmem:s4+$0x7250]  }
0x136: {  	v6 =	vld [tilespmem:s4+$0x7240]  }
0x137: {  	v7 =	vld [tilespmem:s4+$0x7230]  }
0x138: {  	v8 =	vld [tilespmem:s4+$0x7220]  }
0x139: {  	v9 =	vld [tilespmem:s4+$0x7210]  }
0x13a: {  	v10 =	vld [tilespmem:s4+$0x7200]  }
0x13b: {  	v11 =	vld [tilespmem:s4+$0x6E70]  }
0x13c: {  	v12 =	vld [tilespmem:s4+$0x6E60]  }
0x13d: {  	v13 =	vld [tilespmem:s4+$0x6E50]  }
0x13e: {  	v14 =	vld [tilespmem:s4+$0x6E40]  }
0x13f: {  	v15 =	vld [tilespmem:s4+$0x6E30]  }
0x140: {  	v21 =	vld [tilespmem:s4+$0xA600]  }
0x141: {  	v16 =	vld [tilespmem:s4+$0x6E20]  }
0x142: {  	v22 =	vld [tilespmem:s4+$0x8600]  }
0x143: {  	v17 =	vld [tilespmem:s4+$0x6E10]  }
0x144: {  	v18 =	vld [tilespmem:s4+$0x6E00]  }
0x145: {  	v19 =	vld [tilespmem:s4+$0x6A70]  }
0x146: {  	v20 =	vld [tilespmem:s4+$0x6A60]  }
0x147: {  	v23 =	vld [tilespmem:s4+$0x6A50]  }
0x148: {  	v24 =	vld [tilespmem:s4+$0x6A40]  }
0x149: {  	v25 =	vld [tilespmem:s4+$0x6A30]  }
0x14a: {  	v26 =	vld [tilespmem:s4+$0x6A20];
	v4 =	vadd.f32 $9.999999970e-07, v4;
	v3 =	vadd.f32 $9.999999970e-07, v3  }
0x14b: {  	v27 =	vld [tilespmem:s4+$0x6A10];
	v6 =	vadd.f32 $9.999999970e-07, v6;
	v5 =	vadd.f32 $9.999999970e-07, v5  }
0x14c: {  	v28 =	vld [tilespmem:s4+$0x6A00];
	v8 =	vadd.f32 $9.999999970e-07, v8;
	v7 =	vadd.f32 $9.999999970e-07, v7  }
0x14d: {  	v29 =	vld [tilespmem:s4+$0x6670];
	v10 =	vadd.f32 $9.999999970e-07, v10;
	v9 =	vadd.f32 $9.999999970e-07, v9  }
0x14e: {  	v30 =	vld [tilespmem:s4+$0x6660];
	v12 =	vadd.f32 $9.999999970e-07, v12;
	v11 =	vadd.f32 $9.999999970e-07, v11  }
0x14f: {  	v31 =	vld [tilespmem:s4+$0x6650];
	v14 =	vadd.f32 $9.999999970e-07, v14;
	v13 =	vadd.f32 $9.999999970e-07, v13  }
0x150: {  	v32 =	vld [tilespmem:s4+$0x6640];
	v16 =	vadd.f32 $9.999999970e-07, v16;
	v15 =	vadd.f32 $9.999999970e-07, v15  }
0x151: {  	v33 =	vld [tilespmem:s4+$0x6630];
	v18 =	vadd.f32 $9.999999970e-07, v18;
	v17 =	vadd.f32 $9.999999970e-07, v17  }
0x152: {  	v34 =	vld [tilespmem:s4+$0x6600];
	v20 =	vadd.f32 $9.999999970e-07, v20;
	v19 =	vadd.f32 $9.999999970e-07, v19  }
0x153: {  	v35 =	vld [tilespmem:s4+$0x6610];
	v24 =	vadd.f32 $9.999999970e-07, v24;
	v23 =	vadd.f32 $9.999999970e-07, v23  }
0x154: {  	v36 =	vld [tilespmem:s4+$0x6620];
	v26 =	vadd.f32 $9.999999970e-07, v26;
	v25 =	vadd.f32 $9.999999970e-07, v25  }
0x155: {  	v37 =	vld [tilespmem:s4+$0x8610];
	v28 =	vadd.f32 $9.999999970e-07, v28;
	v27 =	vadd.f32 $9.999999970e-07, v27  }
0x156: {  	v38 =	vld [tilespmem:s4+$0xA610];
	v30 =	vadd.f32 $9.999999970e-07, v30;
	v29 =	vadd.f32 $9.999999970e-07, v29  }
0x157: {  	v39 =	vld [tilespmem:s4+$0x8620];
	v32 =	vadd.f32 $9.999999970e-07, v32;
	v31 =	vadd.f32 $9.999999970e-07, v31  }
0x158: {  	v40 =	vld [tilespmem:s4+$0xA620];
	v34 =	vadd.f32 $9.999999970e-07, v34;
	v35 =	vadd.f32 $9.999999970e-07, v35  }
0x159: {  	v41 =	vld [tilespmem:s4+$0x8630];
	v36 =	vadd.f32 $9.999999970e-07, v36;
	v33 =	vadd.f32 $9.999999970e-07, v33  }
0x15a: {  	v42 =	vld [tilespmem:s4+$0xA630];
	v22 =	vsub.f32 v34, v22;
	v37 =	vsub.f32 v35, v37  }
0x15b: {  	v60 =	vld [tilespmem:s4+$0x8640];
	v21 =	vsub.f32 v34, v21;
	v59 =	vsub.f32 v35, v38  }
0x15c: {  	v62 =	vld [tilespmem:s4+$0xA640];
	v61 =	vsub.f32 v36, v39;
	v22 =	vmul.f32 v22, v22;
	v37 =	vmul.f32 v37, v37  }
0x15d: {  	v63 =	vld [tilespmem:s4+$0x8650];
	v36 =	vsub.f32 v36, v40;
	v21 =	vmul.f32 v21, v21;
	v34 =	vmul.f32 v59, v59  }
0x15e: {  	v46 =	vld [tilespmem:s4+$0xA650];
	v45 =	vsub.f32 v33, v41;
	v44 =	vmul.f32 v61, v61;
	v22 =	vadd.f32 v37, v22  }
0x15f: {  	v48 =	vld [tilespmem:s4+$0x8660];
	v33 =	vsub.f32 v33, v42;
	v47 =	vmul.f32 v36, v36;
	v21 =	vadd.f32 v34, v21  }
0x160: {  	v50 =	vld [tilespmem:s4+$0xA660];
	v35 =	vsub.f32 v32, v60;
	v49 =	vmul.f32 v45, v45;
	v22 =	vadd.f32 v44, v22  }
0x161: {  	v51 =	vld [tilespmem:s4+$0x8670];
	v32 =	vsub.f32 v32, v62;
	v33 =	vmul.f32 v33, v33;
	v21 =	vadd.f32 v47, v21  }
0x162: {  	v53 =	vld [tilespmem:s4+$0xA670];
	v52 =	vsub.f32 v31, v63;
	v35 =	vmul.f32 v35, v35;
	v22 =	vadd.f32 v49, v22  }
0x163: {  	v54 =	vld [tilespmem:s4+$0x8A00];
	v31 =	vsub.f32 v31, v46;
	v32 =	vmul.f32 v32, v32;
	v21 =	vadd.f32 v33, v21  }
0x164: {  	v56 =	vld [tilespmem:s4+$0xAA00];
	v55 =	vmul.f32 v52, v52;
	v36 =	vsub.f32 v30, v48;
	v22 =	vadd.f32 v35, v22  }
0x165: {  	v57 =	vld [tilespmem:s4+$0x8A10];
	v31 =	vmul.f32 v31, v31;
	v30 =	vsub.f32 v30, v50;
	v21 =	vadd.f32 v32, v21  }
0x166: {  	v59 =	vld [tilespmem:s4+$0xAA10];
	v58 =	vmul.f32 v36, v36;
	v34 =	vsub.f32 v29, v51;
	v22 =	vadd.f32 v55, v22  }
0x167: {  	v30 =	vmul.f32 v30, v30;
	v29 =	vsub.f32 v29, v53;
	v21 =	vadd.f32 v31, v21;
	v31 =	vld [tilespmem:s4+$0x8A20]  }
0x168: {  	v60 =	vld [tilespmem:s4+$0xAA20];
	v34 =	vmul.f32 v34, v34;
	v33 =	vsub.f32 v28, v54;
	v22 =	vadd.f32 v58, v22  }
0x169: {  	v29 =	vmul.f32 v29, v29;
	v28 =	vsub.f32 v28, v56;
	v21 =	vadd.f32 v30, v21;
	v30 =	vld [tilespmem:s4+$0x8A30]  }
0x16a: {  	v61 =	vld [tilespmem:s4+$0xAA30];
	v33 =	vmul.f32 v33, v33;
	v32 =	vsub.f32 v27, v57;
	v22 =	vadd.f32 v34, v22  }
0x16b: {  	v28 =	vmul.f32 v28, v28;
	v27 =	vsub.f32 v27, v59;
	v21 =	vadd.f32 v29, v21;
	v29 =	vld [tilespmem:s4+$0x8A40]  }
0x16c: {  	v62 =	vld [tilespmem:s4+$0xAA40];
	v32 =	vmul.f32 v32, v32;
	v31 =	vsub.f32 v26, v31;
	v22 =	vadd.f32 v33, v22  }
0x16d: {  	v27 =	vmul.f32 v27, v27;
	v26 =	vsub.f32 v26, v60;
	v21 =	vadd.f32 v28, v21;
	v28 =	vld [tilespmem:s4+$0x8A50]  }
0x16e: {  	v63 =	vld [tilespmem:s4+$0xAA50];
	v31 =	vmul.f32 v31, v31;
	v30 =	vsub.f32 v25, v30;
	v22 =	vadd.f32 v32, v22  }
0x16f: {  	v26 =	vmul.f32 v26, v26;
	v25 =	vsub.f32 v25, v61;
	v21 =	vadd.f32 v27, v21;
	v27 =	vld [tilespmem:s4+$0x8A60]  }
0x170: {  	v30 =	vmul.f32 v30, v30;
	v29 =	vsub.f32 v24, v29;
	v22 =	vadd.f32 v31, v22;
	v31 =	vld [tilespmem:s4+$0xAA60]  }
0x171: {  	v25 =	vmul.f32 v25, v25;
	v24 =	vsub.f32 v24, v62;
	v21 =	vadd.f32 v26, v21;
	v26 =	vld [tilespmem:s4+$0x8A70]  }
0x172: {  	v29 =	vmul.f32 v29, v29;
	v28 =	vsub.f32 v23, v28;
	v22 =	vadd.f32 v30, v22;
	v30 =	vld [tilespmem:s4+$0xAA70]  }
0x173: {  	v24 =	vmul.f32 v24, v24;
	v23 =	vsub.f32 v23, v63;
	v21 =	vadd.f32 v25, v21;
	v25 =	vld [tilespmem:s4+$0x8E00]  }
0x174: {  	v28 =	vmul.f32 v28, v28;
	v27 =	vsub.f32 v20, v27;
	v22 =	vadd.f32 v29, v22;
	v29 =	vld [tilespmem:s4+$0xAE00]  }
0x175: {  	v23 =	vmul.f32 v23, v23;
	v21 =	vadd.f32 v24, v21;
	v24 =	vld [tilespmem:s4+$0x8E10];
	v20 =	vsub.f32 v20, v31  }
0x176: {  	v27 =	vmul.f32 v27, v27;
	v26 =	vsub.f32 v19, v26;
	v22 =	vadd.f32 v28, v22;
	v28 =	vld [tilespmem:s4+$0xAE10]  }
0x177: {  	v21 =	vadd.f32 v23, v21;
	v23 =	vld [tilespmem:s4+$0x8E20];
	v20 =	vmul.f32 v20, v20;
	v19 =	vsub.f32 v19, v30  }
0x178: {  	v26 =	vmul.f32 v26, v26;
	v25 =	vsub.f32 v18, v25;
	v22 =	vadd.f32 v27, v22;
	v27 =	vld [tilespmem:s4+$0xAE20]  }
0x179: {  	v20 =	vadd.f32 v20, v21;
	v19 =	vmul.f32 v19, v19;
	v18 =	vsub.f32 v18, v29;
	v21 =	vld [tilespmem:s4+$0x8E30]  }
0x17a: {  	v25 =	vmul.f32 v25, v25;
	v24 =	vsub.f32 v17, v24;
	v22 =	vadd.f32 v26, v22;
	v26 =	vld [tilespmem:s4+$0xAE30]  }
0x17b: {  	v19 =	vadd.f32 v19, v20;
	v18 =	vmul.f32 v18, v18;
	v17 =	vsub.f32 v17, v28;
	v20 =	vld [tilespmem:s4+$0x8E40]  }
0x17c: {  	v24 =	vmul.f32 v24, v24;
	v23 =	vsub.f32 v16, v23;
	v22 =	vadd.f32 v25, v22;
	v25 =	vld [tilespmem:s4+$0xAE40]  }
0x17d: {  	v18 =	vadd.f32 v18, v19;
	v17 =	vmul.f32 v17, v17;
	v16 =	vsub.f32 v16, v27;
	v19 =	vld [tilespmem:s4+$0x8E50]  }
0x17e: {  	v23 =	vmul.f32 v23, v23;
	v22 =	vadd.f32 v24, v22;
	v21 =	vsub.f32 v15, v21;
	v24 =	vld [tilespmem:s4+$0xAE50]  }
0x17f: {  	v17 =	vadd.f32 v17, v18;
	v16 =	vmul.f32 v16, v16;
	v15 =	vsub.f32 v15, v26;
	v18 =	vld [tilespmem:s4+$0x8E60]  }
0x180: {  	v22 =	vadd.f32 v23, v22;
	v21 =	vmul.f32 v21, v21;
	v20 =	vsub.f32 v14, v20;
	v23 =	vld [tilespmem:s4+$0xAE60]  }
0x181: {  	v16 =	vadd.f32 v16, v17;
	v15 =	vmul.f32 v15, v15;
	v14 =	vsub.f32 v14, v25;
	v17 =	vld [tilespmem:s4+$0x8E70]  }
0x182: {  	v21 =	vadd.f32 v21, v22;
	v20 =	vmul.f32 v20, v20;
	v19 =	vsub.f32 v13, v19;
	v22 =	vld [tilespmem:s4+$0xAE70]  }
0x183: {  	v15 =	vadd.f32 v15, v16;
	v14 =	vmul.f32 v14, v14;
	v13 =	vsub.f32 v13, v24;
	v16 =	vld [tilespmem:s4+$0x9200]  }
0x184: {  	v20 =	vadd.f32 v20, v21;
	v19 =	vmul.f32 v19, v19;
	v18 =	vsub.f32 v12, v18;
	v21 =	vld [tilespmem:s4+$0xB200]  }
0x185: {  	v14 =	vadd.f32 v14, v15;
	v13 =	vmul.f32 v13, v13;
	v12 =	vsub.f32 v12, v23;
	v15 =	vld [tilespmem:s4+$0x9210]  }
0x186: {  	v19 =	vadd.f32 v19, v20;
	v18 =	vmul.f32 v18, v18;
	v17 =	vsub.f32 v11, v17;
	v20 =	vld [tilespmem:s4+$0xB210]  }
0x187: {  	v13 =	vadd.f32 v13, v14;
	v12 =	vmul.f32 v12, v12;
	v11 =	vsub.f32 v11, v22;
	v14 =	vld [tilespmem:s4+$0x9220]  }
0x188: {  	v18 =	vadd.f32 v18, v19;
	v17 =	vmul.f32 v17, v17;
	v16 =	vsub.f32 v10, v16;
	v19 =	vld [tilespmem:s4+$0xB220]  }
0x189: {  	v12 =	vadd.f32 v12, v13;
	v11 =	vmul.f32 v11, v11;
	v10 =	vsub.f32 v10, v21;
	v13 =	vld [tilespmem:s4+$0x9230]  }
0x18a: {  	v17 =	vadd.f32 v17, v18;
	v16 =	vmul.f32 v16, v16;
	v15 =	vsub.f32 v9, v15;
	v18 =	vld [tilespmem:s4+$0xB230]  }
0x18b: {  	v11 =	vadd.f32 v11, v12;
	v10 =	vmul.f32 v10, v10;
	v9 =	vsub.f32 v9, v20;
	v12 =	vld [tilespmem:s4+$0x9240]  }
0x18c: {  	v16 =	vadd.f32 v16, v17;
	v15 =	vmul.f32 v15, v15;
	v14 =	vsub.f32 v8, v14;
	v17 =	vld [tilespmem:s4+$0xB240]  }
0x18d: {  	v10 =	vadd.f32 v10, v11;
	v9 =	vmul.f32 v9, v9;
	v8 =	vsub.f32 v8, v19;
	v11 =	vld [tilespmem:s4+$0x9250]  }
0x18e: {  	v15 =	vadd.f32 v15, v16;
	v14 =	vmul.f32 v14, v14;
	v13 =	vsub.f32 v7, v13;
	v16 =	vld [tilespmem:s4+$0xB250]  }
0x18f: {  	v9 =	vadd.f32 v9, v10;
	v8 =	vmul.f32 v8, v8;
	v7 =	vsub.f32 v7, v18;
	v10 =	vld [tilespmem:s4+$0x9260]  }
0x190: {  	v14 =	vadd.f32 v14, v15;
	v13 =	vmul.f32 v13, v13;
	v12 =	vsub.f32 v6, v12;
	v15 =	vld [tilespmem:s4+$0xB260]  }
0x191: {  	v8 =	vadd.f32 v8, v9;
	v7 =	vmul.f32 v7, v7;
	v6 =	vsub.f32 v6, v17;
	v9 =	vld [tilespmem:s4+$0x9270]  }
0x192: {  	v13 =	vadd.f32 v13, v14;
	v12 =	vmul.f32 v12, v12;
	v11 =	vsub.f32 v5, v11;
	v14 =	vld [tilespmem:s4+$0xB270]  }
0x193: {  	v7 =	vadd.f32 v7, v8;
	v6 =	vmul.f32 v6, v6;
	v5 =	vsub.f32 v5, v16  }
0x194: {  	v8 =	vadd.f32 v12, v13;
	v11 =	vmul.f32 v11, v11;
	v10 =	vsub.f32 v4, v10  }
0x195: {  	v6 =	vadd.f32 v6, v7;
	v5 =	vmul.f32 v5, v5;
	v4 =	vsub.f32 v4, v15  }
0x196: {  	v7 =	vadd.f32 v11, v8;
	v8 =	vmul.f32 v10, v10;
	v9 =	vsub.f32 v3, v9  }
0x197: {  	v5 =	vadd.f32 v5, v6;
	v4 =	vmul.f32 v4, v4;
	v3 =	vsub.f32 v3, v14  }
0x198: {  	v6 =	vadd.f32 v8, v7;
	v7 =	vmul.f32 v9, v9  }
0x199: {  	v4 =	vadd.f32 v4, v5;
	v3 =	vmul.f32 v3, v3  }
0x19a: {  	v5 =	vadd.f32 v7, v6  }
0x19b: {  	s23 =	simm.s32 $0x200;
	s5 =	simm.s32 $0x80;
	v3 =	vadd.f32 v3, v4  }
0x19c: {  	s6 =	sand.u32 $0x380, s5;
	s4 =	sand.u32 $0x1000, s23;
	[tilespmem:s20+$0x0] =	vst v5  }
0x19d: {  	s4 =	sor.u32 s6, s4;
	[tilespmem:s19+$0x0] =	vst v3  }
0x19e: {  	v3 =	vld [tilespmem:s4+$0x7270]  }
0x19f: {  	v4 =	vld [tilespmem:s4+$0x7260]  }
0x1a0: {  	v5 =	vld [tilespmem:s4+$0x7250]  }
0x1a1: {  	v6 =	vld [tilespmem:s4+$0x7240]  }
0x1a2: {  	v7 =	vld [tilespmem:s4+$0x7230]  }
0x1a3: {  	v8 =	vld [tilespmem:s4+$0x7220]  }
0x1a4: {  	v9 =	vld [tilespmem:s4+$0x7210]  }
0x1a5: {  	v10 =	vld [tilespmem:s4+$0x7200]  }
0x1a6: {  	v11 =	vld [tilespmem:s4+$0x6E70]  }
0x1a7: {  	v12 =	vld [tilespmem:s4+$0x6E60]  }
0x1a8: {  	v13 =	vld [tilespmem:s4+$0x6E50]  }
0x1a9: {  	v14 =	vld [tilespmem:s4+$0x6E40]  }
0x1aa: {  	v15 =	vld [tilespmem:s4+$0x6E30]  }
0x1ab: {  	v21 =	vld [tilespmem:s4+$0xA600]  }
0x1ac: {  	v16 =	vld [tilespmem:s4+$0x6E20]  }
0x1ad: {  	v23 =	vld [tilespmem:s4+$0x8600]  }
0x1ae: {  	v17 =	vld [tilespmem:s4+$0x6E10]  }
0x1af: {  	v18 =	vld [tilespmem:s4+$0x6E00]  }
0x1b0: {  	v19 =	vld [tilespmem:s4+$0x6A70]  }
0x1b1: {  	v20 =	vld [tilespmem:s4+$0x6A60]  }
0x1b2: {  	v22 =	vld [tilespmem:s4+$0x6A50]  }
0x1b3: {  	v24 =	vld [tilespmem:s4+$0x6A40]  }
0x1b4: {  	v25 =	vld [tilespmem:s4+$0x6A30]  }
0x1b5: {  	v27 =	vld [tilespmem:s4+$0x6A20];
	v4 =	vadd.f32 $9.999999970e-07, v4;
	v3 =	vadd.f32 $9.999999970e-07, v3  }
0x1b6: {  	v26 =	vld [tilespmem:s4+$0x6A10];
	v6 =	vadd.f32 $9.999999970e-07, v6;
	v5 =	vadd.f32 $9.999999970e-07, v5  }
0x1b7: {  	v29 =	vld [tilespmem:s4+$0x6A00];
	v8 =	vadd.f32 $9.999999970e-07, v8;
	v7 =	vadd.f32 $9.999999970e-07, v7  }
0x1b8: {  	v28 =	vld [tilespmem:s4+$0x6670];
	v10 =	vadd.f32 $9.999999970e-07, v10;
	v9 =	vadd.f32 $9.999999970e-07, v9  }
0x1b9: {  	v32 =	vld [tilespmem:s4+$0x6660];
	v12 =	vadd.f32 $9.999999970e-07, v12;
	v11 =	vadd.f32 $9.999999970e-07, v11  }
0x1ba: {  	v30 =	vld [tilespmem:s4+$0x6650];
	v14 =	vadd.f32 $9.999999970e-07, v14;
	v13 =	vadd.f32 $9.999999970e-07, v13  }
0x1bb: {  	v33 =	vld [tilespmem:s4+$0x6640];
	v16 =	vadd.f32 $9.999999970e-07, v16;
	v15 =	vadd.f32 $9.999999970e-07, v15  }
0x1bc: {  	v31 =	vld [tilespmem:s4+$0x6630];
	v18 =	vadd.f32 $9.999999970e-07, v18;
	v17 =	vadd.f32 $9.999999970e-07, v17  }
0x1bd: {  	s22 =	smov.u32 s19;
	s23 =	smov.u32 s20;
	s6 =	simm.s32 $0x400;
	v34 =	vld [tilespmem:s4+$0x6600];
	v20 =	vadd.f32 $9.999999970e-07, v20;
	v19 =	vadd.f32 $9.999999970e-07, v19  }
.LBB2_5:
0x1be: {  	p1 =	sne.s32 s6, $0x1E00;
	v35 =	vld [tilespmem:s4+$0x6610];
	v24 =	vadd.f32 $9.999999970e-07, v24;
	v22 =	vadd.f32 $9.999999970e-07, v22  }
0x1bf: {  	v27 =	vadd.f32 $9.999999970e-07, v27;
	v25 =	vadd.f32 $9.999999970e-07, v25;
	v36 =	vld [tilespmem:s4+$0x6620]  }
0x1c0: {  	v29 =	vadd.f32 $9.999999970e-07, v29;
	v26 =	vadd.f32 $9.999999970e-07, v26;
	v37 =	vld [tilespmem:s4+$0x8610]  }
0x1c1: {  	v32 =	vadd.f32 $9.999999970e-07, v32;
	v28 =	vadd.f32 $9.999999970e-07, v28;
	v38 =	vld [tilespmem:s4+$0xA610]  }
0x1c2: {  	v30 =	vadd.f32 $9.999999970e-07, v30;
	v33 =	vadd.f32 $9.999999970e-07, v33;
	v39 =	vld [tilespmem:s4+$0x8620]  }
0x1c3: {  	v34 =	vadd.f32 $9.999999970e-07, v34;
	v35 =	vadd.f32 $9.999999970e-07, v35;
	v40 =	vld [tilespmem:s4+$0xA620]  }
0x1c4: {  	v31 =	vadd.f32 $9.999999970e-07, v31;
	v36 =	vadd.f32 $9.999999970e-07, v36;
	v41 =	vld [tilespmem:s4+$0x8630]  }
0x1c5: {  	v23 =	vsub.f32 v34, v23;
	v37 =	vsub.f32 v35, v37;
	v42 =	vld [tilespmem:s4+$0xA630]  }
0x1c6: {  	v21 =	vsub.f32 v34, v21;
	v34 =	vsub.f32 v35, v38;
	v35 =	vld [tilespmem:s4+$0x8640]  }
0x1c7: {  	v23 =	vmul.f32 v23, v23;
	v37 =	vmul.f32 v37, v37;
	v38 =	vsub.f32 v36, v39;
	v39 =	vld [tilespmem:s4+$0xA640]  }
0x1c8: {  	v21 =	vmul.f32 v21, v21;
	v34 =	vmul.f32 v34, v34;
	v36 =	vsub.f32 v36, v40;
	v40 =	vld [tilespmem:s4+$0x8650]  }
0x1c9: {  	v23 =	vadd.f32 v37, v23;
	v37 =	vmul.f32 v38, v38;
	v38 =	vsub.f32 v31, v41;
	v41 =	vld [tilespmem:s4+$0xA650]  }
0x1ca: {  	v21 =	vadd.f32 v34, v21;
	v34 =	vmul.f32 v36, v36;
	v31 =	vsub.f32 v31, v42;
	v36 =	vld [tilespmem:s4+$0x8660]  }
0x1cb: {  	v23 =	vadd.f32 v37, v23;
	v37 =	vmul.f32 v38, v38;
	v35 =	vsub.f32 v33, v35;
	v38 =	vld [tilespmem:s4+$0xA660]  }
0x1cc: {  	v21 =	vadd.f32 v34, v21;
	v31 =	vmul.f32 v31, v31;
	v33 =	vsub.f32 v33, v39;
	v34 =	vld [tilespmem:s4+$0x8670]  }
0x1cd: {  	v23 =	vadd.f32 v37, v23;
	v35 =	vmul.f32 v35, v35;
	v37 =	vsub.f32 v30, v40;
	v39 =	vld [tilespmem:s4+$0xA670]  }
0x1ce: {  	v21 =	vadd.f32 v31, v21;
	v31 =	vmul.f32 v33, v33;
	v30 =	vsub.f32 v30, v41;
	v33 =	vld [tilespmem:s4+$0x8A00]  }
0x1cf: {  	v23 =	vadd.f32 v35, v23;
	v35 =	vmul.f32 v37, v37;
	v36 =	vsub.f32 v32, v36;
	v37 =	vld [tilespmem:s4+$0xAA00]  }
0x1d0: {  	v21 =	vadd.f32 v31, v21;
	v30 =	vmul.f32 v30, v30;
	v31 =	vsub.f32 v32, v38;
	v32 =	vld [tilespmem:s4+$0x8A10]  }
0x1d1: {  	v23 =	vadd.f32 v35, v23;
	v35 =	vmul.f32 v36, v36;
	v34 =	vsub.f32 v28, v34;
	v36 =	vld [tilespmem:s4+$0xAA10]  }
0x1d2: {  	v21 =	vadd.f32 v30, v21;
	v30 =	vmul.f32 v31, v31;
	v28 =	vsub.f32 v28, v39;
	v31 =	vld [tilespmem:s4+$0x8A20]  }
0x1d3: {  	v23 =	vadd.f32 v35, v23;
	v34 =	vmul.f32 v34, v34;
	v33 =	vsub.f32 v29, v33;
	v35 =	vld [tilespmem:s4+$0xAA20]  }
0x1d4: {  	v21 =	vadd.f32 v30, v21;
	v28 =	vmul.f32 v28, v28;
	v29 =	vsub.f32 v29, v37;
	v30 =	vld [tilespmem:s4+$0x8A30]  }
0x1d5: {  	v23 =	vadd.f32 v34, v23;
	v33 =	vmul.f32 v33, v33;
	v32 =	vsub.f32 v26, v32;
	v34 =	vld [tilespmem:s4+$0xAA30]  }
0x1d6: {  	v21 =	vadd.f32 v28, v21;
	v28 =	vmul.f32 v29, v29;
	v26 =	vsub.f32 v26, v36;
	v29 =	vld [tilespmem:s4+$0x8A40]  }
0x1d7: {  	v23 =	vadd.f32 v33, v23;
	v32 =	vmul.f32 v32, v32;
	v31 =	vsub.f32 v27, v31;
	v33 =	vld [tilespmem:s4+$0xAA40]  }
0x1d8: {  	v21 =	vadd.f32 v28, v21;
	v26 =	vmul.f32 v26, v26;
	v27 =	vsub.f32 v27, v35;
	v28 =	vld [tilespmem:s4+$0x8A50]  }
0x1d9: {  	v23 =	vadd.f32 v32, v23;
	v31 =	vmul.f32 v31, v31;
	v30 =	vsub.f32 v25, v30;
	v32 =	vld [tilespmem:s4+$0xAA50]  }
0x1da: {  	v21 =	vadd.f32 v26, v21;
	v26 =	vmul.f32 v27, v27;
	v25 =	vsub.f32 v25, v34;
	v27 =	vld [tilespmem:s4+$0x8A60]  }
0x1db: {  	v23 =	vadd.f32 v31, v23;
	v30 =	vmul.f32 v30, v30;
	v29 =	vsub.f32 v24, v29;
	v31 =	vld [tilespmem:s4+$0xAA60]  }
0x1dc: {  	v21 =	vadd.f32 v26, v21;
	v25 =	vmul.f32 v25, v25;
	v24 =	vsub.f32 v24, v33;
	v26 =	vld [tilespmem:s4+$0x8A70]  }
0x1dd: {  	v23 =	vadd.f32 v30, v23;
	v29 =	vmul.f32 v29, v29;
	v28 =	vsub.f32 v22, v28;
	v30 =	vld [tilespmem:s4+$0xAA70]  }
0x1de: {  	v21 =	vadd.f32 v25, v21;
	v24 =	vmul.f32 v24, v24;
	v22 =	vsub.f32 v22, v32;
	v25 =	vld [tilespmem:s4+$0x8E00]  }
0x1df: {  	v23 =	vadd.f32 v29, v23;
	v28 =	vmul.f32 v28, v28;
	v27 =	vsub.f32 v20, v27;
	v29 =	vld [tilespmem:s4+$0xAE00]  }
0x1e0: {  	v21 =	vadd.f32 v24, v21;
	v22 =	vmul.f32 v22, v22;
	v20 =	vsub.f32 v20, v31;
	v24 =	vld [tilespmem:s4+$0x8E10]  }
0x1e1: {  	v23 =	vadd.f32 v28, v23;
	v27 =	vmul.f32 v27, v27;
	v26 =	vsub.f32 v19, v26;
	v28 =	vld [tilespmem:s4+$0xAE10]  }
0x1e2: {  	v21 =	vadd.f32 v22, v21;
	v20 =	vmul.f32 v20, v20;
	v19 =	vsub.f32 v19, v30;
	v22 =	vld [tilespmem:s4+$0x8E20]  }
0x1e3: {  	v23 =	vadd.f32 v27, v23;
	v26 =	vmul.f32 v26, v26;
	v25 =	vsub.f32 v18, v25;
	v27 =	vld [tilespmem:s4+$0xAE20]  }
0x1e4: {  	v20 =	vadd.f32 v20, v21;
	v19 =	vmul.f32 v19, v19;
	v18 =	vsub.f32 v18, v29;
	v21 =	vld [tilespmem:s4+$0x8E30]  }
0x1e5: {  	v23 =	vadd.f32 v26, v23;
	v25 =	vmul.f32 v25, v25;
	v24 =	vsub.f32 v17, v24;
	v26 =	vld [tilespmem:s4+$0xAE30]  }
0x1e6: {  	v19 =	vadd.f32 v19, v20;
	v18 =	vmul.f32 v18, v18;
	v17 =	vsub.f32 v17, v28;
	v20 =	vld [tilespmem:s4+$0x8E40]  }
0x1e7: {  	v23 =	vadd.f32 v25, v23;
	v24 =	vmul.f32 v24, v24;
	v22 =	vsub.f32 v16, v22;
	v25 =	vld [tilespmem:s4+$0xAE40]  }
0x1e8: {  	v18 =	vadd.f32 v18, v19;
	v17 =	vmul.f32 v17, v17;
	v16 =	vsub.f32 v16, v27;
	v19 =	vld [tilespmem:s4+$0x8E50]  }
0x1e9: {  	v23 =	vadd.f32 v24, v23;
	v22 =	vmul.f32 v22, v22;
	v21 =	vsub.f32 v15, v21;
	v24 =	vld [tilespmem:s4+$0xAE50]  }
0x1ea: {  	v17 =	vadd.f32 v17, v18;
	v16 =	vmul.f32 v16, v16;
	v15 =	vsub.f32 v15, v26;
	v18 =	vld [tilespmem:s4+$0x8E60]  }
0x1eb: {  	v22 =	vadd.f32 v22, v23;
	v21 =	vmul.f32 v21, v21;
	v20 =	vsub.f32 v14, v20;
	v23 =	vld [tilespmem:s4+$0xAE60]  }
0x1ec: {  	v16 =	vadd.f32 v16, v17;
	v15 =	vmul.f32 v15, v15;
	v14 =	vsub.f32 v14, v25;
	v17 =	vld [tilespmem:s4+$0x8E70]  }
0x1ed: {  	v21 =	vadd.f32 v21, v22;
	v20 =	vmul.f32 v20, v20;
	v19 =	vsub.f32 v13, v19;
	v22 =	vld [tilespmem:s4+$0xAE70]  }
0x1ee: {  	v15 =	vadd.f32 v15, v16;
	v14 =	vmul.f32 v14, v14;
	v13 =	vsub.f32 v13, v24;
	v16 =	vld [tilespmem:s4+$0x9200]  }
0x1ef: {  	v20 =	vadd.f32 v20, v21;
	v19 =	vmul.f32 v19, v19;
	v18 =	vsub.f32 v12, v18;
	v21 =	vld [tilespmem:s4+$0xB200]  }
0x1f0: {  	v14 =	vadd.f32 v14, v15;
	v13 =	vmul.f32 v13, v13;
	v12 =	vsub.f32 v12, v23;
	v15 =	vld [tilespmem:s4+$0x9210]  }
0x1f1: {  	v19 =	vadd.f32 v19, v20;
	v18 =	vmul.f32 v18, v18;
	v17 =	vsub.f32 v11, v17;
	v20 =	vld [tilespmem:s4+$0xB210]  }
0x1f2: {  	v13 =	vadd.f32 v13, v14;
	v12 =	vmul.f32 v12, v12;
	v11 =	vsub.f32 v11, v22;
	v14 =	vld [tilespmem:s4+$0x9220]  }
0x1f3: {  	v18 =	vadd.f32 v18, v19;
	v17 =	vmul.f32 v17, v17;
	v16 =	vsub.f32 v10, v16;
	v19 =	vld [tilespmem:s4+$0xB220]  }
0x1f4: {  	v12 =	vadd.f32 v12, v13;
	v11 =	vmul.f32 v11, v11;
	v10 =	vsub.f32 v10, v21;
	v13 =	vld [tilespmem:s4+$0x9230]  }
0x1f5: {  	v17 =	vadd.f32 v17, v18;
	v16 =	vmul.f32 v16, v16;
	v15 =	vsub.f32 v9, v15;
	v18 =	vld [tilespmem:s4+$0xB230]  }
0x1f6: {  	v11 =	vadd.f32 v11, v12;
	v10 =	vmul.f32 v10, v10;
	v9 =	vsub.f32 v9, v20;
	v12 =	vld [tilespmem:s4+$0x9240]  }
0x1f7: {  	v16 =	vadd.f32 v16, v17;
	v15 =	vmul.f32 v15, v15;
	v14 =	vsub.f32 v8, v14;
	v17 =	vld [tilespmem:s4+$0xB240]  }
0x1f8: {  	v10 =	vadd.f32 v10, v11;
	v9 =	vmul.f32 v9, v9;
	v8 =	vsub.f32 v8, v19;
	v11 =	vld [tilespmem:s4+$0x9250]  }
0x1f9: {  	v15 =	vadd.f32 v15, v16;
	v14 =	vmul.f32 v14, v14;
	v13 =	vsub.f32 v7, v13;
	v16 =	vld [tilespmem:s4+$0xB250]  }
0x1fa: {  	v9 =	vadd.f32 v9, v10;
	v8 =	vmul.f32 v8, v8;
	v7 =	vsub.f32 v7, v18;
	v10 =	vld [tilespmem:s4+$0x9260]  }
0x1fb: {  	v14 =	vadd.f32 v14, v15;
	v13 =	vmul.f32 v13, v13;
	v12 =	vsub.f32 v6, v12;
	v15 =	vld [tilespmem:s4+$0xB260]  }
0x1fc: {  	v8 =	vadd.f32 v8, v9;
	v7 =	vmul.f32 v7, v7;
	v6 =	vsub.f32 v6, v17;
	v9 =	vld [tilespmem:s4+$0x9270]  }
0x1fd: {  	v13 =	vadd.f32 v13, v14;
	v12 =	vmul.f32 v12, v12;
	v11 =	vsub.f32 v5, v11;
	v14 =	vld [tilespmem:s4+$0xB270]  }
0x1fe: {  	v7 =	vadd.f32 v7, v8;
	v6 =	vmul.f32 v6, v6;
	v5 =	vsub.f32 v5, v16  }
0x1ff: {  	v8 =	vadd.f32 v12, v13;
	v11 =	vmul.f32 v11, v11;
	v10 =	vsub.f32 v4, v10  }
0x200: {  	v6 =	vadd.f32 v6, v7;
	v5 =	vmul.f32 v5, v5;
	v4 =	vsub.f32 v4, v15  }
0x201: {  	v7 =	vadd.f32 v11, v8;
	v8 =	vmul.f32 v10, v10;
	v9 =	vsub.f32 v3, v9  }
0x202: {  	v5 =	vadd.f32 v5, v6;
	v4 =	vmul.f32 v4, v4;
	v3 =	vsub.f32 v3, v14  }
0x203: {  	v6 =	vadd.f32 v8, v7;
	v7 =	vmul.f32 v9, v9  }
0x204: {  	v4 =	vadd.f32 v4, v5;
	v3 =	vmul.f32 v3, v3  }
0x205: {  	v5 =	vadd.f32 v7, v6  }
0x206: {  	s5 =	sadd.s32 $0x80, s5;
	s23 =	sadd.s32 $0x10, s23;
	v3 =	vadd.f32 v3, v4  }
0x207: {  	s22 =	sadd.s32 $0x10, s22;
	s8 =	sand.u32 $0x380, s5;
	s4 =	sand.u32 $0x1000, s6;
	[tilespmem:s23+$0x0] =	vst v5  }
0x208: {  	s4 =	sor.u32 s8, s4;
	[tilespmem:s22+$0x0] =	vst v3  }
0x209: {  	v3 =	vld [tilespmem:s4+$0x7270]  }
0x20a: {  	v4 =	vld [tilespmem:s4+$0x7260]  }
0x20b: {  	v5 =	vld [tilespmem:s4+$0x7250]  }
0x20c: {  	v6 =	vld [tilespmem:s4+$0x7240]  }
0x20d: {  	v7 =	vld [tilespmem:s4+$0x7230]  }
0x20e: {  	v8 =	vld [tilespmem:s4+$0x7220]  }
0x20f: {  	v9 =	vld [tilespmem:s4+$0x7210]  }
0x210: {  	v10 =	vld [tilespmem:s4+$0x7200]  }
0x211: {  	v11 =	vld [tilespmem:s4+$0x6E70]  }
0x212: {  	v12 =	vld [tilespmem:s4+$0x6E60]  }
0x213: {  	v13 =	vld [tilespmem:s4+$0x6E50]  }
0x214: {  	v14 =	vld [tilespmem:s4+$0x6E40]  }
0x215: {  	v15 =	vld [tilespmem:s4+$0x6E30]  }
0x216: {  	v21 =	vld [tilespmem:s4+$0xA600]  }
0x217: {  	v16 =	vld [tilespmem:s4+$0x6E20]  }
0x218: {  	v23 =	vld [tilespmem:s4+$0x8600]  }
0x219: {  	v17 =	vld [tilespmem:s4+$0x6E10]  }
0x21a: {  	v18 =	vld [tilespmem:s4+$0x6E00]  }
0x21b: {  	v19 =	vld [tilespmem:s4+$0x6A70]  }
0x21c: {  	v20 =	vld [tilespmem:s4+$0x6A60]  }
0x21d: {  	v22 =	vld [tilespmem:s4+$0x6A50]  }
0x21e: {  	v24 =	vld [tilespmem:s4+$0x6A40]  }
0x21f: {  	v25 =	vld [tilespmem:s4+$0x6A30]  }
0x220: {  	v3 =	vadd.f32 $9.999999970e-07, v3;
	v4 =	vadd.f32 $9.999999970e-07, v4;
	v27 =	vld [tilespmem:s4+$0x6A20]  }
0x221: {  	v5 =	vadd.f32 $9.999999970e-07, v5;
	v6 =	vadd.f32 $9.999999970e-07, v6;
	v26 =	vld [tilespmem:s4+$0x6A10]  }
0x222: {  	v7 =	vadd.f32 $9.999999970e-07, v7;
	v8 =	vadd.f32 $9.999999970e-07, v8;
	v29 =	vld [tilespmem:s4+$0x6A00]  }
0x223: {  	v9 =	vadd.f32 $9.999999970e-07, v9;
	v10 =	vadd.f32 $9.999999970e-07, v10;
	v28 =	vld [tilespmem:s4+$0x6670]  }
.Ltmp3:
0x224: {  	v11 =	vadd.f32 $9.999999970e-07, v11;
	v12 =	vadd.f32 $9.999999970e-07, v12;
	v32 =	vld [tilespmem:s4+$0x6660];
	(pc) =	sbr.rel @p1 .LBB2_5-.Ltmp3, $4  }
0x225: {  	v13 =	vadd.f32 $9.999999970e-07, v13;
	v14 =	vadd.f32 $9.999999970e-07, v14;
	v30 =	vld [tilespmem:s4+$0x6650]  }
0x226: {  	v15 =	vadd.f32 $9.999999970e-07, v15;
	v16 =	vadd.f32 $9.999999970e-07, v16;
	v33 =	vld [tilespmem:s4+$0x6640]  }
0x227: {  	v17 =	vadd.f32 $9.999999970e-07, v17;
	v18 =	vadd.f32 $9.999999970e-07, v18;
	v31 =	vld [tilespmem:s4+$0x6630]  }
0x228: {  	s6 =	sadd.s32 $0x200, s6;
	v19 =	vadd.f32 $9.999999970e-07, v19;
	v20 =	vadd.f32 $9.999999970e-07, v20;
	v34 =	vld [tilespmem:s4+$0x6600]  }
0x229: {  	v35 =	vld [tilespmem:s4+$0x6610];
	v24 =	vadd.f32 $9.999999970e-07, v24;
	v22 =	vadd.f32 $9.999999970e-07, v22  }
0x22a: {  	v36 =	vld [tilespmem:s4+$0x6620];
	v27 =	vadd.f32 $9.999999970e-07, v27;
	v25 =	vadd.f32 $9.999999970e-07, v25  }
0x22b: {  	v37 =	vld [tilespmem:s4+$0x8610];
	v29 =	vadd.f32 $9.999999970e-07, v29;
	v26 =	vadd.f32 $9.999999970e-07, v26  }
0x22c: {  	v38 =	vld [tilespmem:s4+$0xA610];
	v32 =	vadd.f32 $9.999999970e-07, v32;
	v28 =	vadd.f32 $9.999999970e-07, v28  }
0x22d: {  	v39 =	vld [tilespmem:s4+$0x8620];
	v30 =	vadd.f32 $9.999999970e-07, v30;
	v33 =	vadd.f32 $9.999999970e-07, v33  }
0x22e: {  	v40 =	vld [tilespmem:s4+$0xA620];
	v34 =	vadd.f32 $9.999999970e-07, v34;
	v35 =	vadd.f32 $9.999999970e-07, v35  }
0x22f: {  	v41 =	vld [tilespmem:s4+$0x8630];
	v31 =	vadd.f32 $9.999999970e-07, v31;
	v36 =	vadd.f32 $9.999999970e-07, v36  }
0x230: {  	v42 =	vld [tilespmem:s4+$0xA630];
	v23 =	vsub.f32 v34, v23;
	v37 =	vsub.f32 v35, v37  }
0x231: {  	v57 =	vld [tilespmem:s4+$0x8640];
	v21 =	vsub.f32 v34, v21;
	v56 =	vsub.f32 v35, v38  }
0x232: {  	v59 =	vld [tilespmem:s4+$0xA640];
	v58 =	vsub.f32 v36, v39;
	v23 =	vmul.f32 v23, v23;
	v37 =	vmul.f32 v37, v37  }
0x233: {  	v60 =	vld [tilespmem:s4+$0x8650];
	v36 =	vsub.f32 v36, v40;
	v21 =	vmul.f32 v21, v21;
	v34 =	vmul.f32 v56, v56  }
0x234: {  	v63 =	vld [tilespmem:s4+$0xA650];
	v62 =	vsub.f32 v31, v41;
	v61 =	vmul.f32 v58, v58;
	v23 =	vadd.f32 v37, v23  }
0x235: {  	v45 =	vld [tilespmem:s4+$0x8660];
	v31 =	vsub.f32 v31, v42;
	v44 =	vmul.f32 v36, v36;
	v21 =	vadd.f32 v34, v21  }
0x236: {  	v47 =	vld [tilespmem:s4+$0xA660];
	v46 =	vmul.f32 v62, v62;
	v35 =	vsub.f32 v33, v57;
	v23 =	vadd.f32 v61, v23  }
0x237: {  	v48 =	vld [tilespmem:s4+$0x8670];
	v31 =	vmul.f32 v31, v31;
	v33 =	vsub.f32 v33, v59;
	v21 =	vadd.f32 v44, v21  }
0x238: {  	v50 =	vld [tilespmem:s4+$0xA670];
	v49 =	vsub.f32 v30, v60;
	v35 =	vmul.f32 v35, v35;
	v23 =	vadd.f32 v46, v23  }
0x239: {  	v52 =	vld [tilespmem:s4+$0x8A00];
	v30 =	vsub.f32 v30, v63;
	v51 =	vmul.f32 v33, v33;
	v21 =	vadd.f32 v31, v21  }
0x23a: {  	v54 =	vld [tilespmem:s4+$0xAA00];
	v53 =	vmul.f32 v49, v49;
	v36 =	vsub.f32 v32, v45;
	v23 =	vadd.f32 v35, v23  }
0x23b: {  	v55 =	vsub.f32 v32, v47;
	v30 =	vmul.f32 v30, v30;
	v56 =	vld [tilespmem:s4+$0x8A10];
	v21 =	vadd.f32 v51, v21  }
0x23c: {  	v58 =	vld [tilespmem:s4+$0xAA10];
	v57 =	vmul.f32 v36, v36;
	v34 =	vsub.f32 v28, v48;
	v23 =	vadd.f32 v53, v23  }
0x23d: {  	v60 =	vld [tilespmem:s4+$0x8A20];
	v59 =	vmul.f32 v55, v55;
	v28 =	vsub.f32 v28, v50;
	v21 =	vadd.f32 v30, v21  }
0x23e: {  	v33 =	vsub.f32 v29, v52;
	v34 =	vmul.f32 v34, v34;
	v61 =	vld [tilespmem:s4+$0xAA20];
	v23 =	vadd.f32 v57, v23  }
0x23f: {  	v62 =	vld [tilespmem:s4+$0x8A30];
	v29 =	vsub.f32 v29, v54;
	v28 =	vmul.f32 v28, v28;
	v21 =	vadd.f32 v59, v21  }
0x240: {  	v63 =	vld [tilespmem:s4+$0xAA30];
	v33 =	vmul.f32 v33, v33;
	v32 =	vsub.f32 v26, v56;
	v23 =	vadd.f32 v34, v23  }
0x241: {  	v38 =	vld [tilespmem:s4+$0x8A40];
	v37 =	vmul.f32 v29, v29;
	v26 =	vsub.f32 v26, v58;
	v21 =	vadd.f32 v28, v21  }
0x242: {  	v39 =	vld [tilespmem:s4+$0xAA40];
	v31 =	vsub.f32 v27, v60;
	v32 =	vmul.f32 v32, v32;
	v23 =	vadd.f32 v33, v23  }
0x243: {  	v40 =	vld [tilespmem:s4+$0x8A50];
	v26 =	vmul.f32 v26, v26;
	v27 =	vsub.f32 v27, v61;
	v21 =	vadd.f32 v37, v21  }
0x244: {  	v41 =	vld [tilespmem:s4+$0xAA50];
	v31 =	vmul.f32 v31, v31;
	v30 =	vsub.f32 v25, v62;
	v23 =	vadd.f32 v32, v23  }
0x245: {  	v43 =	vld [tilespmem:s4+$0x8A60];
	v25 =	vsub.f32 v25, v63;
	v42 =	vmul.f32 v27, v27;
	v21 =	vadd.f32 v26, v21  }
0x246: {  	v29 =	vsub.f32 v24, v38;
	v44 =	vld [tilespmem:s4+$0xAA60];
	v30 =	vmul.f32 v30, v30;
	v23 =	vadd.f32 v31, v23  }
0x247: {  	v45 =	vld [tilespmem:s4+$0x8A70];
	v24 =	vsub.f32 v24, v39;
	v25 =	vmul.f32 v25, v25;
	v21 =	vadd.f32 v42, v21  }
0x248: {  	v29 =	vmul.f32 v29, v29;
	v46 =	vld [tilespmem:s4+$0xAA70];
	v28 =	vsub.f32 v22, v40;
	v23 =	vadd.f32 v30, v23  }
0x249: {  	v47 =	vld [tilespmem:s4+$0x8E00];
	v24 =	vmul.f32 v24, v24;
	v22 =	vsub.f32 v22, v41;
	v21 =	vadd.f32 v25, v21  }
0x24a: {  	v48 =	vld [tilespmem:s4+$0xAE00];
	v27 =	vsub.f32 v20, v43;
	v28 =	vmul.f32 v28, v28;
	v23 =	vadd.f32 v29, v23  }
0x24b: {  	v50 =	vld [tilespmem:s4+$0x8E10];
	v49 =	vsub.f32 v20, v44;
	v22 =	vmul.f32 v22, v22;
	v21 =	vadd.f32 v24, v21  }
0x24c: {  	v51 =	vld [tilespmem:s4+$0xAE10];
	v27 =	vmul.f32 v27, v27;
	v26 =	vsub.f32 v19, v45;
	v23 =	vadd.f32 v28, v23  }
0x24d: {  	v53 =	vld [tilespmem:s4+$0x8E20];
	v20 =	vmul.f32 v49, v49;
	v52 =	vsub.f32 v19, v46;
	v21 =	vadd.f32 v22, v21  }
0x24e: {  	v54 =	vld [tilespmem:s4+$0xAE20];
	v26 =	vmul.f32 v26, v26;
	v25 =	vsub.f32 v18, v47;
	v23 =	vadd.f32 v27, v23  }
0x24f: {  	v56 =	vld [tilespmem:s4+$0x8E30];
	v55 =	vsub.f32 v18, v48;
	v19 =	vmul.f32 v52, v52;
	v20 =	vadd.f32 v20, v21  }
0x250: {  	v57 =	vld [tilespmem:s4+$0xAE30];
	v25 =	vmul.f32 v25, v25;
	v24 =	vsub.f32 v17, v50;
	v23 =	vadd.f32 v26, v23  }
0x251: {  	v59 =	vld [tilespmem:s4+$0x8E40];
	v58 =	vsub.f32 v17, v51;
	v18 =	vmul.f32 v55, v55;
	v19 =	vadd.f32 v19, v20  }
0x252: {  	v60 =	vld [tilespmem:s4+$0xAE40];
	v24 =	vmul.f32 v24, v24;
	v22 =	vsub.f32 v16, v53;
	v23 =	vadd.f32 v25, v23  }
0x253: {  	v61 =	vsub.f32 v16, v54;
	v62 =	vld [tilespmem:s4+$0x8E50];
	v17 =	vmul.f32 v58, v58;
	v18 =	vadd.f32 v18, v19  }
0x254: {  	v63 =	vld [tilespmem:s4+$0xAE50];
	v22 =	vmul.f32 v22, v22;
	v21 =	vsub.f32 v15, v56;
	v23 =	vadd.f32 v24, v23  }
0x255: {  	v16 =	vmul.f32 v61, v61;
	v27 =	vld [tilespmem:s4+$0x8E60];
	v26 =	vsub.f32 v15, v57;
	v17 =	vadd.f32 v17, v18  }
0x256: {  	v28 =	vld [tilespmem:s4+$0xAE60];
	v21 =	vmul.f32 v21, v21;
	v20 =	vsub.f32 v14, v59;
	v22 =	vadd.f32 v22, v23  }
0x257: {  	v30 =	vld [tilespmem:s4+$0x8E70];
	v29 =	vsub.f32 v14, v60;
	v15 =	vmul.f32 v26, v26;
	v16 =	vadd.f32 v16, v17  }
0x258: {  	v31 =	vld [tilespmem:s4+$0xAE70];
	v20 =	vmul.f32 v20, v20;
	v19 =	vsub.f32 v13, v62;
	v21 =	vadd.f32 v21, v22  }
0x259: {  	v33 =	vld [tilespmem:s4+$0x9200];
	v32 =	vsub.f32 v13, v63;
	v14 =	vmul.f32 v29, v29;
	v15 =	vadd.f32 v15, v16  }
0x25a: {  	v34 =	vld [tilespmem:s4+$0xB200];
	v19 =	vmul.f32 v19, v19;
	v18 =	vsub.f32 v12, v27;
	v20 =	vadd.f32 v20, v21  }
0x25b: {  	v36 =	vld [tilespmem:s4+$0x9210];
	v35 =	vsub.f32 v12, v28;
	v13 =	vmul.f32 v32, v32;
	v14 =	vadd.f32 v14, v15  }
0x25c: {  	v37 =	vld [tilespmem:s4+$0xB210];
	v18 =	vmul.f32 v18, v18;
	v17 =	vsub.f32 v11, v30;
	v19 =	vadd.f32 v19, v20  }
0x25d: {  	v39 =	vld [tilespmem:s4+$0x9220];
	v38 =	vsub.f32 v11, v31;
	v12 =	vmul.f32 v35, v35;
	v13 =	vadd.f32 v13, v14  }
0x25e: {  	v40 =	vld [tilespmem:s4+$0xB220];
	v17 =	vmul.f32 v17, v17;
	v16 =	vsub.f32 v10, v33;
	v18 =	vadd.f32 v18, v19  }
0x25f: {  	v41 =	vsub.f32 v10, v34;
	v42 =	vld [tilespmem:s4+$0x9230];
	v11 =	vmul.f32 v38, v38;
	v12 =	vadd.f32 v12, v13  }
0x260: {  	v43 =	vld [tilespmem:s4+$0xB230];
	v16 =	vmul.f32 v16, v16;
	v15 =	vsub.f32 v9, v36;
	v17 =	vadd.f32 v17, v18  }
0x261: {  	v45 =	vld [tilespmem:s4+$0x9240];
	v44 =	vsub.f32 v9, v37;
	v10 =	vmul.f32 v41, v41;
	v11 =	vadd.f32 v11, v12  }
0x262: {  	v46 =	vld [tilespmem:s4+$0xB240];
	v15 =	vmul.f32 v15, v15;
	v14 =	vsub.f32 v8, v39;
	v16 =	vadd.f32 v16, v17  }
0x263: {  	v48 =	vld [tilespmem:s4+$0x9250];
	v47 =	vsub.f32 v8, v40;
	v9 =	vmul.f32 v44, v44;
	v10 =	vadd.f32 v10, v11  }
0x264: {  	v49 =	vld [tilespmem:s4+$0xB250];
	v14 =	vmul.f32 v14, v14;
	v13 =	vsub.f32 v7, v42;
	v15 =	vadd.f32 v15, v16  }
0x265: {  	v51 =	vld [tilespmem:s4+$0x9260];
	v50 =	vsub.f32 v7, v43;
	v8 =	vmul.f32 v47, v47;
	v9 =	vadd.f32 v9, v10  }
0x266: {  	v52 =	vld [tilespmem:s4+$0xB260];
	v13 =	vmul.f32 v13, v13;
	v12 =	vsub.f32 v6, v45;
	v14 =	vadd.f32 v14, v15  }
0x267: {  	v54 =	vld [tilespmem:s4+$0x9270];
	v53 =	vsub.f32 v6, v46;
	v7 =	vmul.f32 v50, v50;
	v8 =	vadd.f32 v8, v9  }
0x268: {  	v55 =	vld [tilespmem:s4+$0xB270];
	v12 =	vmul.f32 v12, v12;
	v11 =	vsub.f32 v5, v48;
	v13 =	vadd.f32 v13, v14  }
0x269: {  	v56 =	vsub.f32 v5, v49;
	v6 =	vmul.f32 v53, v53;
	v7 =	vadd.f32 v7, v8  }
0x26a: {  	v11 =	vmul.f32 v11, v11;
	v10 =	vsub.f32 v4, v51;
	v57 =	vadd.f32 v12, v13  }
0x26b: {  	v58 =	vsub.f32 v4, v52;
	v5 =	vmul.f32 v56, v56;
	v6 =	vadd.f32 v6, v7  }
0x26c: {  	v60 =	vmul.f32 v10, v10;
	v9 =	vsub.f32 v3, v54;
	v59 =	vadd.f32 v11, v57  }
0x26d: {  	v4 =	vmul.f32 v58, v58;
	v3 =	vsub.f32 v3, v55;
	v5 =	vadd.f32 v5, v6  }
0x26e: {  	v62 =	vmul.f32 v9, v9;
	v61 =	vadd.f32 v60, v59  }
.Ltmp4:
0x26f: {  	v3 =	vmul.f32 v3, v3;
	v4 =	vadd.f32 v4, v5;
	(pc) =	sbr.rel @p0 .LBB2_8-.Ltmp4, $4  }
0x270: {  	v63 =	vadd.f32 v62, v61  }
0x271: {  	s8 =	sadd.s32 $0x10, s23;
	v3 =	vadd.f32 v3, v4  }
0x272: {  	s23 =	sadd.s32 $0x10, s22;
	[tilespmem:s8+$0x0] =	vst v63  }
0x273: {  	[tilespmem:s23+$0x0] =	vst v3  }
0x274: {  	v3 =	vld [tilespmem:s25+$0x30];
	_ =	sdelay $0x4  }
0x275: {  	v4 =	vshll.u32 v3, $0x2  }
0x276: {  	v3 =	vand.u32 $0x7, v3;
	v4 =	vand.u32 $0xFFFFFFE0, v4  }
0x277: {  	v3 =	vor.u32 v3, v4  }
0x278: {  	v4 =	vperm.xlane v3, v0;
	_ =	sdelay $0x1  }
0x279: {  	v4 =	vadd.s32 v1, v4;
	_ =	sdelay $0x1  }
0x27a: {  	v3 =	vperm.xlane v3, v2;
	_ =	sdelay $0x1  }
0x27b: {  	v3 =	vadd.s32 v1, v3  }
0x27c: {  	[tilespmem:s26], [sflag:$0x2] =	stream.indirect_vreg.gather [hbm4b:s1+s3], $0x80, v4, vm0, $0xb8;
	[tilespmem:$0x10600] =	vst v63  }
0x27d: {  	_ = 	snop  }
0x27e: {  	[tilespmem:s28], [sflag:$0x2] =	stream.indirect_vreg.gather [hbm4b:s7+s3], $0x80, v4, vm0, $0xb8;
	[tilespmem:$0x10600] =	vst v63  }
0x27f: {  	_ = 	snop  }
0x280: {  	[tilespmem:s29], [sflag:$0x2] =	stream.indirect_vreg.gather [hbm4b:s1+s3], $0x80, v3, vm0, $0xb8;
	[tilespmem:$0x10600] =	vst v63  }
0x281: {  	_ = 	snop  }
0x282: {  	[tilespmem:s30], [sflag:$0x2] =	stream.indirect_vreg.gather [hbm4b:s7+s3], $0x80, v3, vm0, $0xb8;
	[tilespmem:$0x10600] =	vst v63  }
0x283: {  	v3 =	vld [tilespmem:s25+$0x230];
	_ =	sdelay $0x4  }
0x284: {  	v62 =	vshll.u32 v3, $0x2  }
0x285: {  	v3 =	vand.u32 $0x7, v3;
	v4 =	vand.u32 $0xFFFFFFE0, v62  }
0x286: {  	v3 =	vor.u32 v3, v4  }
0x287: {  	v4 =	vperm.xlane v3, v0;
	_ =	sdelay $0x1  }
0x288: {  	v4 =	vadd.s32 v1, v4;
	_ =	sdelay $0x1  }
0x289: {  	v3 =	vperm.xlane v3, v2;
	_ =	sdelay $0x1  }
0x28a: {  	v3 =	vadd.s32 v1, v3  }
0x28b: {  	[tilespmem:s31], [sflag:$0x2] =	stream.indirect_vreg.gather [hbm4b:s1+s3], $0x80, v4, vm0, $0xb8;
	[tilespmem:$0x10600] =	vst v63  }
0x28c: {  	_ = 	snop  }
0x28d: {  	[tilespmem:s0], [sflag:$0x2] =	stream.indirect_vreg.gather [hbm4b:s7+s3], $0x80, v4, vm0, $0xb8;
	[tilespmem:$0x10600] =	vst v63  }
0x28e: {  	_ = 	snop  }
0x28f: {  	[tilespmem:s2], [sflag:$0x2] =	stream.indirect_vreg.gather [hbm4b:s1+s3], $0x80, v3, vm0, $0xb8;
	[tilespmem:$0x10600] =	vst v63  }
0x290: {  	_ = 	snop  }
0x291: {  	[tilespmem:s12], [sflag:$0x2] =	stream.indirect_vreg.gather [hbm4b:s7+s3], $0x80, v3, vm0, $0xb8;
	[tilespmem:$0x10600] =	vst v63  }
0x292: {  	v3 =	vld [tilespmem:s25+$0x430];
	_ =	sdelay $0x4  }
0x293: {  	v63 =	vshll.u32 v3, $0x2  }
0x294: {  	v3 =	vand.u32 $0x7, v3;
	v4 =	vand.u32 $0xFFFFFFE0, v63  }
0x295: {  	v3 =	vor.u32 v3, v4  }
0x296: {  	v4 =	vperm.xlane v3, v0;
	_ =	sdelay $0x1  }
0x297: {  	v4 =	vadd.s32 v1, v4;
	_ =	sdelay $0x2  }
0x298: {  	v3 =	vperm.xlane v3, v2;
	_ =	sdelay $0x1  }
0x299: {  	v3 =	vadd.s32 v1, v3;
	[tilespmem:s13], [sflag:$0x2] =	stream.indirect_vreg.gather [hbm4b:s1+s3], $0x80, v4, vm0, $0xb8;
	[tilespmem:$0x10600] =	vst v63  }
0x29a: {  	_ = 	snop  }
0x29b: {  	[tilespmem:s14], [sflag:$0x2] =	stream.indirect_vreg.gather [hbm4b:s7+s3], $0x80, v4, vm0, $0xb8;
	[tilespmem:$0x10600] =	vst v63  }
.Ltmp5:
0x29c: {  	_ = 	snop;
	(pc) =	sbr.rel .LBB2_2-.Ltmp5, $4  }
0x29d: {  	_ = 	snop  }
0x29e: {  	[tilespmem:s15], [sflag:$0x2] =	stream.indirect_vreg.gather [hbm4b:s1+s3], $0x80, v3, vm0, $0xb8;
	[tilespmem:$0x10600] =	vst v63  }
0x29f: {  	s24 =	sadd.s32 $0x1, s24;
	s19 =	sadd.s32 $0x200, s19;
	s20 =	sadd.s32 $0x200, s20  }
0x2a0: {  	[tilespmem:s16], [sflag:$0x2] =	stream.indirect_vreg.gather [hbm4b:s7+s3], $0x80, v3, vm0, $0xb8;
	[tilespmem:$0x10600] =	vst v63  }
.LBB2_9:
0x2a1: {  	_ =	sfence.sel $0x180000  }
0x2a2: {  	[bflag:$0x0] =	sbarrier.arrive $0xFFFF  }
0x2a3: {  	_ =	strace $0x90000047  }
0x2a4: {  	s0 =	stileid.u32;
	[bflag:$0x2] =	sbarrier.arrive $0xFFFF  }
0x2a5: {  	p0 =	sne.s32 s0, $0x0;
	s0 =	rddreg [dreg:$0x5]  }
0x2a6: {  	s0 =	sadd.s32 @!p0 $0x100000, s0  }
0x2a7: {  	[sflag:s0] =	ssyncadd.tile.s32 @!p0 $0x1;
	_ =	shalt  }
.Lfunc_end2:
_tile_overlayer_lowered:
.L_overlay_start_2:
0x2a8: {  	(tag) =	ssettag $0x2  }
0x2a9: {  	s0 =	rddreg [dreg:$0x0];
	s2 =	stileid.u32  }
0x2aa: {  	s1 =	rddreg [dreg:$0x1];
	p0 =	sne.s32 s2, $0x0  }
0x2ab: {  	s3 =	rddreg [dreg:$0x2];
	[bflag:$0x3] =	sbarrier.arrive $0xFFFF;
	s2 =	simm.s32 @!p0 $0x1C03  }
0x2ac: {  	[timem:s3], [sflag:s2] =	dma.local @!p0 [hbm:s0], s1  }
0x2ad: {  	s0 =	simm.s32 @!p0 $0x3  }
0x2ae: {  	_ =	swait.ge @!p0 [sflag:s0], s1  }
0x2af: {  	s1 =	ssub.s32 @!p0 $0x0, s1;
	[sflag:s0] =	ssyncset.done @!p0 $0x0  }
0x2b0: {  	[sflag:s0] =	ssyncadd.s32 @!p0 s1  }
0x2b1: {  	[bflag:$0x3] =	sbarrier.arrive $0xFFFF  }
0x2b2: {  	_ =	shalt  }

</sc_bundles>
